<compile_context>
chip_gen: v7x
topology: tpu7x:2x2x1
jax: 0.10.2.dev20260603
libtpu: 0.0.44.dev20260713+nightly
codegen_flags: <defaults>
</compile_context>

<pallas_src>
import functools

import jax
import jax.numpy as jnp
from jax import lax
from jax.experimental import pallas as pl
from jax.experimental.pallas import tpu as pltpu
from jax.experimental.pallas import tpu_sc as plsc

E = 128

_NC, _NS = 2, 16
_NW = _NC * _NS

_CH = 128
_RB = 800
_UB = 128


def _precompute_body(im_ref, imf_ref, w0i_ref, b0_ref, c_ref):
    t = jnp.dot(im_ref[:], w0i_ref[:], preferred_element_type=jnp.float32)
    t = t + b0_ref[:]
    tb = (lax.bitcast_convert_type(t, jnp.uint32) + jnp.uint32(0x8000)) \
        & jnp.uint32(0xFFFF0000)
    mb = (lax.bitcast_convert_type(imf_ref[:], jnp.uint32)
          + jnp.uint32(0x8000)) >> 16
    c_ref[:] = lax.bitcast_convert_type(tb | mb, jnp.int32)


def _build_c(item_mlp, item_mf, w0i, b0):
    i_rows = item_mlp.shape[0]
    grid = i_rows // _RB
    return pl.pallas_call(
        _precompute_body,
        grid=(grid,),
        in_specs=[
            pl.BlockSpec((_RB, E), lambda i: (i, 0)),
            pl.BlockSpec((_RB, E), lambda i: (i, 0)),
            pl.BlockSpec((E, E), lambda i: (0, 0)),
            pl.BlockSpec((1, E), lambda i: (0, 0)),
        ],
        out_specs=pl.BlockSpec((_RB, E), lambda i: (i, 0)),
        out_shape=jax.ShapeDtypeStruct((i_rows, E), jnp.int32),
    )(item_mlp, item_mf, w0i, b0.reshape(1, E))


def _sc_user_body(upw, uid_hbm, umlp_hbm, umf_hbm, uemlp_out, uemf_out,
                  uidb, urows, semu):
    wid = lax.axis_index("s") * _NC + lax.axis_index("c")
    ubase = wid * upw
    pltpu.sync_copy(uid_hbm.at[pl.ds(ubase, upw)], uidb)
    pltpu.async_copy(umlp_hbm.at[uidb], urows, semu).wait()
    pltpu.sync_copy(urows, uemlp_out.at[pl.ds(ubase, upw)])
    pltpu.async_copy(umf_hbm.at[uidb], urows, semu).wait()
    pltpu.sync_copy(urows, uemf_out.at[pl.ds(ubase, upw)])


def _sc_user_gather(uid, user_mlp, user_mf):
    b = uid.shape[0]
    upw = b // _NW
    mesh = plsc.VectorSubcoreMesh(core_axis_name="c", subcore_axis_name="s")
    return pl.kernel(
        functools.partial(_sc_user_body, upw),
        out_type=[
            jax.ShapeDtypeStruct((b, E), jnp.float32),
            jax.ShapeDtypeStruct((b, E), jnp.float32),
        ],
        mesh=mesh,
        scratch_types=[
            pltpu.VMEM((upw,), jnp.int32),
            pltpu.VMEM((upw, E), jnp.float32),
            pltpu.SemaphoreType.DMA,
        ],
    )(uid, user_mlp, user_mf)


def _sc_token_body(tok, nch,
                   idx_hbm, c_hbm, g_out,
                   idxall, rows0, rows1,
                   semg0, semg1, sems0, sems1):
    wid = lax.axis_index("s") * _NC + lax.axis_index("c")
    tbase = wid * (tok // _NW)
    pltpu.sync_copy(idx_hbm.at[wid], idxall)
    bufs = ((rows0, semg0, sems0), (rows1, semg1, sems1))

    def g_copy(c, rbuf, sem):
        return pltpu.make_async_copy(c_hbm.at[idxall.at[c]], rbuf, sem)

    def s_copy(c, rbuf, sem):
        dst = g_out.at[pl.ds(tbase + c * _CH, _CH)]
        return pltpu.make_async_copy(rbuf, dst, sem)

    g_copy(0, rows0, semg0).start()

    def body(i, carry):
        cbase = i * 2
        for bsel in range(2):
            c = cbase + bsel
            rcur, gcur, scur = bufs[bsel]
            rnxt, gnxt, snxt = bufs[1 - bsel]

            @pl.when(c + 1 < nch)
            def _():
                @pl.when(c >= 1)
                def _():
                    s_copy(c - 1, rnxt, snxt).wait()

                g_copy(c + 1, rnxt, gnxt).start()

            g_copy(c, rcur, gcur).wait()
            s_copy(c, rcur, scur).start()
        return carry

    lax.fori_loop(0, nch // 2, body, 0)
    if nch % 2 == 1:
        rcur, gcur, scur = bufs[(nch - 1) % 2]
        g_copy(nch - 1, rcur, gcur).wait()
        s_copy(nch - 1, rcur, scur).start()
    s_copy(nch - 2, bufs[(nch - 2) % 2][0], bufs[(nch - 2) % 2][2]).wait()
    s_copy(nch - 1, bufs[(nch - 1) % 2][0], bufs[(nch - 1) % 2][2]).wait()


def _sc_token_gather(idx3, c):
    nw, nch, ch = idx3.shape
    tok = nw * nch * ch
    mesh = plsc.VectorSubcoreMesh(core_axis_name="c", subcore_axis_name="s")
    return pl.kernel(
        functools.partial(_sc_token_body, tok, nch),
        out_type=jax.ShapeDtypeStruct((tok, E), jnp.int32),
        mesh=mesh,
        scratch_types=[
            pltpu.VMEM((nch, _CH), jnp.int32),
            pltpu.VMEM((_CH, E), jnp.int32),
            pltpu.VMEM((_CH, E), jnp.int32),
            pltpu.SemaphoreType.DMA,
            pltpu.SemaphoreType.DMA,
            pltpu.SemaphoreType.DMA,
            pltpu.SemaphoreType.DMA,
        ],
    )(idx3, c)


def _mlp_body(tb, g_ref, ue_ref, uemf_ref, w0u_ref, w1_ref, b1_ref,
              w2_ref, b2_ref, woutr_ref, bout_ref, out_ref):
    f32 = jnp.float32
    per_u = tb // _UB
    rowu = lax.broadcasted_iota(jnp.int32, (tb, _UB), 0) // per_u
    colu = lax.broadcasted_iota(jnp.int32, (tb, _UB), 1)
    eb = (rowu == colu).astype(f32)

    a = jnp.dot(ue_ref[:], w0u_ref[:], preferred_element_type=f32)
    up = uemf_ref[:] * woutr_ref[1:2, :]
    a_tok = jnp.dot(eb, a, preferred_element_type=f32)
    up_tok = jnp.dot(eb, up, preferred_element_type=f32)

    gu = lax.bitcast_convert_type(g_ref[:], jnp.uint32)
    gt = lax.bitcast_convert_type(gu & jnp.uint32(0xFFFF0000), f32)
    gm = lax.bitcast_convert_type(gu << 16, f32)
    h = jnp.maximum(gt + a_tok, 0.0)
    h = jnp.maximum(
        jnp.dot(h.astype(jnp.bfloat16), w1_ref[:],
                preferred_element_type=f32) + b1_ref[:], 0.0)
    h = jnp.maximum(
        jnp.dot(h.astype(jnp.bfloat16), w2_ref[:],
                preferred_element_type=f32) + b2_ref[:], 0.0)
    dn = (((1,), (1,)), ((), ()))
    lh = lax.dot_general(woutr_ref[0:1, :], h, dn,
                         preferred_element_type=f32)
    ones_row = jnp.ones((1, E), f32)
    lmf = lax.dot_general(ones_row, gm * up_tok, dn,
                          preferred_element_type=f32)
    out_ref[:] = (lh + lmf + bout_ref[0, 0])[None]


def _mlp(g, uemlp, uemf, w0u, w1, b1, w2, b2, woutr, bout, nusers, ublk0):
    tok = g.shape[0]
    tb = tok // (nusers // _UB)
    grid = nusers // _UB
    return pl.pallas_call(
        functools.partial(_mlp_body, tb),
        grid=(grid,),
        in_specs=[
            pl.BlockSpec((tb, E), lambda i: (i, 0)),
            pl.BlockSpec((_UB, E), lambda i, u0=ublk0: (u0 + i, 0)),
            pl.BlockSpec((_UB, E), lambda i, u0=ublk0: (u0 + i, 0)),
            pl.BlockSpec((E, E), lambda i: (0, 0)),
            pl.BlockSpec((E, E), lambda i: (0, 0)),
            pl.BlockSpec((1, E), lambda i: (0, 0)),
            pl.BlockSpec((E, E), lambda i: (0, 0)),
            pl.BlockSpec((1, E), lambda i: (0, 0)),
            pl.BlockSpec((2, E), lambda i: (0, 0)),
            pl.BlockSpec((1, 1), lambda i: (0, 0)),
        ],
        out_specs=pl.BlockSpec((1, 1, tb), lambda i: (i, 0, 0)),
        out_shape=jax.ShapeDtypeStruct((grid, 1, tb), jnp.float32),
    )(g, uemlp, uemf, w0u, w1, b1, w2, b2, woutr, bout)


def kernel(uid, seq, pos, neg, nbr, nbr_iid, user_mlp, item_mlp, user_mf,
           item_mf, W0, b0, W1, b1, W2, b2, Wout, bout):
    del seq, nbr, nbr_iid
    b_sz, l_sz = pos.shape

    w0u = W0[:E, :]
    w0i = W0[E:, :]
    woutr = Wout.reshape(2, E)

    uemlp, uemf = _sc_user_gather(uid.astype(jnp.int32), user_mlp, user_mf)
    c = _build_c(item_mlp, item_mf, w0i, b0)

    nphase = 4
    tok = 2 * b_sz * l_sz
    tokp = tok // nphase
    nch = tokp // (_NW * _CH)
    all_idx = jnp.concatenate([pos, neg], axis=1).reshape(-1).astype(jnp.int32)
    idx4 = all_idx.reshape(nphase, _NW, nch, _CH)

    w1b = W1.astype(jnp.bfloat16)
    w2b = W2.astype(jnp.bfloat16)
    nusers_p = b_sz // nphase
    parts = []
    for p in range(nphase):
        g_p = _sc_token_gather(idx4[p], c)
        parts.append(_mlp(g_p, uemlp, uemf, w0u, w1b, b1.reshape(1, E),
                          w2b, b2.reshape(1, E), woutr, bout.reshape(1, 1),
                          nusers_p, p * (nusers_p // _UB)))

    logits = jnp.concatenate(parts, axis=0)
    out2 = logits.reshape(b_sz, 2 * l_sz)
    pos_logits = out2[:, :l_sz, None]
    neg_logits = out2[:, l_sz:, None]
    return (pos_logits, neg_logits)

# --- scband reference (transcript-rebuilt; emitter-appended) ---
"""Pipeline reference for scband-neu-mf-15229954032248 (READ-ONLY COPY).

The authoritative reference and input builder live on the scoring server;
editing this copy changes nothing except your own understanding.
"""

import jax, jax.numpy as jnp
import numpy as np

U = 100000
I = 100000
E = 128
B = 4096
L = 50


def setup_inputs(seed: int = 0) -> dict:
    key = jax.random.key(seed)
    ks = jax.random.split(key, 20)
    inp = {}
    inp["uid"] = jax.random.randint(ks[0], (B,), 0, U)
    inp["seq"] = jax.random.randint(ks[1], (B, L), 0, I)
    inp["pos"] = jax.random.randint(ks[2], (B, L), 0, I)
    inp["neg"] = jax.random.randint(ks[3], (B, L), 0, I)
    inp["nbr"] = jax.random.randint(ks[4], (B, 20), 0, U)
    inp["nbr_iid"] = jax.random.randint(ks[5], (B, 20), 0, I)
    inp["user_mlp"] = jax.random.uniform(ks[6], (U, E), minval=-0.5 / U, maxval=0.5 / U, dtype=jnp.float32)
    inp["item_mlp"] = jax.random.uniform(ks[7], (I, E), minval=-0.5 / I, maxval=0.5 / I, dtype=jnp.float32)
    inp["user_mf"] = jax.random.uniform(ks[8], (U, E), minval=-0.5 / U, maxval=0.5 / U, dtype=jnp.float32)
    inp["item_mf"] = jax.random.uniform(ks[9], (I, E), minval=-0.5 / I, maxval=0.5 / I, dtype=jnp.float32)
    inp["W0"] = jax.random.normal(ks[10], (2 * E, E), dtype=jnp.float32) * 0.05
    inp["b0"] = jnp.zeros((E,), dtype=jnp.float32)
    inp["W1"] = jax.random.normal(ks[11], (E, E), dtype=jnp.float32) * 0.05
    inp["b1"] = jnp.zeros((E,), dtype=jnp.float32)
    inp["W2"] = jax.random.normal(ks[12], (E, E), dtype=jnp.float32) * 0.05
    inp["b2"] = jnp.zeros((E,), dtype=jnp.float32)
    inp["Wout"] = jax.random.normal(ks[13], (2 * E, 1), dtype=jnp.float32) * 0.05
    inp["bout"] = jnp.zeros((1,), dtype=jnp.float32)
    return inp


def reference(uid, seq, pos, neg, nbr, nbr_iid, user_mlp, item_mlp, user_mf, item_mf,
              W0, b0, W1, b1, W2, b2, Wout, bout):
    # dropout with p=0.0 -> identity; seq/nbr/nbr_iid unused in forward
    ui = jnp.broadcast_to(uid[:, None], pos.shape)

    ue_mlp = jnp.take(user_mlp, ui, axis=0)
    ue_mf = jnp.take(user_mf, ui, axis=0)

    def branch(item_idx):
        ie_mlp = jnp.take(item_mlp, item_idx, axis=0)
        ie_mf = jnp.take(item_mf, item_idx, axis=0)
        v = jnp.concatenate([ue_mlp, ie_mlp], axis=-1)
        h = jax.nn.relu(v @ W0 + b0)
        h = jax.nn.relu(h @ W1 + b1)
        h = jax.nn.relu(h @ W2 + b2)
        mf = ue_mf * ie_mf
        vec = jnp.concatenate([h, mf], axis=-1)
        return vec @ Wout + bout

    pos_logits = branch(pos)
    neg_logits = branch(neg)
    return (pos_logits, neg_logits)

if __name__ == "__main__":
    import jax
    _d = setup_inputs()
    print(jax.jit(kernel)(*tuple(_d.values())))

</pallas_src>

<mosaic_0001>
#map = affine_map<(d0, d1) -> (0, 0, 0)>
#map1 = affine_map<(d0, d1) -> (0, 0)>
module attributes {stable_mosaic.version = 14 : i64} {
  func.func @_sc_token_body(%arg0: i32, %arg1: i32, %arg2: memref<32x25x128xi32, #tpu.memory_space<hbm>>, %arg3: memref<100000x128xi32, #tpu.memory_space<hbm>>, %arg4: memref<102400x128xi32, #tpu.memory_space<hbm>>, %arg5: memref<25x128xi32, #tpu.memory_space<vmem>>, %arg6: memref<128x128xi32, #tpu.memory_space<vmem>>, %arg7: memref<128x128xi32, #tpu.memory_space<vmem>>, %arg8: memref<!tpu.dma_semaphore, #tpu.memory_space<semaphore_mem>>, %arg9: memref<!tpu.dma_semaphore, #tpu.memory_space<semaphore_mem>>, %arg10: memref<!tpu.dma_semaphore, #tpu.memory_space<semaphore_mem>>, %arg11: memref<!tpu.dma_semaphore, #tpu.memory_space<semaphore_mem>>) attributes {dimension_semantics = [#tpu.dimension_semantics<core_parallel>, #tpu.dimension_semantics<subcore_parallel>], iteration_bounds = array<i64: 2, 16>, scalar_prefetch = 0 : i64, scratch_operands = 7 : i64, tpu.core_type = #tpu.core_type<sc_vector_subcore>, window_params = [{transform_indices = #map}, {transform_indices = #map1}, {transform_indices = #map1}]} {
    %mul3A = arith.constant 2 : i32
    %mul3A_0 = arith.muli %arg1, %mul3A : i32
    %add3A = arith.addi %mul3A_0, %arg0 : i32
    %mul3A_1 = arith.constant 3200 : i32
    %mul3A_2 = arith.muli %add3A, %mul3A_1 : i32
    "tpu.region"() ({
      %run_scoped3A = tpu.sem_alloc : memref<!tpu.dma_semaphore, #tpu.memory_space<semaphore_mem>>
      %dma_start3A_38 = arith.constant 0 : i32
      %dma_start3A_39 = arith.constant 0 : i32
      %dma_start3A_40 = tpu.memref_slice %arg2[%add3A, %dma_start3A_38, %dma_start3A_39] : memref<32x25x128xi32, #tpu.memory_space<hbm>> -> memref<1x25x128xi32, #tpu.memory_space<hbm>>
      %dma_start3A_41 = tpu.memref_squeeze %dma_start3A_40 : memref<1x25x128xi32, #tpu.memory_space<hbm>> -> memref<25x128xi32, #tpu.memory_space<hbm>>
      %dma_start3A_42 = arith.constant 0 : i32
      %dma_start3A_43 = arith.constant 0 : i32
      %dma_start3A_44 = tpu.memref_slice %arg2[%add3A, %dma_start3A_42, %dma_start3A_43] : memref<32x25x128xi32, #tpu.memory_space<hbm>> -> memref<1x25x128xi32, #tpu.memory_space<hbm>>
      %dma_start3A_45 = tpu.memref_squeeze %dma_start3A_44 : memref<1x25x128xi32, #tpu.memory_space<hbm>> -> memref<25x128xi32, #tpu.memory_space<hbm>>
      tpu.enqueue_dma source(%dma_start3A_45 : memref<25x128xi32, #tpu.memory_space<hbm>>) target(%arg5 : memref<25x128xi32, #tpu.memory_space<vmem>>) target_semaphore(%run_scoped3A : memref<!tpu.dma_semaphore, #tpu.memory_space<semaphore_mem>>)
      %dma_wait3A_46 = arith.constant 0 : i32
      %dma_wait3A_47 = arith.constant 0 : i32
      %dma_wait3A_48 = tpu.memref_slice %arg2[%add3A, %dma_wait3A_46, %dma_wait3A_47] : memref<32x25x128xi32, #tpu.memory_space<hbm>> -> memref<1x25x128xi32, #tpu.memory_space<hbm>>
      %dma_wait3A_49 = tpu.memref_squeeze %dma_wait3A_48 : memref<1x25x128xi32, #tpu.memory_space<hbm>> -> memref<25x128xi32, #tpu.memory_space<hbm>>
      %dma_wait3A_50 = arith.constant 0 : i32
      %dma_wait3A_51 = arith.constant 0 : i32
      %dma_wait3A_52 = tpu.memref_slice %arg2[%add3A, %dma_wait3A_50, %dma_wait3A_51] : memref<32x25x128xi32, #tpu.memory_space<hbm>> -> memref<1x25x128xi32, #tpu.memory_space<hbm>>
      %dma_wait3A_53 = tpu.memref_squeeze %dma_wait3A_52 : memref<1x25x128xi32, #tpu.memory_space<hbm>> -> memref<25x128xi32, #tpu.memory_space<hbm>>
      tpu.wait_dma2 semaphore(%run_scoped3A : memref<!tpu.dma_semaphore, #tpu.memory_space<semaphore_mem>>) src(%dma_wait3A_53 : memref<25x128xi32, #tpu.memory_space<hbm>>) dst(%arg5 : memref<25x128xi32, #tpu.memory_space<vmem>>)
      tpu.yield
    }) : () -> ()
    %dma_start3A = arith.constant 0 : i32
    %dma_start3A_3 = arith.constant 0 : i32
    %dma_start3A_4 = tpu.memref_slice %arg5[%dma_start3A, %dma_start3A_3] : memref<25x128xi32, #tpu.memory_space<vmem>> -> memref<1x128xi32, #tpu.memory_space<vmem>>
    %dma_start3A_5 = tpu.memref_squeeze %dma_start3A_4 : memref<1x128xi32, #tpu.memory_space<vmem>> -> memref<128xi32, #tpu.memory_space<vmem>>
    %dma_start3A_6 = arith.constant 0 : i32
    %dma_start3A_7 = arith.constant 0 : i32
    %dma_start3A_8 = tpu.memref_slice %arg3[%dma_start3A_6, %dma_start3A_7] : memref<100000x128xi32, #tpu.memory_space<hbm>> -> memref<100000x128xi32, #tpu.memory_space<hbm>>
    tpu.enqueue_indirect_dma source(%dma_start3A_8 : memref<100000x128xi32, #tpu.memory_space<hbm>>) target(%arg6 : memref<128x128xi32, #tpu.memory_space<vmem>>) offsets(%dma_start3A_5 : memref<128xi32, #tpu.memory_space<vmem>>) semaphore(%arg8 : memref<!tpu.dma_semaphore, #tpu.memory_space<semaphore_mem>>)
    %scan3A = arith.constant 0 : i32
    %scan3A_9 = arith.constant 0 : i32
    %scan3A_10 = arith.constant 12 : i32
    %scan3A_11 = arith.addi %scan3A_9, %scan3A_10 : i32
    %scan3A_12 = arith.constant 1 : i32
    scf.for %scan3A_38 = %scan3A_9 to %scan3A_11 step %scan3A_12  : i32 {
      %mul3A_39 = arith.constant 2 : i32
      %mul3A_40 = arith.muli %scan3A_38, %mul3A_39 : i32
      %add3A_41 = arith.constant 0 : i32
      %add3A_42 = arith.addi %mul3A_40, %add3A_41 : i32
      %add3A_43 = arith.constant 1 : i32
      %add3A_44 = arith.addi %add3A_42, %add3A_43 : i32
      %lt3A = arith.constant 25 : i32
      %lt3A_45 = arith.cmpi slt, %add3A_44, %lt3A : i32
      %convert_element_type3A = arith.extui %lt3A_45 : i1 to i32
      %cond3A = arith.constant 0 : i32
      %cond3A_46 = arith.cmpi ne, %convert_element_type3A, %cond3A : i32
      scf.if %cond3A_46 {
        %ge3A = arith.constant 1 : i32
        %ge3A_82 = arith.cmpi sge, %add3A_42, %ge3A : i32
        %convert_element_type3A_83 = arith.extui %ge3A_82 : i1 to i32
        %cond3A_84 = arith.constant 0 : i32
        %cond3A_85 = arith.cmpi ne, %convert_element_type3A_83, %cond3A_84 : i32
        scf.if %cond3A_85 {
          %sub3A = arith.constant 1 : i32
          %sub3A_94 = arith.subi %add3A_42, %sub3A : i32
          %mul3A_95 = arith.constant 128 : i32
          %mul3A_96 = arith.muli %sub3A_94, %mul3A_95 : i32
          %add3A_97 = arith.addi %mul3A_2, %mul3A_96 : i32
          %dma_wait3A_98 = arith.constant 0 : i32
          %dma_wait3A_99 = tpu.memref_slice %arg4[%add3A_97, %dma_wait3A_98] : memref<102400x128xi32, #tpu.memory_space<hbm>> -> memref<128x128xi32, #tpu.memory_space<hbm>>
          %dma_wait3A_100 = arith.constant 0 : i32
          %dma_wait3A_101 = tpu.memref_slice %arg4[%add3A_97, %dma_wait3A_100] : memref<102400x128xi32, #tpu.memory_space<hbm>> -> memref<128x128xi32, #tpu.memory_space<hbm>>
          tpu.wait_dma2 semaphore(%arg11 : memref<!tpu.dma_semaphore, #tpu.memory_space<semaphore_mem>>) src(%arg7 : memref<128x128xi32, #tpu.memory_space<vmem>>) dst(%dma_wait3A_101 : memref<128x128xi32, #tpu.memory_space<hbm>>)
        } else {
        }
        %add3A_86 = arith.constant 1 : i32
        %add3A_87 = arith.addi %add3A_42, %add3A_86 : i32
        %dma_start3A_88 = arith.constant 0 : i32
        %dma_start3A_89 = tpu.memref_slice %arg5[%add3A_87, %dma_start3A_88] : memref<25x128xi32, #tpu.memory_space<vmem>> -> memref<1x128xi32, #tpu.memory_space<vmem>>
        %dma_start3A_90 = tpu.memref_squeeze %dma_start3A_89 : memref<1x128xi32, #tpu.memory_space<vmem>> -> memref<128xi32, #tpu.memory_space<vmem>>
        %dma_start3A_91 = arith.constant 0 : i32
        %dma_start3A_92 = arith.constant 0 : i32
        %dma_start3A_93 = tpu.memref_slice %arg3[%dma_start3A_91, %dma_start3A_92] : memref<100000x128xi32, #tpu.memory_space<hbm>> -> memref<100000x128xi32, #tpu.memory_space<hbm>>
        tpu.enqueue_indirect_dma source(%dma_start3A_93 : memref<100000x128xi32, #tpu.memory_space<hbm>>) target(%arg7 : memref<128x128xi32, #tpu.memory_space<vmem>>) offsets(%dma_start3A_90 : memref<128xi32, #tpu.memory_space<vmem>>) semaphore(%arg9 : memref<!tpu.dma_semaphore, #tpu.memory_space<semaphore_mem>>)
      } else {
      }
      %dma_wait3A_47 = arith.constant 0 : i32
      %dma_wait3A_48 = tpu.memref_slice %arg5[%add3A_42, %dma_wait3A_47] : memref<25x128xi32, #tpu.memory_space<vmem>> -> memref<1x128xi32, #tpu.memory_space<vmem>>
      %dma_wait3A_49 = tpu.memref_squeeze %dma_wait3A_48 : memref<1x128xi32, #tpu.memory_space<vmem>> -> memref<128xi32, #tpu.memory_space<vmem>>
      %dma_wait3A_50 = arith.constant 0 : i32
      %dma_wait3A_51 = arith.constant 0 : i32
      %dma_wait3A_52 = tpu.memref_slice %arg3[%dma_wait3A_50, %dma_wait3A_51] : memref<100000x128xi32, #tpu.memory_space<hbm>> -> memref<100000x128xi32, #tpu.memory_space<hbm>>
      tpu.wait_indirect_dma semaphore(%arg8 : memref<!tpu.dma_semaphore, #tpu.memory_space<semaphore_mem>>) src(%dma_wait3A_52 : memref<100000x128xi32, #tpu.memory_space<hbm>>) dst(%arg6 : memref<128x128xi32, #tpu.memory_space<vmem>>)
      %mul3A_53 = arith.constant 128 : i32
      %mul3A_54 = arith.muli %add3A_42, %mul3A_53 : i32
      %add3A_55 = arith.addi %mul3A_2, %mul3A_54 : i32
      %dma_start3A_56 = arith.constant 0 : i32
      %dma_start3A_57 = tpu.memref_slice %arg4[%add3A_55, %dma_start3A_56] : memref<102400x128xi32, #tpu.memory_space<hbm>> -> memref<128x128xi32, #tpu.memory_space<hbm>>
      %dma_start3A_58 = arith.constant 0 : i32
      %dma_start3A_59 = tpu.memref_slice %arg4[%add3A_55, %dma_start3A_58] : memref<102400x128xi32, #tpu.memory_space<hbm>> -> memref<128x128xi32, #tpu.memory_space<hbm>>
      tpu.enqueue_dma source(%arg6 : memref<128x128xi32, #tpu.memory_space<vmem>>) target(%dma_start3A_59 : memref<128x128xi32, #tpu.memory_space<hbm>>) target_semaphore(%arg10 : memref<!tpu.dma_semaphore, #tpu.memory_space<semaphore_mem>>)
      %add3A_60 = arith.constant 1 : i32
      %add3A_61 = arith.addi %mul3A_40, %add3A_60 : i32
      %add3A_62 = arith.constant 1 : i32
      %add3A_63 = arith.addi %add3A_61, %add3A_62 : i32
      %lt3A_64 = arith.constant 25 : i32
      %lt3A_65 = arith.cmpi slt, %add3A_63, %lt3A_64 : i32
      %convert_element_type3A_66 = arith.extui %lt3A_65 : i1 to i32
      %cond3A_67 = arith.constant 0 : i32
      %cond3A_68 = arith.cmpi ne, %convert_element_type3A_66, %cond3A_67 : i32
      scf.if %cond3A_68 {
        %ge3A = arith.constant 1 : i32
        %ge3A_82 = arith.cmpi sge, %add3A_61, %ge3A : i32
        %convert_element_type3A_83 = arith.extui %ge3A_82 : i1 to i32
        %cond3A_84 = arith.constant 0 : i32
        %cond3A_85 = arith.cmpi ne, %convert_element_type3A_83, %cond3A_84 : i32
        scf.if %cond3A_85 {
          %sub3A = arith.constant 1 : i32
          %sub3A_94 = arith.subi %add3A_61, %sub3A : i32
          %mul3A_95 = arith.constant 128 : i32
          %mul3A_96 = arith.muli %sub3A_94, %mul3A_95 : i32
          %add3A_97 = arith.addi %mul3A_2, %mul3A_96 : i32
          %dma_wait3A_98 = arith.constant 0 : i32
          %dma_wait3A_99 = tpu.memref_slice %arg4[%add3A_97, %dma_wait3A_98] : memref<102400x128xi32, #tpu.memory_space<hbm>> -> memref<128x128xi32, #tpu.memory_space<hbm>>
          %dma_wait3A_100 = arith.constant 0 : i32
          %dma_wait3A_101 = tpu.memref_slice %arg4[%add3A_97, %dma_wait3A_100] : memref<102400x128xi32, #tpu.memory_space<hbm>> -> memref<128x128xi32, #tpu.memory_space<hbm>>
          tpu.wait_dma2 semaphore(%arg10 : memref<!tpu.dma_semaphore, #tpu.memory_space<semaphore_mem>>) src(%arg6 : memref<128x128xi32, #tpu.memory_space<vmem>>) dst(%dma_wait3A_101 : memref<128x128xi32, #tpu.memory_space<hbm>>)
        } else {
        }
        %add3A_86 = arith.constant 1 : i32
        %add3A_87 = arith.addi %add3A_61, %add3A_86 : i32
        %dma_start3A_88 = arith.constant 0 : i32
        %dma_start3A_89 = tpu.memref_slice %arg5[%add3A_87, %dma_start3A_88] : memref<25x128xi32, #tpu.memory_space<vmem>> -> memref<1x128xi32, #tpu.memory_space<vmem>>
        %dma_start3A_90 = tpu.memref_squeeze %dma_start3A_89 : memref<1x128xi32, #tpu.memory_space<vmem>> -> memref<128xi32, #tpu.memory_space<vmem>>
        %dma_start3A_91 = arith.constant 0 : i32
        %dma_start3A_92 = arith.constant 0 : i32
        %dma_start3A_93 = tpu.memref_slice %arg3[%dma_start3A_91, %dma_start3A_92] : memref<100000x128xi32, #tpu.memory_space<hbm>> -> memref<100000x128xi32, #tpu.memory_space<hbm>>
        tpu.enqueue_indirect_dma source(%dma_start3A_93 : memref<100000x128xi32, #tpu.memory_space<hbm>>) target(%arg6 : memref<128x128xi32, #tpu.memory_space<vmem>>) offsets(%dma_start3A_90 : memref<128xi32, #tpu.memory_space<vmem>>) semaphore(%arg8 : memref<!tpu.dma_semaphore, #tpu.memory_space<semaphore_mem>>)
      } else {
      }
      %dma_wait3A_69 = arith.constant 0 : i32
      %dma_wait3A_70 = tpu.memref_slice %arg5[%add3A_61, %dma_wait3A_69] : memref<25x128xi32, #tpu.memory_space<vmem>> -> memref<1x128xi32, #tpu.memory_space<vmem>>
      %dma_wait3A_71 = tpu.memref_squeeze %dma_wait3A_70 : memref<1x128xi32, #tpu.memory_space<vmem>> -> memref<128xi32, #tpu.memory_space<vmem>>
      %dma_wait3A_72 = arith.constant 0 : i32
      %dma_wait3A_73 = arith.constant 0 : i32
      %dma_wait3A_74 = tpu.memref_slice %arg3[%dma_wait3A_72, %dma_wait3A_73] : memref<100000x128xi32, #tpu.memory_space<hbm>> -> memref<100000x128xi32, #tpu.memory_space<hbm>>
      tpu.wait_indirect_dma semaphore(%arg9 : memref<!tpu.dma_semaphore, #tpu.memory_space<semaphore_mem>>) src(%dma_wait3A_74 : memref<100000x128xi32, #tpu.memory_space<hbm>>) dst(%arg7 : memref<128x128xi32, #tpu.memory_space<vmem>>)
      %mul3A_75 = arith.constant 128 : i32
      %mul3A_76 = arith.muli %add3A_61, %mul3A_75 : i32
      %add3A_77 = arith.addi %mul3A_2, %mul3A_76 : i32
      %dma_start3A_78 = arith.constant 0 : i32
      %dma_start3A_79 = tpu.memref_slice %arg4[%add3A_77, %dma_start3A_78] : memref<102400x128xi32, #tpu.memory_space<hbm>> -> memref<128x128xi32, #tpu.memory_space<hbm>>
      %dma_start3A_80 = arith.constant 0 : i32
      %dma_start3A_81 = tpu.memref_slice %arg4[%add3A_77, %dma_start3A_80] : memref<102400x128xi32, #tpu.memory_space<hbm>> -> memref<128x128xi32, #tpu.memory_space<hbm>>
      tpu.enqueue_dma source(%arg7 : memref<128x128xi32, #tpu.memory_space<vmem>>) target(%dma_start3A_81 : memref<128x128xi32, #tpu.memory_space<hbm>>) target_semaphore(%arg11 : memref<!tpu.dma_semaphore, #tpu.memory_space<semaphore_mem>>)
    }
    %scan3A_13 = arith.constant 12 : i32
    %dma_wait3A = arith.constant 24 : i32
    %dma_wait3A_14 = arith.constant 0 : i32
    %dma_wait3A_15 = tpu.memref_slice %arg5[%dma_wait3A, %dma_wait3A_14] : memref<25x128xi32, #tpu.memory_space<vmem>> -> memref<1x128xi32, #tpu.memory_space<vmem>>
    %dma_wait3A_16 = tpu.memref_squeeze %dma_wait3A_15 : memref<1x128xi32, #tpu.memory_space<vmem>> -> memref<128xi32, #tpu.memory_space<vmem>>
    %dma_wait3A_17 = arith.constant 0 : i32
    %dma_wait3A_18 = arith.constant 0 : i32
    %dma_wait3A_19 = tpu.memref_slice %arg3[%dma_wait3A_17, %dma_wait3A_18] : memref<100000x128xi32, #tpu.memory_space<hbm>> -> memref<100000x128xi32, #tpu.memory_space<hbm>>
    tpu.wait_indirect_dma semaphore(%arg8 : memref<!tpu.dma_semaphore, #tpu.memory_space<semaphore_mem>>) src(%dma_wait3A_19 : memref<100000x128xi32, #tpu.memory_space<hbm>>) dst(%arg6 : memref<128x128xi32, #tpu.memory_space<vmem>>)
    %add3A_20 = arith.constant 3072 : i32
    %add3A_21 = arith.addi %mul3A_2, %add3A_20 : i32
    %dma_start3A_22 = arith.constant 0 : i32
    %dma_start3A_23 = tpu.memref_slice %arg4[%add3A_21, %dma_start3A_22] : memref<102400x128xi32, #tpu.memory_space<hbm>> -> memref<128x128xi32, #tpu.memory_space<hbm>>
    %dma_start3A_24 = arith.constant 0 : i32
    %dma_start3A_25 = tpu.memref_slice %arg4[%add3A_21, %dma_start3A_24] : memref<102400x128xi32, #tpu.memory_space<hbm>> -> memref<128x128xi32, #tpu.memory_space<hbm>>
    tpu.enqueue_dma source(%arg6 : memref<128x128xi32, #tpu.memory_space<vmem>>) target(%dma_start3A_25 : memref<128x128xi32, #tpu.memory_space<hbm>>) target_semaphore(%arg10 : memref<!tpu.dma_semaphore, #tpu.memory_space<semaphore_mem>>)
    %add3A_26 = arith.constant 2944 : i32
    %add3A_27 = arith.addi %mul3A_2, %add3A_26 : i32
    %dma_wait3A_28 = arith.constant 0 : i32
    %dma_wait3A_29 = tpu.memref_slice %arg4[%add3A_27, %dma_wait3A_28] : memref<102400x128xi32, #tpu.memory_space<hbm>> -> memref<128x128xi32, #tpu.memory_space<hbm>>
    %dma_wait3A_30 = arith.constant 0 : i32
    %dma_wait3A_31 = tpu.memref_slice %arg4[%add3A_27, %dma_wait3A_30] : memref<102400x128xi32, #tpu.memory_space<hbm>> -> memref<128x128xi32, #tpu.memory_space<hbm>>
    tpu.wait_dma2 semaphore(%arg11 : memref<!tpu.dma_semaphore, #tpu.memory_space<semaphore_mem>>) src(%arg7 : memref<128x128xi32, #tpu.memory_space<vmem>>) dst(%dma_wait3A_31 : memref<128x128xi32, #tpu.memory_space<hbm>>)
    %add3A_32 = arith.constant 3072 : i32
    %add3A_33 = arith.addi %mul3A_2, %add3A_32 : i32
    %dma_wait3A_34 = arith.constant 0 : i32
    %dma_wait3A_35 = tpu.memref_slice %arg4[%add3A_33, %dma_wait3A_34] : memref<102400x128xi32, #tpu.memory_space<hbm>> -> memref<128x128xi32, #tpu.memory_space<hbm>>
    %dma_wait3A_36 = arith.constant 0 : i32
    %dma_wait3A_37 = tpu.memref_slice %arg4[%add3A_33, %dma_wait3A_36] : memref<102400x128xi32, #tpu.memory_space<hbm>> -> memref<128x128xi32, #tpu.memory_space<hbm>>
    tpu.wait_dma2 semaphore(%arg10 : memref<!tpu.dma_semaphore, #tpu.memory_space<semaphore_mem>>) src(%arg6 : memref<128x128xi32, #tpu.memory_space<vmem>>) dst(%dma_wait3A_37 : memref<128x128xi32, #tpu.memory_space<hbm>>)
    return
  }
}

#map = affine_map<(d0, d1) -> (0, 0, 0)>
#map1 = affine_map<(d0, d1) -> (0, 0)>
module attributes {stable_mosaic.version = 14 : i64} {
  func.func @_sc_token_body(%arg0: i32, %arg1: i32, %arg2: memref<32x25x128xi32, #tpu.memory_space<hbm>>, %arg3: memref<100000x128xi32, #tpu.memory_space<hbm>>, %arg4: memref<102400x128xi32, #tpu.memory_space<hbm>>, %arg5: memref<25x128xi32, #tpu.memory_space<vmem>>, %arg6: memref<128x128xi32, #tpu.memory_space<vmem>>, %arg7: memref<128x128xi32, #tpu.memory_space<vmem>>, %arg8: memref<!tpu.dma_semaphore, #tpu.memory_space<semaphore_mem>>, %arg9: memref<!tpu.dma_semaphore, #tpu.memory_space<semaphore_mem>>, %arg10: memref<!tpu.dma_semaphore, #tpu.memory_space<semaphore_mem>>, %arg11: memref<!tpu.dma_semaphore, #tpu.memory_space<semaphore_mem>>) attributes {dimension_semantics = [#tpu.dimension_semantics<core_parallel>, #tpu.dimension_semantics<subcore_parallel>], iteration_bounds = array<i64: 2, 16>, scalar_prefetch = 0 : i64, scratch_operands = 7 : i64, tpu.core_type = #tpu.core_type<sc_vector_subcore>, window_params = [{transform_indices = #map}, {transform_indices = #map1}, {transform_indices = #map1}]} {
    %mul3A = arith.constant 2 : i32
    %mul3A_0 = arith.muli %arg1, %mul3A : i32
    %add3A = arith.addi %mul3A_0, %arg0 : i32
    %mul3A_1 = arith.constant 3200 : i32
    %mul3A_2 = arith.muli %add3A, %mul3A_1 : i32
    "tpu.region"() ({
      %run_scoped3A = tpu.sem_alloc : memref<!tpu.dma_semaphore, #tpu.memory_space<semaphore_mem>>
      %dma_start3A_38 = arith.constant 0 : i32
      %dma_start3A_39 = arith.constant 0 : i32
      %dma_start3A_40 = tpu.memref_slice %arg2[%add3A, %dma_start3A_38, %dma_start3A_39] : memref<32x25x128xi32, #tpu.memory_space<hbm>> -> memref<1x25x128xi32, #tpu.memory_space<hbm>>
      %dma_start3A_41 = tpu.memref_squeeze %dma_start3A_40 : memref<1x25x128xi32, #tpu.memory_space<hbm>> -> memref<25x128xi32, #tpu.memory_space<hbm>>
      %dma_start3A_42 = arith.constant 0 : i32
      %dma_start3A_43 = arith.constant 0 : i32
      %dma_start3A_44 = tpu.memref_slice %arg2[%add3A, %dma_start3A_42, %dma_start3A_43] : memref<32x25x128xi32, #tpu.memory_space<hbm>> -> memref<1x25x128xi32, #tpu.memory_space<hbm>>
      %dma_start3A_45 = tpu.memref_squeeze %dma_start3A_44 : memref<1x25x128xi32, #tpu.memory_space<hbm>> -> memref<25x128xi32, #tpu.memory_space<hbm>>
      tpu.enqueue_dma source(%dma_start3A_45 : memref<25x128xi32, #tpu.memory_space<hbm>>) target(%arg5 : memref<25x128xi32, #tpu.memory_space<vmem>>) target_semaphore(%run_scoped3A : memref<!tpu.dma_semaphore, #tpu.memory_space<semaphore_mem>>)
      %dma_wait3A_46 = arith.constant 0 : i32
      %dma_wait3A_47 = arith.constant 0 : i32
      %dma_wait3A_48 = tpu.memref_slice %arg2[%add3A, %dma_wait3A_46, %dma_wait3A_47] : memref<32x25x128xi32, #tpu.memory_space<hbm>> -> memref<1x25x128xi32, #tpu.memory_space<hbm>>
      %dma_wait3A_49 = tpu.memref_squeeze %dma_wait3A_48 : memref<1x25x128xi32, #tpu.memory_space<hbm>> -> memref<25x128xi32, #tpu.memory_space<hbm>>
      %dma_wait3A_50 = arith.constant 0 : i32
      %dma_wait3A_51 = arith.constant 0 : i32
      %dma_wait3A_52 = tpu.memref_slice %arg2[%add3A, %dma_wait3A_50, %dma_wait3A_51] : memref<32x25x128xi32, #tpu.memory_space<hbm>> -> memref<1x25x128xi32, #tpu.memory_space<hbm>>
      %dma_wait3A_53 = tpu.memref_squeeze %dma_wait3A_52 : memref<1x25x128xi32, #tpu.memory_space<hbm>> -> memref<25x128xi32, #tpu.memory_space<hbm>>
      tpu.wait_dma2 semaphore(%run_scoped3A : memref<!tpu.dma_semaphore, #tpu.memory_space<semaphore_mem>>) src(%dma_wait3A_53 : memref<25x128xi32, #tpu.memory_space<hbm>>) dst(%arg5 : memref<25x128xi32, #tpu.memory_space<vmem>>)
      tpu.yield
    }) : () -> ()
    %dma_start3A = arith.constant 0 : i32
    %dma_start3A_3 = arith.constant 0 : i32
    %dma_start3A_4 = tpu.memref_slice %arg5[%dma_start3A, %dma_start3A_3] : memref<25x128xi32, #tpu.memory_space<vmem>> -> memref<1x128xi32, #tpu.memory_space<vmem>>
    %dma_start3A_5 = tpu.memref_squeeze %dma_start3A_4 : memref<1x128xi32, #tpu.memory_space<vmem>> -> memref<128xi32, #tpu.memory_space<vmem>>
    %dma_start3A_6 = arith.constant 0 : i32
    %dma_start3A_7 = arith.constant 0 : i32
    %dma_start3A_8 = tpu.memref_slice %arg3[%dma_start3A_6, %dma_start3A_7] : memref<100000x128xi32, #tpu.memory_space<hbm>> -> memref<100000x128xi32, #tpu.memory_space<hbm>>
    tpu.enqueue_indirect_dma source(%dma_start3A_8 : memref<100000x128xi32, #tpu.memory_space<hbm>>) target(%arg6 : memref<128x128xi32, #tpu.memory_space<vmem>>) offsets(%dma_start3A_5 : memref<128xi32, #tpu.memory_space<vmem>>) semaphore(%arg8 : memref<!tpu.dma_semaphore, #tpu.memory_space<semaphore_mem>>)
    %scan3A = arith.constant 0 : i32
    %scan3A_9 = arith.constant 0 : i32
    %scan3A_10 = arith.constant 12 : i32
    %scan3A_11 = arith.addi %scan3A_9, %scan3A_10 : i32
    %scan3A_12 = arith.constant 1 : i32
    scf.for %scan3A_38 = %scan3A_9 to %scan3A_11 step %scan3A_12  : i32 {
      %mul3A_39 = arith.constant 2 : i32
      %mul3A_40 = arith.muli %scan3A_38, %mul3A_39 : i32
      %add3A_41 = arith.constant 0 : i32
      %add3A_42 = arith.addi %mul3A_40, %add3A_41 : i32
      %add3A_43 = arith.constant 1 : i32
      %add3A_44 = arith.addi %add3A_42, %add3A_43 : i32
      %lt3A = arith.constant 25 : i32
      %lt3A_45 = arith.cmpi slt, %add3A_44, %lt3A : i32
      %convert_element_type3A = arith.extui %lt3A_45 : i1 to i32
      %cond3A = arith.constant 0 : i32
      %cond3A_46 = arith.cmpi ne, %convert_element_type3A, %cond3A : i32
      scf.if %cond3A_46 {
        %ge3A = arith.constant 1 : i32
        %ge3A_82 = arith.cmpi sge, %add3A_42, %ge3A : i32
        %convert_element_type3A_83 = arith.extui %ge3A_82 : i1 to i32
        %cond3A_84 = arith.constant 0 : i32
        %cond3A_85 = arith.cmpi ne, %convert_element_type3A_83, %cond3A_84 : i32
        scf.if %cond3A_85 {
          %sub3A = arith.constant 1 : i32
          %sub3A_94 = arith.subi %add3A_42, %sub3A : i32
          %mul3A_95 = arith.constant 128 : i32
          %mul3A_96 = arith.muli %sub3A_94, %mul3A_95 : i32
          %add3A_97 = arith.addi %mul3A_2, %mul3A_96 : i32
          %dma_wait3A_98 = arith.constant 0 : i32
          %dma_wait3A_99 = tpu.memref_slice %arg4[%add3A_97, %dma_wait3A_98] : memref<102400x128xi32, #tpu.memory_space<hbm>> -> memref<128x128xi32, #tpu.memory_space<hbm>>
          %dma_wait3A_100 = arith.constant 0 : i32
          %dma_wait3A_101 = tpu.memref_slice %arg4[%add3A_97, %dma_wait3A_100] : memref<102400x128xi32, #tpu.memory_space<hbm>> -> memref<128x128xi32, #tpu.memory_space<hbm>>
          tpu.wait_dma2 semaphore(%arg11 : memref<!tpu.dma_semaphore, #tpu.memory_space<semaphore_mem>>) src(%arg7 : memref<128x128xi32, #tpu.memory_space<vmem>>) dst(%dma_wait3A_101 : memref<128x128xi32, #tpu.memory_space<hbm>>)
        } else {
        }
        %add3A_86 = arith.constant 1 : i32
        %add3A_87 = arith.addi %add3A_42, %add3A_86 : i32
        %dma_start3A_88 = arith.constant 0 : i32
        %dma_start3A_89 = tpu.memref_slice %arg5[%add3A_87, %dma_start3A_88] : memref<25x128xi32, #tpu.memory_space<vmem>> -> memref<1x128xi32, #tpu.memory_space<vmem>>
        %dma_start3A_90 = tpu.memref_squeeze %dma_start3A_89 : memref<1x128xi32, #tpu.memory_space<vmem>> -> memref<128xi32, #tpu.memory_space<vmem>>
        %dma_start3A_91 = arith.constant 0 : i32
        %dma_start3A_92 = arith.constant 0 : i32
        %dma_start3A_93 = tpu.memref_slice %arg3[%dma_start3A_91, %dma_start3A_92] : memref<100000x128xi32, #tpu.memory_space<hbm>> -> memref<100000x128xi32, #tpu.memory_space<hbm>>
        tpu.enqueue_indirect_dma source(%dma_start3A_93 : memref<100000x128xi32, #tpu.memory_space<hbm>>) target(%arg7 : memref<128x128xi32, #tpu.memory_space<vmem>>) offsets(%dma_start3A_90 : memref<128xi32, #tpu.memory_space<vmem>>) semaphore(%arg9 : memref<!tpu.dma_semaphore, #tpu.memory_space<semaphore_mem>>)
      } else {
      }
      %dma_wait3A_47 = arith.constant 0 : i32
      %dma_wait3A_48 = tpu.memref_slice %arg5[%add3A_42, %dma_wait3A_47] : memref<25x128xi32, #tpu.memory_space<vmem>> -> memref<1x128xi32, #tpu.memory_space<vmem>>
      %dma_wait3A_49 = tpu.memref_squeeze %dma_wait3A_48 : memref<1x128xi32, #tpu.memory_space<vmem>> -> memref<128xi32, #tpu.memory_space<vmem>>
      %dma_wait3A_50 = arith.constant 0 : i32
      %dma_wait3A_51 = arith.constant 0 : i32
      %dma_wait3A_52 = tpu.memref_slice %arg3[%dma_wait3A_50, %dma_wait3A_51] : memref<100000x128xi32, #tpu.memory_space<hbm>> -> memref<100000x128xi32, #tpu.memory_space<hbm>>
      tpu.wait_indirect_dma semaphore(%arg8 : memref<!tpu.dma_semaphore, #tpu.memory_space<semaphore_mem>>) src(%dma_wait3A_52 : memref<100000x128xi32, #tpu.memory_space<hbm>>) dst(%arg6 : memref<128x128xi32, #tpu.memory_space<vmem>>)
      %mul3A_53 = arith.constant 128 : i32
      %mul3A_54 = arith.muli %add3A_42, %mul3A_53 : i32
      %add3A_55 = arith.addi %mul3A_2, %mul3A_54 : i32
      %dma_start3A_56 = arith.constant 0 : i32
      %dma_start3A_57 = tpu.memref_slice %arg4[%add3A_55, %dma_start3A_56] : memref<102400x128xi32, #tpu.memory_space<hbm>> -> memref<128x128xi32, #tpu.memory_space<hbm>>
      %dma_start3A_58 = arith.constant 0 : i32
      %dma_start3A_59 = tpu.memref_slice %arg4[%add3A_55, %dma_start3A_58] : memref<102400x128xi32, #tpu.memory_space<hbm>> -> memref<128x128xi32, #tpu.memory_space<hbm>>
      tpu.enqueue_dma source(%arg6 : memref<128x128xi32, #tpu.memory_space<vmem>>) target(%dma_start3A_59 : memref<128x128xi32, #tpu.memory_space<hbm>>) target_semaphore(%arg10 : memref<!tpu.dma_semaphore, #tpu.memory_space<semaphore_mem>>)
      %add3A_60 = arith.constant 1 : i32
      %add3A_61 = arith.addi %mul3A_40, %add3A_60 : i32
      %add3A_62 = arith.constant 1 : i32
      %add3A_63 = arith.addi %add3A_61, %add3A_62 : i32
      %lt3A_64 = arith.constant 25 : i32
      %lt3A_65 = arith.cmpi slt, %add3A_63, %lt3A_64 : i32
      %convert_element_type3A_66 = arith.extui %lt3A_65 : i1 to i32
      %cond3A_67 = arith.constant 0 : i32
      %cond3A_68 = arith.cmpi ne, %convert_element_type3A_66, %cond3A_67 : i32
      scf.if %cond3A_68 {
        %ge3A = arith.constant 1 : i32
        %ge3A_82 = arith.cmpi sge, %add3A_61, %ge3A : i32
        %convert_element_type3A_83 = arith.extui %ge3A_82 : i1 to i32
        %cond3A_84 = arith.constant 0 : i32
        %cond3A_85 = arith.cmpi ne, %convert_element_type3A_83, %cond3A_84 : i32
        scf.if %cond3A_85 {
          %sub3A = arith.constant 1 : i32
          %sub3A_94 = arith.subi %add3A_61, %sub3A : i32
          %mul3A_95 = arith.constant 128 : i32
          %mul3A_96 = arith.muli %sub3A_94, %mul3A_95 : i32
          %add3A_97 = arith.addi %mul3A_2, %mul3A_96 : i32
          %dma_wait3A_98 = arith.constant 0 : i32
          %dma_wait3A_99 = tpu.memref_slice %arg4[%add3A_97, %dma_wait3A_98] : memref<102400x128xi32, #tpu.memory_space<hbm>> -> memref<128x128xi32, #tpu.memory_space<hbm>>
          %dma_wait3A_100 = arith.constant 0 : i32
          %dma_wait3A_101 = tpu.memref_slice %arg4[%add3A_97, %dma_wait3A_100] : memref<102400x128xi32, #tpu.memory_space<hbm>> -> memref<128x128xi32, #tpu.memory_space<hbm>>
          tpu.wait_dma2 semaphore(%arg10 : memref<!tpu.dma_semaphore, #tpu.memory_space<semaphore_mem>>) src(%arg6 : memref<128x128xi32, #tpu.memory_space<vmem>>) dst(%dma_wait3A_101 : memref<128x128xi32, #tpu.memory_space<hbm>>)
        } else {
        }
        %add3A_86 = arith.constant 1 : i32
        %add3A_87 = arith.addi %add3A_61, %add3A_86 : i32
        %dma_start3A_88 = arith.constant 0 : i32
        %dma_start3A_89 = tpu.memref_slice %arg5[%add3A_87, %dma_start3A_88] : memref<25x128xi32, #tpu.memory_space<vmem>> -> memref<1x128xi32, #tpu.memory_space<vmem>>
        %dma_start3A_90 = tpu.memref_squeeze %dma_start3A_89 : memref<1x128xi32, #tpu.memory_space<vmem>> -> memref<128xi32, #tpu.memory_space<vmem>>
        %dma_start3A_91 = arith.constant 0 : i32
        %dma_start3A_92 = arith.constant 0 : i32
        %dma_start3A_93 = tpu.memref_slice %arg3[%dma_start3A_91, %dma_start3A_92] : memref<100000x128xi32, #tpu.memory_space<hbm>> -> memref<100000x128xi32, #tpu.memory_space<hbm>>
        tpu.enqueue_indirect_dma source(%dma_start3A_93 : memref<100000x128xi32, #tpu.memory_space<hbm>>) target(%arg6 : memref<128x128xi32, #tpu.memory_space<vmem>>) offsets(%dma_start3A_90 : memref<128xi32, #tpu.memory_space<vmem>>) semaphore(%arg8 : memref<!tpu.dma_semaphore, #tpu.memory_space<semaphore_mem>>)
      } else {
      }
      %dma_wait3A_69 = arith.constant 0 : i32
      %dma_wait3A_70 = tpu.memref_slice %arg5[%add3A_61, %dma_wait3A_69] : memref<25x128xi32, #tpu.memory_space<vmem>> -> memref<1x128xi32, #tpu.memory_space<vmem>>
      %dma_wait3A_71 = tpu.memref_squeeze %dma_wait3A_70 : memref<1x128xi32, #tpu.memory_space<vmem>> -> memref<128xi32, #tpu.memory_space<vmem>>
      %dma_wait3A_72 = arith.constant 0 : i32
      %dma_wait3A_73 = arith.constant 0 : i32
      %dma_wait3A_74 = tpu.memref_slice %arg3[%dma_wait3A_72, %dma_wait3A_73] : memref<100000x128xi32, #tpu.memory_space<hbm>> -> memref<100000x128xi32, #tpu.memory_space<hbm>>
      tpu.wait_indirect_dma semaphore(%arg9 : memref<!tpu.dma_semaphore, #tpu.memory_space<semaphore_mem>>) src(%dma_wait3A_74 : memref<100000x128xi32, #tpu.memory_space<hbm>>) dst(%arg7 : memref<128x128xi32, #tpu.memory_space<vmem>>)
      %mul3A_75 = arith.constant 128 : i32
      %mul3A_76 = arith.muli %add3A_61, %mul3A_75 : i32
      %add3A_77 = arith.addi %mul3A_2, %mul3A_76 : i32
      %dma_start3A_78 = arith.constant 0 : i32
      %dma_start3A_79 = tpu.memref_slice %arg4[%add3A_77, %dma_start3A_78] : memref<102400x128xi32, #tpu.memory_space<hbm>> -> memref<128x128xi32, #tpu.memory_space<hbm>>
      %dma_start3A_80 = arith.constant 0 : i32
      %dma_start3A_81 = tpu.memref_slice %arg4[%add3A_77, %dma_start3A_80] : memref<102400x128xi32, #tpu.memory_space<hbm>> -> memref<128x128xi32, #tpu.memory_space<hbm>>
      tpu.enqueue_dma source(%arg7 : memref<128x128xi32, #tpu.memory_space<vmem>>) target(%dma_start3A_81 : memref<128x128xi32, #tpu.memory_space<hbm>>) target_semaphore(%arg11 : memref<!tpu.dma_semaphore, #tpu.memory_space<semaphore_mem>>)
    }
    %scan3A_13 = arith.constant 12 : i32
    %dma_wait3A = arith.constant 24 : i32
    %dma_wait3A_14 = arith.constant 0 : i32
    %dma_wait3A_15 = tpu.memref_slice %arg5[%dma_wait3A, %dma_wait3A_14] : memref<25x128xi32, #tpu.memory_space<vmem>> -> memref<1x128xi32, #tpu.memory_space<vmem>>
    %dma_wait3A_16 = tpu.memref_squeeze %dma_wait3A_15 : memref<1x128xi32, #tpu.memory_space<vmem>> -> memref<128xi32, #tpu.memory_space<vmem>>
    %dma_wait3A_17 = arith.constant 0 : i32
    %dma_wait3A_18 = arith.constant 0 : i32
    %dma_wait3A_19 = tpu.memref_slice %arg3[%dma_wait3A_17, %dma_wait3A_18] : memref<100000x128xi32, #tpu.memory_space<hbm>> -> memref<100000x128xi32, #tpu.memory_space<hbm>>
    tpu.wait_indirect_dma semaphore(%arg8 : memref<!tpu.dma_semaphore, #tpu.memory_space<semaphore_mem>>) src(%dma_wait3A_19 : memref<100000x128xi32, #tpu.memory_space<hbm>>) dst(%arg6 : memref<128x128xi32, #tpu.memory_space<vmem>>)
    %add3A_20 = arith.constant 3072 : i32
    %add3A_21 = arith.addi %mul3A_2, %add3A_20 : i32
    %dma_start3A_22 = arith.constant 0 : i32
    %dma_start3A_23 = tpu.memref_slice %arg4[%add3A_21, %dma_start3A_22] : memref<102400x128xi32, #tpu.memory_space<hbm>> -> memref<128x128xi32, #tpu.memory_space<hbm>>
    %dma_start3A_24 = arith.constant 0 : i32
    %dma_start3A_25 = tpu.memref_slice %arg4[%add3A_21, %dma_start3A_24] : memref<102400x128xi32, #tpu.memory_space<hbm>> -> memref<128x128xi32, #tpu.memory_space<hbm>>
    tpu.enqueue_dma source(%arg6 : memref<128x128xi32, #tpu.memory_space<vmem>>) target(%dma_start3A_25 : memref<128x128xi32, #tpu.memory_space<hbm>>) target_semaphore(%arg10 : memref<!tpu.dma_semaphore, #tpu.memory_space<semaphore_mem>>)
    %add3A_26 = arith.constant 2944 : i32
    %add3A_27 = arith.addi %mul3A_2, %add3A_26 : i32
    %dma_wait3A_28 = arith.constant 0 : i32
    %dma_wait3A_29 = tpu.memref_slice %arg4[%add3A_27, %dma_wait3A_28] : memref<102400x128xi32, #tpu.memory_space<hbm>> -> memref<128x128xi32, #tpu.memory_space<hbm>>
    %dma_wait3A_30 = arith.constant 0 : i32
    %dma_wait3A_31 = tpu.memref_slice %arg4[%add3A_27, %dma_wait3A_30] : memref<102400x128xi32, #tpu.memory_space<hbm>> -> memref<128x128xi32, #tpu.memory_space<hbm>>
    tpu.wait_dma2 semaphore(%arg11 : memref<!tpu.dma_semaphore, #tpu.memory_space<semaphore_mem>>) src(%arg7 : memref<128x128xi32, #tpu.memory_space<vmem>>) dst(%dma_wait3A_31 : memref<128x128xi32, #tpu.memory_space<hbm>>)
    %add3A_32 = arith.constant 3072 : i32
    %add3A_33 = arith.addi %mul3A_2, %add3A_32 : i32
    %dma_wait3A_34 = arith.constant 0 : i32
    %dma_wait3A_35 = tpu.memref_slice %arg4[%add3A_33, %dma_wait3A_34] : memref<102400x128xi32, #tpu.memory_space<hbm>> -> memref<128x128xi32, #tpu.memory_space<hbm>>
    %dma_wait3A_36 = arith.constant 0 : i32
    %dma_wait3A_37 = tpu.memref_slice %arg4[%add3A_33, %dma_wait3A_36] : memref<102400x128xi32, #tpu.memory_space<hbm>> -> memref<128x128xi32, #tpu.memory_space<hbm>>
    tpu.wait_dma2 semaphore(%arg10 : memref<!tpu.dma_semaphore, #tpu.memory_space<semaphore_mem>>) src(%arg6 : memref<128x128xi32, #tpu.memory_space<vmem>>) dst(%dma_wait3A_37 : memref<128x128xi32, #tpu.memory_space<hbm>>)
    return
  }
}

#map = affine_map<(d0, d1) -> (0)>
#map1 = affine_map<(d0, d1) -> (0, 0)>
module attributes {stable_mosaic.version = 14 : i64} {
  func.func @_sc_user_body(%arg0: i32, %arg1: i32, %arg2: memref<4096xi32, #tpu.memory_space<hbm>>, %arg3: memref<100000x128xf32, #tpu.memory_space<hbm>>, %arg4: memref<100000x128xf32, #tpu.memory_space<hbm>>, %arg5: memref<4096x128xf32, #tpu.memory_space<hbm>>, %arg6: memref<4096x128xf32, #tpu.memory_space<hbm>>, %arg7: memref<128xi32, #tpu.memory_space<vmem>>, %arg8: memref<128x128xf32, #tpu.memory_space<vmem>>, %arg9: memref<!tpu.dma_semaphore, #tpu.memory_space<semaphore_mem>>) attributes {dimension_semantics = [#tpu.dimension_semantics<core_parallel>, #tpu.dimension_semantics<subcore_parallel>], iteration_bounds = array<i64: 2, 16>, scalar_prefetch = 0 : i64, scratch_operands = 3 : i64, tpu.core_type = #tpu.core_type<sc_vector_subcore>, window_params = [{transform_indices = #map}, {transform_indices = #map1}, {transform_indices = #map1}, {transform_indices = #map1}, {transform_indices = #map1}]} {
    %mul3A = arith.constant 2 : i32
    %mul3A_0 = arith.muli %arg1, %mul3A : i32
    %add3A = arith.addi %mul3A_0, %arg0 : i32
    %mul3A_1 = arith.constant 128 : i32
    %mul3A_2 = arith.muli %add3A, %mul3A_1 : i32
    "tpu.region"() ({
      %run_scoped3A = tpu.sem_alloc : memref<!tpu.dma_semaphore, #tpu.memory_space<semaphore_mem>>
      %dma_start3A_13 = tpu.memref_slice %arg2[%mul3A_2] : memref<4096xi32, #tpu.memory_space<hbm>> -> memref<128xi32, #tpu.memory_space<hbm>>
      %dma_start3A_14 = tpu.memref_slice %arg2[%mul3A_2] : memref<4096xi32, #tpu.memory_space<hbm>> -> memref<128xi32, #tpu.memory_space<hbm>>
      tpu.enqueue_dma source(%dma_start3A_14 : memref<128xi32, #tpu.memory_space<hbm>>) target(%arg7 : memref<128xi32, #tpu.memory_space<vmem>>) target_semaphore(%run_scoped3A : memref<!tpu.dma_semaphore, #tpu.memory_space<semaphore_mem>>)
      %dma_wait3A_15 = tpu.memref_slice %arg2[%mul3A_2] : memref<4096xi32, #tpu.memory_space<hbm>> -> memref<128xi32, #tpu.memory_space<hbm>>
      %dma_wait3A_16 = tpu.memref_slice %arg2[%mul3A_2] : memref<4096xi32, #tpu.memory_space<hbm>> -> memref<128xi32, #tpu.memory_space<hbm>>
      tpu.wait_dma2 semaphore(%run_scoped3A : memref<!tpu.dma_semaphore, #tpu.memory_space<semaphore_mem>>) src(%dma_wait3A_16 : memref<128xi32, #tpu.memory_space<hbm>>) dst(%arg7 : memref<128xi32, #tpu.memory_space<vmem>>)
      tpu.yield
    }) : () -> ()
    %dma_start3A = arith.constant 0 : i32
    %dma_start3A_3 = arith.constant 0 : i32
    %dma_start3A_4 = tpu.memref_slice %arg3[%dma_start3A, %dma_start3A_3] : memref<100000x128xf32, #tpu.memory_space<hbm>> -> memref<100000x128xf32, #tpu.memory_space<hbm>>
    tpu.enqueue_indirect_dma source(%dma_start3A_4 : memref<100000x128xf32, #tpu.memory_space<hbm>>) target(%arg8 : memref<128x128xf32, #tpu.memory_space<vmem>>) offsets(%arg7 : memref<128xi32, #tpu.memory_space<vmem>>) semaphore(%arg9 : memref<!tpu.dma_semaphore, #tpu.memory_space<semaphore_mem>>)
    %dma_wait3A = arith.constant 0 : i32
    %dma_wait3A_5 = arith.constant 0 : i32
    %dma_wait3A_6 = tpu.memref_slice %arg3[%dma_wait3A, %dma_wait3A_5] : memref<100000x128xf32, #tpu.memory_space<hbm>> -> memref<100000x128xf32, #tpu.memory_space<hbm>>
    tpu.wait_indirect_dma semaphore(%arg9 : memref<!tpu.dma_semaphore, #tpu.memory_space<semaphore_mem>>) src(%dma_wait3A_6 : memref<100000x128xf32, #tpu.memory_space<hbm>>) dst(%arg8 : memref<128x128xf32, #tpu.memory_space<vmem>>)
    "tpu.region"() ({
      %run_scoped3A = tpu.sem_alloc : memref<!tpu.dma_semaphore, #tpu.memory_space<semaphore_mem>>
      %dma_start3A_13 = arith.constant 0 : i32
      %dma_start3A_14 = tpu.memref_slice %arg5[%mul3A_2, %dma_start3A_13] : memref<4096x128xf32, #tpu.memory_space<hbm>> -> memref<128x128xf32, #tpu.memory_space<hbm>>
      %dma_start3A_15 = arith.constant 0 : i32
      %dma_start3A_16 = tpu.memref_slice %arg5[%mul3A_2, %dma_start3A_15] : memref<4096x128xf32, #tpu.memory_space<hbm>> -> memref<128x128xf32, #tpu.memory_space<hbm>>
      tpu.enqueue_dma source(%arg8 : memref<128x128xf32, #tpu.memory_space<vmem>>) target(%dma_start3A_16 : memref<128x128xf32, #tpu.memory_space<hbm>>) target_semaphore(%run_scoped3A : memref<!tpu.dma_semaphore, #tpu.memory_space<semaphore_mem>>)
      %dma_wait3A_17 = arith.constant 0 : i32
      %dma_wait3A_18 = tpu.memref_slice %arg5[%mul3A_2, %dma_wait3A_17] : memref<4096x128xf32, #tpu.memory_space<hbm>> -> memref<128x128xf32, #tpu.memory_space<hbm>>
      %dma_wait3A_19 = arith.constant 0 : i32
      %dma_wait3A_20 = tpu.memref_slice %arg5[%mul3A_2, %dma_wait3A_19] : memref<4096x128xf32, #tpu.memory_space<hbm>> -> memref<128x128xf32, #tpu.memory_space<hbm>>
      tpu.wait_dma2 semaphore(%run_scoped3A : memref<!tpu.dma_semaphore, #tpu.memory_space<semaphore_mem>>) src(%arg8 : memref<128x128xf32, #tpu.memory_space<vmem>>) dst(%dma_wait3A_20 : memref<128x128xf32, #tpu.memory_space<hbm>>)
      tpu.yield
    }) : () -> ()
    %dma_start3A_7 = arith.constant 0 : i32
    %dma_start3A_8 = arith.constant 0 : i32
    %dma_start3A_9 = tpu.memref_slice %arg4[%dma_start3A_7, %dma_start3A_8] : memref<100000x128xf32, #tpu.memory_space<hbm>> -> memref<100000x128xf32, #tpu.memory_space<hbm>>
    tpu.enqueue_indirect_dma source(%dma_start3A_9 : memref<100000x128xf32, #tpu.memory_space<hbm>>) target(%arg8 : memref<128x128xf32, #tpu.memory_space<vmem>>) offsets(%arg7 : memref<128xi32, #tpu.memory_space<vmem>>) semaphore(%arg9 : memref<!tpu.dma_semaphore, #tpu.memory_space<semaphore_mem>>)
    %dma_wait3A_10 = arith.constant 0 : i32
    %dma_wait3A_11 = arith.constant 0 : i32
    %dma_wait3A_12 = tpu.memref_slice %arg4[%dma_wait3A_10, %dma_wait3A_11] : memref<100000x128xf32, #tpu.memory_space<hbm>> -> memref<100000x128xf32, #tpu.memory_space<hbm>>
    tpu.wait_indirect_dma semaphore(%arg9 : memref<!tpu.dma_semaphore, #tpu.memory_space<semaphore_mem>>) src(%dma_wait3A_12 : memref<100000x128xf32, #tpu.memory_space<hbm>>) dst(%arg8 : memref<128x128xf32, #tpu.memory_space<vmem>>)
    "tpu.region"() ({
      %run_scoped3A = tpu.sem_alloc : memref<!tpu.dma_semaphore, #tpu.memory_space<semaphore_mem>>
      %dma_start3A_13 = arith.constant 0 : i32
      %dma_start3A_14 = tpu.memref_slice %arg6[%mul3A_2, %dma_start3A_13] : memref<4096x128xf32, #tpu.memory_space<hbm>> -> memref<128x128xf32, #tpu.memory_space<hbm>>
      %dma_start3A_15 = arith.constant 0 : i32
      %dma_start3A_16 = tpu.memref_slice %arg6[%mul3A_2, %dma_start3A_15] : memref<4096x128xf32, #tpu.memory_space<hbm>> -> memref<128x128xf32, #tpu.memory_space<hbm>>
      tpu.enqueue_dma source(%arg8 : memref<128x128xf32, #tpu.memory_space<vmem>>) target(%dma_start3A_16 : memref<128x128xf32, #tpu.memory_space<hbm>>) target_semaphore(%run_scoped3A : memref<!tpu.dma_semaphore, #tpu.memory_space<semaphore_mem>>)
      %dma_wait3A_17 = arith.constant 0 : i32
      %dma_wait3A_18 = tpu.memref_slice %arg6[%mul3A_2, %dma_wait3A_17] : memref<4096x128xf32, #tpu.memory_space<hbm>> -> memref<128x128xf32, #tpu.memory_space<hbm>>
      %dma_wait3A_19 = arith.constant 0 : i32
      %dma_wait3A_20 = tpu.memref_slice %arg6[%mul3A_2, %dma_wait3A_19] : memref<4096x128xf32, #tpu.memory_space<hbm>> -> memref<128x128xf32, #tpu.memory_space<hbm>>
      tpu.wait_dma2 semaphore(%run_scoped3A : memref<!tpu.dma_semaphore, #tpu.memory_space<semaphore_mem>>) src(%arg8 : memref<128x128xf32, #tpu.memory_space<vmem>>) dst(%dma_wait3A_20 : memref<128x128xf32, #tpu.memory_space<hbm>>)
      tpu.yield
    }) : () -> ()
    return
  }
}

#map = affine_map<(d0, d1) -> (0, 0, 0)>
#map1 = affine_map<(d0, d1) -> (0, 0)>
module attributes {stable_mosaic.version = 14 : i64} {
  func.func @_sc_token_body(%arg0: i32, %arg1: i32, %arg2: memref<32x25x128xi32, #tpu.memory_space<hbm>>, %arg3: memref<100000x128xi32, #tpu.memory_space<hbm>>, %arg4: memref<102400x128xi32, #tpu.memory_space<hbm>>, %arg5: memref<25x128xi32, #tpu.memory_space<vmem>>, %arg6: memref<128x128xi32, #tpu.memory_space<vmem>>, %arg7: memref<128x128xi32, #tpu.memory_space<vmem>>, %arg8: memref<!tpu.dma_semaphore, #tpu.memory_space<semaphore_mem>>, %arg9: memref<!tpu.dma_semaphore, #tpu.memory_space<semaphore_mem>>, %arg10: memref<!tpu.dma_semaphore, #tpu.memory_space<semaphore_mem>>, %arg11: memref<!tpu.dma_semaphore, #tpu.memory_space<semaphore_mem>>) attributes {dimension_semantics = [#tpu.dimension_semantics<core_parallel>, #tpu.dimension_semantics<subcore_parallel>], iteration_bounds = array<i64: 2, 16>, scalar_prefetch = 0 : i64, scratch_operands = 7 : i64, tpu.core_type = #tpu.core_type<sc_vector_subcore>, window_params = [{transform_indices = #map}, {transform_indices = #map1}, {transform_indices = #map1}]} {
    %mul3A = arith.constant 2 : i32
    %mul3A_0 = arith.muli %arg1, %mul3A : i32
    %add3A = arith.addi %mul3A_0, %arg0 : i32
    %mul3A_1 = arith.constant 3200 : i32
    %mul3A_2 = arith.muli %add3A, %mul3A_1 : i32
    "tpu.region"() ({
      %run_scoped3A = tpu.sem_alloc : memref<!tpu.dma_semaphore, #tpu.memory_space<semaphore_mem>>
      %dma_start3A_38 = arith.constant 0 : i32
      %dma_start3A_39 = arith.constant 0 : i32
      %dma_start3A_40 = tpu.memref_slice %arg2[%add3A, %dma_start3A_38, %dma_start3A_39] : memref<32x25x128xi32, #tpu.memory_space<hbm>> -> memref<1x25x128xi32, #tpu.memory_space<hbm>>
      %dma_start3A_41 = tpu.memref_squeeze %dma_start3A_40 : memref<1x25x128xi32, #tpu.memory_space<hbm>> -> memref<25x128xi32, #tpu.memory_space<hbm>>
      %dma_start3A_42 = arith.constant 0 : i32
      %dma_start3A_43 = arith.constant 0 : i32
      %dma_start3A_44 = tpu.memref_slice %arg2[%add3A, %dma_start3A_42, %dma_start3A_43] : memref<32x25x128xi32, #tpu.memory_space<hbm>> -> memref<1x25x128xi32, #tpu.memory_space<hbm>>
      %dma_start3A_45 = tpu.memref_squeeze %dma_start3A_44 : memref<1x25x128xi32, #tpu.memory_space<hbm>> -> memref<25x128xi32, #tpu.memory_space<hbm>>
      tpu.enqueue_dma source(%dma_start3A_45 : memref<25x128xi32, #tpu.memory_space<hbm>>) target(%arg5 : memref<25x128xi32, #tpu.memory_space<vmem>>) target_semaphore(%run_scoped3A : memref<!tpu.dma_semaphore, #tpu.memory_space<semaphore_mem>>)
      %dma_wait3A_46 = arith.constant 0 : i32
      %dma_wait3A_47 = arith.constant 0 : i32
      %dma_wait3A_48 = tpu.memref_slice %arg2[%add3A, %dma_wait3A_46, %dma_wait3A_47] : memref<32x25x128xi32, #tpu.memory_space<hbm>> -> memref<1x25x128xi32, #tpu.memory_space<hbm>>
      %dma_wait3A_49 = tpu.memref_squeeze %dma_wait3A_48 : memref<1x25x128xi32, #tpu.memory_space<hbm>> -> memref<25x128xi32, #tpu.memory_space<hbm>>
      %dma_wait3A_50 = arith.constant 0 : i32
      %dma_wait3A_51 = arith.constant 0 : i32
      %dma_wait3A_52 = tpu.memref_slice %arg2[%add3A, %dma_wait3A_50, %dma_wait3A_51] : memref<32x25x128xi32, #tpu.memory_space<hbm>> -> memref<1x25x128xi32, #tpu.memory_space<hbm>>
      %dma_wait3A_53 = tpu.memref_squeeze %dma_wait3A_52 : memref<1x25x128xi32, #tpu.memory_space<hbm>> -> memref<25x128xi32, #tpu.memory_space<hbm>>
      tpu.wait_dma2 semaphore(%run_scoped3A : memref<!tpu.dma_semaphore, #tpu.memory_space<semaphore_mem>>) src(%dma_wait3A_53 : memref<25x128xi32, #tpu.memory_space<hbm>>) dst(%arg5 : memref<25x128xi32, #tpu.memory_space<vmem>>)
      tpu.yield
    }) : () -> ()
    %dma_start3A = arith.constant 0 : i32
    %dma_start3A_3 = arith.constant 0 : i32
    %dma_start3A_4 = tpu.memref_slice %arg5[%dma_start3A, %dma_start3A_3] : memref<25x128xi32, #tpu.memory_space<vmem>> -> memref<1x128xi32, #tpu.memory_space<vmem>>
    %dma_start3A_5 = tpu.memref_squeeze %dma_start3A_4 : memref<1x128xi32, #tpu.memory_space<vmem>> -> memref<128xi32, #tpu.memory_space<vmem>>
    %dma_start3A_6 = arith.constant 0 : i32
    %dma_start3A_7 = arith.constant 0 : i32
    %dma_start3A_8 = tpu.memref_slice %arg3[%dma_start3A_6, %dma_start3A_7] : memref<100000x128xi32, #tpu.memory_space<hbm>> -> memref<100000x128xi32, #tpu.memory_space<hbm>>
    tpu.enqueue_indirect_dma source(%dma_start3A_8 : memref<100000x128xi32, #tpu.memory_space<hbm>>) target(%arg6 : memref<128x128xi32, #tpu.memory_space<vmem>>) offsets(%dma_start3A_5 : memref<128xi32, #tpu.memory_space<vmem>>) semaphore(%arg8 : memref<!tpu.dma_semaphore, #tpu.memory_space<semaphore_mem>>)
    %scan3A = arith.constant 0 : i32
    %scan3A_9 = arith.constant 0 : i32
    %scan3A_10 = arith.constant 12 : i32
    %scan3A_11 = arith.addi %scan3A_9, %scan3A_10 : i32
    %scan3A_12 = arith.constant 1 : i32
    scf.for %scan3A_38 = %scan3A_9 to %scan3A_11 step %scan3A_12  : i32 {
      %mul3A_39 = arith.constant 2 : i32
      %mul3A_40 = arith.muli %scan3A_38, %mul3A_39 : i32
      %add3A_41 = arith.constant 0 : i32
      %add3A_42 = arith.addi %mul3A_40, %add3A_41 : i32
      %add3A_43 = arith.constant 1 : i32
      %add3A_44 = arith.addi %add3A_42, %add3A_43 : i32
      %lt3A = arith.constant 25 : i32
      %lt3A_45 = arith.cmpi slt, %add3A_44, %lt3A : i32
      %convert_element_type3A = arith.extui %lt3A_45 : i1 to i32
      %cond3A = arith.constant 0 : i32
      %cond3A_46 = arith.cmpi ne, %convert_element_type3A, %cond3A : i32
      scf.if %cond3A_46 {
        %ge3A = arith.constant 1 : i32
        %ge3A_82 = arith.cmpi sge, %add3A_42, %ge3A : i32
        %convert_element_type3A_83 = arith.extui %ge3A_82 : i1 to i32
        %cond3A_84 = arith.constant 0 : i32
        %cond3A_85 = arith.cmpi ne, %convert_element_type3A_83, %cond3A_84 : i32
        scf.if %cond3A_85 {
          %sub3A = arith.constant 1 : i32
          %sub3A_94 = arith.subi %add3A_42, %sub3A : i32
          %mul3A_95 = arith.constant 128 : i32
          %mul3A_96 = arith.muli %sub3A_94, %mul3A_95 : i32
          %add3A_97 = arith.addi %mul3A_2, %mul3A_96 : i32
          %dma_wait3A_98 = arith.constant 0 : i32
          %dma_wait3A_99 = tpu.memref_slice %arg4[%add3A_97, %dma_wait3A_98] : memref<102400x128xi32, #tpu.memory_space<hbm>> -> memref<128x128xi32, #tpu.memory_space<hbm>>
          %dma_wait3A_100 = arith.constant 0 : i32
          %dma_wait3A_101 = tpu.memref_slice %arg4[%add3A_97, %dma_wait3A_100] : memref<102400x128xi32, #tpu.memory_space<hbm>> -> memref<128x128xi32, #tpu.memory_space<hbm>>
          tpu.wait_dma2 semaphore(%arg11 : memref<!tpu.dma_semaphore, #tpu.memory_space<semaphore_mem>>) src(%arg7 : memref<128x128xi32, #tpu.memory_space<vmem>>) dst(%dma_wait3A_101 : memref<128x128xi32, #tpu.memory_space<hbm>>)
        } else {
        }
        %add3A_86 = arith.constant 1 : i32
        %add3A_87 = arith.addi %add3A_42, %add3A_86 : i32
        %dma_start3A_88 = arith.constant 0 : i32
        %dma_start3A_89 = tpu.memref_slice %arg5[%add3A_87, %dma_start3A_88] : memref<25x128xi32, #tpu.memory_space<vmem>> -> memref<1x128xi32, #tpu.memory_space<vmem>>
        %dma_start3A_90 = tpu.memref_squeeze %dma_start3A_89 : memref<1x128xi32, #tpu.memory_space<vmem>> -> memref<128xi32, #tpu.memory_space<vmem>>
        %dma_start3A_91 = arith.constant 0 : i32
        %dma_start3A_92 = arith.constant 0 : i32
        %dma_start3A_93 = tpu.memref_slice %arg3[%dma_start3A_91, %dma_start3A_92] : memref<100000x128xi32, #tpu.memory_space<hbm>> -> memref<100000x128xi32, #tpu.memory_space<hbm>>
        tpu.enqueue_indirect_dma source(%dma_start3A_93 : memref<100000x128xi32, #tpu.memory_space<hbm>>) target(%arg7 : memref<128x128xi32, #tpu.memory_space<vmem>>) offsets(%dma_start3A_90 : memref<128xi32, #tpu.memory_space<vmem>>) semaphore(%arg9 : memref<!tpu.dma_semaphore, #tpu.memory_space<semaphore_mem>>)
      } else {
      }
      %dma_wait3A_47 = arith.constant 0 : i32
      %dma_wait3A_48 = tpu.memref_slice %arg5[%add3A_42, %dma_wait3A_47] : memref<25x128xi32, #tpu.memory_space<vmem>> -> memref<1x128xi32, #tpu.memory_space<vmem>>
      %dma_wait3A_49 = tpu.memref_squeeze %dma_wait3A_48 : memref<1x128xi32, #tpu.memory_space<vmem>> -> memref<128xi32, #tpu.memory_space<vmem>>
      %dma_wait3A_50 = arith.constant 0 : i32
      %dma_wait3A_51 = arith.constant 0 : i32
      %dma_wait3A_52 = tpu.memref_slice %arg3[%dma_wait3A_50, %dma_wait3A_51] : memref<100000x128xi32, #tpu.memory_space<hbm>> -> memref<100000x128xi32, #tpu.memory_space<hbm>>
      tpu.wait_indirect_dma semaphore(%arg8 : memref<!tpu.dma_semaphore, #tpu.memory_space<semaphore_mem>>) src(%dma_wait3A_52 : memref<100000x128xi32, #tpu.memory_space<hbm>>) dst(%arg6 : memref<128x128xi32, #tpu.memory_space<vmem>>)
      %mul3A_53 = arith.constant 128 : i32
      %mul3A_54 = arith.muli %add3A_42, %mul3A_53 : i32
      %add3A_55 = arith.addi %mul3A_2, %mul3A_54 : i32
      %dma_start3A_56 = arith.constant 0 : i32
      %dma_start3A_57 = tpu.memref_slice %arg4[%add3A_55, %dma_start3A_56] : memref<102400x128xi32, #tpu.memory_space<hbm>> -> memref<128x128xi32, #tpu.memory_space<hbm>>
      %dma_start3A_58 = arith.constant 0 : i32
      %dma_start3A_59 = tpu.memref_slice %arg4[%add3A_55, %dma_start3A_58] : memref<102400x128xi32, #tpu.memory_space<hbm>> -> memref<128x128xi32, #tpu.memory_space<hbm>>
      tpu.enqueue_dma source(%arg6 : memref<128x128xi32, #tpu.memory_space<vmem>>) target(%dma_start3A_59 : memref<128x128xi32, #tpu.memory_space<hbm>>) target_semaphore(%arg10 : memref<!tpu.dma_semaphore, #tpu.memory_space<semaphore_mem>>)
      %add3A_60 = arith.constant 1 : i32
      %add3A_61 = arith.addi %mul3A_40, %add3A_60 : i32
      %add3A_62 = arith.constant 1 : i32
      %add3A_63 = arith.addi %add3A_61, %add3A_62 : i32
      %lt3A_64 = arith.constant 25 : i32
      %lt3A_65 = arith.cmpi slt, %add3A_63, %lt3A_64 : i32
      %convert_element_type3A_66 = arith.extui %lt3A_65 : i1 to i32
      %cond3A_67 = arith.constant 0 : i32
      %cond3A_68 = arith.cmpi ne, %convert_element_type3A_66, %cond3A_67 : i32
      scf.if %cond3A_68 {
        %ge3A = arith.constant 1 : i32
        %ge3A_82 = arith.cmpi sge, %add3A_61, %ge3A : i32
        %convert_element_type3A_83 = arith.extui %ge3A_82 : i1 to i32
        %cond3A_84 = arith.constant 0 : i32
        %cond3A_85 = arith.cmpi ne, %convert_element_type3A_83, %cond3A_84 : i32
        scf.if %cond3A_85 {
          %sub3A = arith.constant 1 : i32
          %sub3A_94 = arith.subi %add3A_61, %sub3A : i32
          %mul3A_95 = arith.constant 128 : i32
          %mul3A_96 = arith.muli %sub3A_94, %mul3A_95 : i32
          %add3A_97 = arith.addi %mul3A_2, %mul3A_96 : i32
          %dma_wait3A_98 = arith.constant 0 : i32
          %dma_wait3A_99 = tpu.memref_slice %arg4[%add3A_97, %dma_wait3A_98] : memref<102400x128xi32, #tpu.memory_space<hbm>> -> memref<128x128xi32, #tpu.memory_space<hbm>>
          %dma_wait3A_100 = arith.constant 0 : i32
          %dma_wait3A_101 = tpu.memref_slice %arg4[%add3A_97, %dma_wait3A_100] : memref<102400x128xi32, #tpu.memory_space<hbm>> -> memref<128x128xi32, #tpu.memory_space<hbm>>
          tpu.wait_dma2 semaphore(%arg10 : memref<!tpu.dma_semaphore, #tpu.memory_space<semaphore_mem>>) src(%arg6 : memref<128x128xi32, #tpu.memory_space<vmem>>) dst(%dma_wait3A_101 : memref<128x128xi32, #tpu.memory_space<hbm>>)
        } else {
        }
        %add3A_86 = arith.constant 1 : i32
        %add3A_87 = arith.addi %add3A_61, %add3A_86 : i32
        %dma_start3A_88 = arith.constant 0 : i32
        %dma_start3A_89 = tpu.memref_slice %arg5[%add3A_87, %dma_start3A_88] : memref<25x128xi32, #tpu.memory_space<vmem>> -> memref<1x128xi32, #tpu.memory_space<vmem>>
        %dma_start3A_90 = tpu.memref_squeeze %dma_start3A_89 : memref<1x128xi32, #tpu.memory_space<vmem>> -> memref<128xi32, #tpu.memory_space<vmem>>
        %dma_start3A_91 = arith.constant 0 : i32
        %dma_start3A_92 = arith.constant 0 : i32
        %dma_start3A_93 = tpu.memref_slice %arg3[%dma_start3A_91, %dma_start3A_92] : memref<100000x128xi32, #tpu.memory_space<hbm>> -> memref<100000x128xi32, #tpu.memory_space<hbm>>
        tpu.enqueue_indirect_dma source(%dma_start3A_93 : memref<100000x128xi32, #tpu.memory_space<hbm>>) target(%arg6 : memref<128x128xi32, #tpu.memory_space<vmem>>) offsets(%dma_start3A_90 : memref<128xi32, #tpu.memory_space<vmem>>) semaphore(%arg8 : memref<!tpu.dma_semaphore, #tpu.memory_space<semaphore_mem>>)
      } else {
      }
      %dma_wait3A_69 = arith.constant 0 : i32
      %dma_wait3A_70 = tpu.memref_slice %arg5[%add3A_61, %dma_wait3A_69] : memref<25x128xi32, #tpu.memory_space<vmem>> -> memref<1x128xi32, #tpu.memory_space<vmem>>
      %dma_wait3A_71 = tpu.memref_squeeze %dma_wait3A_70 : memref<1x128xi32, #tpu.memory_space<vmem>> -> memref<128xi32, #tpu.memory_space<vmem>>
      %dma_wait3A_72 = arith.constant 0 : i32
      %dma_wait3A_73 = arith.constant 0 : i32
      %dma_wait3A_74 = tpu.memref_slice %arg3[%dma_wait3A_72, %dma_wait3A_73] : memref<100000x128xi32, #tpu.memory_space<hbm>> -> memref<100000x128xi32, #tpu.memory_space<hbm>>
      tpu.wait_indirect_dma semaphore(%arg9 : memref<!tpu.dma_semaphore, #tpu.memory_space<semaphore_mem>>) src(%dma_wait3A_74 : memref<100000x128xi32, #tpu.memory_space<hbm>>) dst(%arg7 : memref<128x128xi32, #tpu.memory_space<vmem>>)
      %mul3A_75 = arith.constant 128 : i32
      %mul3A_76 = arith.muli %add3A_61, %mul3A_75 : i32
      %add3A_77 = arith.addi %mul3A_2, %mul3A_76 : i32
      %dma_start3A_78 = arith.constant 0 : i32
      %dma_start3A_79 = tpu.memref_slice %arg4[%add3A_77, %dma_start3A_78] : memref<102400x128xi32, #tpu.memory_space<hbm>> -> memref<128x128xi32, #tpu.memory_space<hbm>>
      %dma_start3A_80 = arith.constant 0 : i32
      %dma_start3A_81 = tpu.memref_slice %arg4[%add3A_77, %dma_start3A_80] : memref<102400x128xi32, #tpu.memory_space<hbm>> -> memref<128x128xi32, #tpu.memory_space<hbm>>
      tpu.enqueue_dma source(%arg7 : memref<128x128xi32, #tpu.memory_space<vmem>>) target(%dma_start3A_81 : memref<128x128xi32, #tpu.memory_space<hbm>>) target_semaphore(%arg11 : memref<!tpu.dma_semaphore, #tpu.memory_space<semaphore_mem>>)
    }
    %scan3A_13 = arith.constant 12 : i32
    %dma_wait3A = arith.constant 24 : i32
    %dma_wait3A_14 = arith.constant 0 : i32
    %dma_wait3A_15 = tpu.memref_slice %arg5[%dma_wait3A, %dma_wait3A_14] : memref<25x128xi32, #tpu.memory_space<vmem>> -> memref<1x128xi32, #tpu.memory_space<vmem>>
    %dma_wait3A_16 = tpu.memref_squeeze %dma_wait3A_15 : memref<1x128xi32, #tpu.memory_space<vmem>> -> memref<128xi32, #tpu.memory_space<vmem>>
    %dma_wait3A_17 = arith.constant 0 : i32
    %dma_wait3A_18 = arith.constant 0 : i32
    %dma_wait3A_19 = tpu.memref_slice %arg3[%dma_wait3A_17, %dma_wait3A_18] : memref<100000x128xi32, #tpu.memory_space<hbm>> -> memref<100000x128xi32, #tpu.memory_space<hbm>>
    tpu.wait_indirect_dma semaphore(%arg8 : memref<!tpu.dma_semaphore, #tpu.memory_space<semaphore_mem>>) src(%dma_wait3A_19 : memref<100000x128xi32, #tpu.memory_space<hbm>>) dst(%arg6 : memref<128x128xi32, #tpu.memory_space<vmem>>)
    %add3A_20 = arith.constant 3072 : i32
    %add3A_21 = arith.addi %mul3A_2, %add3A_20 : i32
    %dma_start3A_22 = arith.constant 0 : i32
    %dma_start3A_23 = tpu.memref_slice %arg4[%add3A_21, %dma_start3A_22] : memref<102400x128xi32, #tpu.memory_space<hbm>> -> memref<128x128xi32, #tpu.memory_space<hbm>>
    %dma_start3A_24 = arith.constant 0 : i32
    %dma_start3A_25 = tpu.memref_slice %arg4[%add3A_21, %dma_start3A_24] : memref<102400x128xi32, #tpu.memory_space<hbm>> -> memref<128x128xi32, #tpu.memory_space<hbm>>
    tpu.enqueue_dma source(%arg6 : memref<128x128xi32, #tpu.memory_space<vmem>>) target(%dma_start3A_25 : memref<128x128xi32, #tpu.memory_space<hbm>>) target_semaphore(%arg10 : memref<!tpu.dma_semaphore, #tpu.memory_space<semaphore_mem>>)
    %add3A_26 = arith.constant 2944 : i32
    %add3A_27 = arith.addi %mul3A_2, %add3A_26 : i32
    %dma_wait3A_28 = arith.constant 0 : i32
    %dma_wait3A_29 = tpu.memref_slice %arg4[%add3A_27, %dma_wait3A_28] : memref<102400x128xi32, #tpu.memory_space<hbm>> -> memref<128x128xi32, #tpu.memory_space<hbm>>
    %dma_wait3A_30 = arith.constant 0 : i32
    %dma_wait3A_31 = tpu.memref_slice %arg4[%add3A_27, %dma_wait3A_30] : memref<102400x128xi32, #tpu.memory_space<hbm>> -> memref<128x128xi32, #tpu.memory_space<hbm>>
    tpu.wait_dma2 semaphore(%arg11 : memref<!tpu.dma_semaphore, #tpu.memory_space<semaphore_mem>>) src(%arg7 : memref<128x128xi32, #tpu.memory_space<vmem>>) dst(%dma_wait3A_31 : memref<128x128xi32, #tpu.memory_space<hbm>>)
    %add3A_32 = arith.constant 3072 : i32
    %add3A_33 = arith.addi %mul3A_2, %add3A_32 : i32
    %dma_wait3A_34 = arith.constant 0 : i32
    %dma_wait3A_35 = tpu.memref_slice %arg4[%add3A_33, %dma_wait3A_34] : memref<102400x128xi32, #tpu.memory_space<hbm>> -> memref<128x128xi32, #tpu.memory_space<hbm>>
    %dma_wait3A_36 = arith.constant 0 : i32
    %dma_wait3A_37 = tpu.memref_slice %arg4[%add3A_33, %dma_wait3A_36] : memref<102400x128xi32, #tpu.memory_space<hbm>> -> memref<128x128xi32, #tpu.memory_space<hbm>>
    tpu.wait_dma2 semaphore(%arg10 : memref<!tpu.dma_semaphore, #tpu.memory_space<semaphore_mem>>) src(%arg6 : memref<128x128xi32, #tpu.memory_space<vmem>>) dst(%dma_wait3A_37 : memref<128x128xi32, #tpu.memory_space<hbm>>)
    return
  }
}

#map = affine_map<(d0, d1) -> (0, 0, 0)>
#map1 = affine_map<(d0, d1) -> (0, 0)>
module attributes {stable_mosaic.version = 14 : i64} {
  func.func @_sc_token_body(%arg0: i32, %arg1: i32, %arg2: memref<32x25x128xi32, #tpu.memory_space<hbm>>, %arg3: memref<100000x128xi32, #tpu.memory_space<hbm>>, %arg4: memref<102400x128xi32, #tpu.memory_space<hbm>>, %arg5: memref<25x128xi32, #tpu.memory_space<vmem>>, %arg6: memref<128x128xi32, #tpu.memory_space<vmem>>, %arg7: memref<128x128xi32, #tpu.memory_space<vmem>>, %arg8: memref<!tpu.dma_semaphore, #tpu.memory_space<semaphore_mem>>, %arg9: memref<!tpu.dma_semaphore, #tpu.memory_space<semaphore_mem>>, %arg10: memref<!tpu.dma_semaphore, #tpu.memory_space<semaphore_mem>>, %arg11: memref<!tpu.dma_semaphore, #tpu.memory_space<semaphore_mem>>) attributes {dimension_semantics = [#tpu.dimension_semantics<core_parallel>, #tpu.dimension_semantics<subcore_parallel>], iteration_bounds = array<i64: 2, 16>, scalar_prefetch = 0 : i64, scratch_operands = 7 : i64, tpu.core_type = #tpu.core_type<sc_vector_subcore>, window_params = [{transform_indices = #map}, {transform_indices = #map1}, {transform_indices = #map1}]} {
    %mul3A = arith.constant 2 : i32
    %mul3A_0 = arith.muli %arg1, %mul3A : i32
    %add3A = arith.addi %mul3A_0, %arg0 : i32
    %mul3A_1 = arith.constant 3200 : i32
    %mul3A_2 = arith.muli %add3A, %mul3A_1 : i32
    "tpu.region"() ({
      %run_scoped3A = tpu.sem_alloc : memref<!tpu.dma_semaphore, #tpu.memory_space<semaphore_mem>>
      %dma_start3A_38 = arith.constant 0 : i32
      %dma_start3A_39 = arith.constant 0 : i32
      %dma_start3A_40 = tpu.memref_slice %arg2[%add3A, %dma_start3A_38, %dma_start3A_39] : memref<32x25x128xi32, #tpu.memory_space<hbm>> -> memref<1x25x128xi32, #tpu.memory_space<hbm>>
      %dma_start3A_41 = tpu.memref_squeeze %dma_start3A_40 : memref<1x25x128xi32, #tpu.memory_space<hbm>> -> memref<25x128xi32, #tpu.memory_space<hbm>>
      %dma_start3A_42 = arith.constant 0 : i32
      %dma_start3A_43 = arith.constant 0 : i32
      %dma_start3A_44 = tpu.memref_slice %arg2[%add3A, %dma_start3A_42, %dma_start3A_43] : memref<32x25x128xi32, #tpu.memory_space<hbm>> -> memref<1x25x128xi32, #tpu.memory_space<hbm>>
      %dma_start3A_45 = tpu.memref_squeeze %dma_start3A_44 : memref<1x25x128xi32, #tpu.memory_space<hbm>> -> memref<25x128xi32, #tpu.memory_space<hbm>>
      tpu.enqueue_dma source(%dma_start3A_45 : memref<25x128xi32, #tpu.memory_space<hbm>>) target(%arg5 : memref<25x128xi32, #tpu.memory_space<vmem>>) target_semaphore(%run_scoped3A : memref<!tpu.dma_semaphore, #tpu.memory_space<semaphore_mem>>)
      %dma_wait3A_46 = arith.constant 0 : i32
      %dma_wait3A_47 = arith.constant 0 : i32
      %dma_wait3A_48 = tpu.memref_slice %arg2[%add3A, %dma_wait3A_46, %dma_wait3A_47] : memref<32x25x128xi32, #tpu.memory_space<hbm>> -> memref<1x25x128xi32, #tpu.memory_space<hbm>>
      %dma_wait3A_49 = tpu.memref_squeeze %dma_wait3A_48 : memref<1x25x128xi32, #tpu.memory_space<hbm>> -> memref<25x128xi32, #tpu.memory_space<hbm>>
      %dma_wait3A_50 = arith.constant 0 : i32
      %dma_wait3A_51 = arith.constant 0 : i32
      %dma_wait3A_52 = tpu.memref_slice %arg2[%add3A, %dma_wait3A_50, %dma_wait3A_51] : memref<32x25x128xi32, #tpu.memory_space<hbm>> -> memref<1x25x128xi32, #tpu.memory_space<hbm>>
      %dma_wait3A_53 = tpu.memref_squeeze %dma_wait3A_52 : memref<1x25x128xi32, #tpu.memory_space<hbm>> -> memref<25x128xi32, #tpu.memory_space<hbm>>
      tpu.wait_dma2 semaphore(%run_scoped3A : memref<!tpu.dma_semaphore, #tpu.memory_space<semaphore_mem>>) src(%dma_wait3A_53 : memref<25x128xi32, #tpu.memory_space<hbm>>) dst(%arg5 : memref<25x128xi32, #tpu.memory_space<vmem>>)
      tpu.yield
    }) : () -> ()
    %dma_start3A = arith.constant 0 : i32
    %dma_start3A_3 = arith.constant 0 : i32
    %dma_start3A_4 = tpu.memref_slice %arg5[%dma_start3A, %dma_start3A_3] : memref<25x128xi32, #tpu.memory_space<vmem>> -> memref<1x128xi32, #tpu.memory_space<vmem>>
    %dma_start3A_5 = tpu.memref_squeeze %dma_start3A_4 : memref<1x128xi32, #tpu.memory_space<vmem>> -> memref<128xi32, #tpu.memory_space<vmem>>
    %dma_start3A_6 = arith.constant 0 : i32
    %dma_start3A_7 = arith.constant 0 : i32
    %dma_start3A_8 = tpu.memref_slice %arg3[%dma_start3A_6, %dma_start3A_7] : memref<100000x128xi32, #tpu.memory_space<hbm>> -> memref<100000x128xi32, #tpu.memory_space<hbm>>
    tpu.enqueue_indirect_dma source(%dma_start3A_8 : memref<100000x128xi32, #tpu.memory_space<hbm>>) target(%arg6 : memref<128x128xi32, #tpu.memory_space<vmem>>) offsets(%dma_start3A_5 : memref<128xi32, #tpu.memory_space<vmem>>) semaphore(%arg8 : memref<!tpu.dma_semaphore, #tpu.memory_space<semaphore_mem>>)
    %scan3A = arith.constant 0 : i32
    %scan3A_9 = arith.constant 0 : i32
    %scan3A_10 = arith.constant 12 : i32
    %scan3A_11 = arith.addi %scan3A_9, %scan3A_10 : i32
    %scan3A_12 = arith.constant 1 : i32
    scf.for %scan3A_38 = %scan3A_9 to %scan3A_11 step %scan3A_12  : i32 {
      %mul3A_39 = arith.constant 2 : i32
      %mul3A_40 = arith.muli %scan3A_38, %mul3A_39 : i32
      %add3A_41 = arith.constant 0 : i32
      %add3A_42 = arith.addi %mul3A_40, %add3A_41 : i32
      %add3A_43 = arith.constant 1 : i32
      %add3A_44 = arith.addi %add3A_42, %add3A_43 : i32
      %lt3A = arith.constant 25 : i32
      %lt3A_45 = arith.cmpi slt, %add3A_44, %lt3A : i32
      %convert_element_type3A = arith.extui %lt3A_45 : i1 to i32
      %cond3A = arith.constant 0 : i32
      %cond3A_46 = arith.cmpi ne, %convert_element_type3A, %cond3A : i32
      scf.if %cond3A_46 {
        %ge3A = arith.constant 1 : i32
        %ge3A_82 = arith.cmpi sge, %add3A_42, %ge3A : i32
        %convert_element_type3A_83 = arith.extui %ge3A_82 : i1 to i32
        %cond3A_84 = arith.constant 0 : i32
        %cond3A_85 = arith.cmpi ne, %convert_element_type3A_83, %cond3A_84 : i32
        scf.if %cond3A_85 {
          %sub3A = arith.constant 1 : i32
          %sub3A_94 = arith.subi %add3A_42, %sub3A : i32
          %mul3A_95 = arith.constant 128 : i32
          %mul3A_96 = arith.muli %sub3A_94, %mul3A_95 : i32
          %add3A_97 = arith.addi %mul3A_2, %mul3A_96 : i32
          %dma_wait3A_98 = arith.constant 0 : i32
          %dma_wait3A_99 = tpu.memref_slice %arg4[%add3A_97, %dma_wait3A_98] : memref<102400x128xi32, #tpu.memory_space<hbm>> -> memref<128x128xi32, #tpu.memory_space<hbm>>
          %dma_wait3A_100 = arith.constant 0 : i32
          %dma_wait3A_101 = tpu.memref_slice %arg4[%add3A_97, %dma_wait3A_100] : memref<102400x128xi32, #tpu.memory_space<hbm>> -> memref<128x128xi32, #tpu.memory_space<hbm>>
          tpu.wait_dma2 semaphore(%arg11 : memref<!tpu.dma_semaphore, #tpu.memory_space<semaphore_mem>>) src(%arg7 : memref<128x128xi32, #tpu.memory_space<vmem>>) dst(%dma_wait3A_101 : memref<128x128xi32, #tpu.memory_space<hbm>>)
        } else {
        }
        %add3A_86 = arith.constant 1 : i32
        %add3A_87 = arith.addi %add3A_42, %add3A_86 : i32
        %dma_start3A_88 = arith.constant 0 : i32
        %dma_start3A_89 = tpu.memref_slice %arg5[%add3A_87, %dma_start3A_88] : memref<25x128xi32, #tpu.memory_space<vmem>> -> memref<1x128xi32, #tpu.memory_space<vmem>>
        %dma_start3A_90 = tpu.memref_squeeze %dma_start3A_89 : memref<1x128xi32, #tpu.memory_space<vmem>> -> memref<128xi32, #tpu.memory_space<vmem>>
        %dma_start3A_91 = arith.constant 0 : i32
        %dma_start3A_92 = arith.constant 0 : i32
        %dma_start3A_93 = tpu.memref_slice %arg3[%dma_start3A_91, %dma_start3A_92] : memref<100000x128xi32, #tpu.memory_space<hbm>> -> memref<100000x128xi32, #tpu.memory_space<hbm>>
        tpu.enqueue_indirect_dma source(%dma_start3A_93 : memref<100000x128xi32, #tpu.memory_space<hbm>>) target(%arg7 : memref<128x128xi32, #tpu.memory_space<vmem>>) offsets(%dma_start3A_90 : memref<128xi32, #tpu.memory_space<vmem>>) semaphore(%arg9 : memref<!tpu.dma_semaphore, #tpu.memory_space<semaphore_mem>>)
      } else {
      }
      %dma_wait3A_47 = arith.constant 0 : i32
      %dma_wait3A_48 = tpu.memref_slice %arg5[%add3A_42, %dma_wait3A_47] : memref<25x128xi32, #tpu.memory_space<vmem>> -> memref<1x128xi32, #tpu.memory_space<vmem>>
      %dma_wait3A_49 = tpu.memref_squeeze %dma_wait3A_48 : memref<1x128xi32, #tpu.memory_space<vmem>> -> memref<128xi32, #tpu.memory_space<vmem>>
      %dma_wait3A_50 = arith.constant 0 : i32
      %dma_wait3A_51 = arith.constant 0 : i32
      %dma_wait3A_52 = tpu.memref_slice %arg3[%dma_wait3A_50, %dma_wait3A_51] : memref<100000x128xi32, #tpu.memory_space<hbm>> -> memref<100000x128xi32, #tpu.memory_space<hbm>>
      tpu.wait_indirect_dma semaphore(%arg8 : memref<!tpu.dma_semaphore, #tpu.memory_space<semaphore_mem>>) src(%dma_wait3A_52 : memref<100000x128xi32, #tpu.memory_space<hbm>>) dst(%arg6 : memref<128x128xi32, #tpu.memory_space<vmem>>)
      %mul3A_53 = arith.constant 128 : i32
      %mul3A_54 = arith.muli %add3A_42, %mul3A_53 : i32
      %add3A_55 = arith.addi %mul3A_2, %mul3A_54 : i32
      %dma_start3A_56 = arith.constant 0 : i32
      %dma_start3A_57 = tpu.memref_slice %arg4[%add3A_55, %dma_start3A_56] : memref<102400x128xi32, #tpu.memory_space<hbm>> -> memref<128x128xi32, #tpu.memory_space<hbm>>
      %dma_start3A_58 = arith.constant 0 : i32
      %dma_start3A_59 = tpu.memref_slice %arg4[%add3A_55, %dma_start3A_58] : memref<102400x128xi32, #tpu.memory_space<hbm>> -> memref<128x128xi32, #tpu.memory_space<hbm>>
      tpu.enqueue_dma source(%arg6 : memref<128x128xi32, #tpu.memory_space<vmem>>) target(%dma_start3A_59 : memref<128x128xi32, #tpu.memory_space<hbm>>) target_semaphore(%arg10 : memref<!tpu.dma_semaphore, #tpu.memory_space<semaphore_mem>>)
      %add3A_60 = arith.constant 1 : i32
      %add3A_61 = arith.addi %mul3A_40, %add3A_60 : i32
      %add3A_62 = arith.constant 1 : i32
      %add3A_63 = arith.addi %add3A_61, %add3A_62 : i32
      %lt3A_64 = arith.constant 25 : i32
      %lt3A_65 = arith.cmpi slt, %add3A_63, %lt3A_64 : i32
      %convert_element_type3A_66 = arith.extui %lt3A_65 : i1 to i32
      %cond3A_67 = arith.constant 0 : i32
      %cond3A_68 = arith.cmpi ne, %convert_element_type3A_66, %cond3A_67 : i32
      scf.if %cond3A_68 {
        %ge3A = arith.constant 1 : i32
        %ge3A_82 = arith.cmpi sge, %add3A_61, %ge3A : i32
        %convert_element_type3A_83 = arith.extui %ge3A_82 : i1 to i32
        %cond3A_84 = arith.constant 0 : i32
        %cond3A_85 = arith.cmpi ne, %convert_element_type3A_83, %cond3A_84 : i32
        scf.if %cond3A_85 {
          %sub3A = arith.constant 1 : i32
          %sub3A_94 = arith.subi %add3A_61, %sub3A : i32
          %mul3A_95 = arith.constant 128 : i32
          %mul3A_96 = arith.muli %sub3A_94, %mul3A_95 : i32
          %add3A_97 = arith.addi %mul3A_2, %mul3A_96 : i32
          %dma_wait3A_98 = arith.constant 0 : i32
          %dma_wait3A_99 = tpu.memref_slice %arg4[%add3A_97, %dma_wait3A_98] : memref<102400x128xi32, #tpu.memory_space<hbm>> -> memref<128x128xi32, #tpu.memory_space<hbm>>
          %dma_wait3A_100 = arith.constant 0 : i32
          %dma_wait3A_101 = tpu.memref_slice %arg4[%add3A_97, %dma_wait3A_100] : memref<102400x128xi32, #tpu.memory_space<hbm>> -> memref<128x128xi32, #tpu.memory_space<hbm>>
          tpu.wait_dma2 semaphore(%arg10 : memref<!tpu.dma_semaphore, #tpu.memory_space<semaphore_mem>>) src(%arg6 : memref<128x128xi32, #tpu.memory_space<vmem>>) dst(%dma_wait3A_101 : memref<128x128xi32, #tpu.memory_space<hbm>>)
        } else {
        }
        %add3A_86 = arith.constant 1 : i32
        %add3A_87 = arith.addi %add3A_61, %add3A_86 : i32
        %dma_start3A_88 = arith.constant 0 : i32
        %dma_start3A_89 = tpu.memref_slice %arg5[%add3A_87, %dma_start3A_88] : memref<25x128xi32, #tpu.memory_space<vmem>> -> memref<1x128xi32, #tpu.memory_space<vmem>>
        %dma_start3A_90 = tpu.memref_squeeze %dma_start3A_89 : memref<1x128xi32, #tpu.memory_space<vmem>> -> memref<128xi32, #tpu.memory_space<vmem>>
        %dma_start3A_91 = arith.constant 0 : i32
        %dma_start3A_92 = arith.constant 0 : i32
        %dma_start3A_93 = tpu.memref_slice %arg3[%dma_start3A_91, %dma_start3A_92] : memref<100000x128xi32, #tpu.memory_space<hbm>> -> memref<100000x128xi32, #tpu.memory_space<hbm>>
        tpu.enqueue_indirect_dma source(%dma_start3A_93 : memref<100000x128xi32, #tpu.memory_space<hbm>>) target(%arg6 : memref<128x128xi32, #tpu.memory_space<vmem>>) offsets(%dma_start3A_90 : memref<128xi32, #tpu.memory_space<vmem>>) semaphore(%arg8 : memref<!tpu.dma_semaphore, #tpu.memory_space<semaphore_mem>>)
      } else {
      }
      %dma_wait3A_69 = arith.constant 0 : i32
      %dma_wait3A_70 = tpu.memref_slice %arg5[%add3A_61, %dma_wait3A_69] : memref<25x128xi32, #tpu.memory_space<vmem>> -> memref<1x128xi32, #tpu.memory_space<vmem>>
      %dma_wait3A_71 = tpu.memref_squeeze %dma_wait3A_70 : memref<1x128xi32, #tpu.memory_space<vmem>> -> memref<128xi32, #tpu.memory_space<vmem>>
      %dma_wait3A_72 = arith.constant 0 : i32
      %dma_wait3A_73 = arith.constant 0 : i32
      %dma_wait3A_74 = tpu.memref_slice %arg3[%dma_wait3A_72, %dma_wait3A_73] : memref<100000x128xi32, #tpu.memory_space<hbm>> -> memref<100000x128xi32, #tpu.memory_space<hbm>>
      tpu.wait_indirect_dma semaphore(%arg9 : memref<!tpu.dma_semaphore, #tpu.memory_space<semaphore_mem>>) src(%dma_wait3A_74 : memref<100000x128xi32, #tpu.memory_space<hbm>>) dst(%arg7 : memref<128x128xi32, #tpu.memory_space<vmem>>)
      %mul3A_75 = arith.constant 128 : i32
      %mul3A_76 = arith.muli %add3A_61, %mul3A_75 : i32
      %add3A_77 = arith.addi %mul3A_2, %mul3A_76 : i32
      %dma_start3A_78 = arith.constant 0 : i32
      %dma_start3A_79 = tpu.memref_slice %arg4[%add3A_77, %dma_start3A_78] : memref<102400x128xi32, #tpu.memory_space<hbm>> -> memref<128x128xi32, #tpu.memory_space<hbm>>
      %dma_start3A_80 = arith.constant 0 : i32
      %dma_start3A_81 = tpu.memref_slice %arg4[%add3A_77, %dma_start3A_80] : memref<102400x128xi32, #tpu.memory_space<hbm>> -> memref<128x128xi32, #tpu.memory_space<hbm>>
      tpu.enqueue_dma source(%arg7 : memref<128x128xi32, #tpu.memory_space<vmem>>) target(%dma_start3A_81 : memref<128x128xi32, #tpu.memory_space<hbm>>) target_semaphore(%arg11 : memref<!tpu.dma_semaphore, #tpu.memory_space<semaphore_mem>>)
    }
    %scan3A_13 = arith.constant 12 : i32
    %dma_wait3A = arith.constant 24 : i32
    %dma_wait3A_14 = arith.constant 0 : i32
    %dma_wait3A_15 = tpu.memref_slice %arg5[%dma_wait3A, %dma_wait3A_14] : memref<25x128xi32, #tpu.memory_space<vmem>> -> memref<1x128xi32, #tpu.memory_space<vmem>>
    %dma_wait3A_16 = tpu.memref_squeeze %dma_wait3A_15 : memref<1x128xi32, #tpu.memory_space<vmem>> -> memref<128xi32, #tpu.memory_space<vmem>>
    %dma_wait3A_17 = arith.constant 0 : i32
    %dma_wait3A_18 = arith.constant 0 : i32
    %dma_wait3A_19 = tpu.memref_slice %arg3[%dma_wait3A_17, %dma_wait3A_18] : memref<100000x128xi32, #tpu.memory_space<hbm>> -> memref<100000x128xi32, #tpu.memory_space<hbm>>
    tpu.wait_indirect_dma semaphore(%arg8 : memref<!tpu.dma_semaphore, #tpu.memory_space<semaphore_mem>>) src(%dma_wait3A_19 : memref<100000x128xi32, #tpu.memory_space<hbm>>) dst(%arg6 : memref<128x128xi32, #tpu.memory_space<vmem>>)
    %add3A_20 = arith.constant 3072 : i32
    %add3A_21 = arith.addi %mul3A_2, %add3A_20 : i32
    %dma_start3A_22 = arith.constant 0 : i32
    %dma_start3A_23 = tpu.memref_slice %arg4[%add3A_21, %dma_start3A_22] : memref<102400x128xi32, #tpu.memory_space<hbm>> -> memref<128x128xi32, #tpu.memory_space<hbm>>
    %dma_start3A_24 = arith.constant 0 : i32
    %dma_start3A_25 = tpu.memref_slice %arg4[%add3A_21, %dma_start3A_24] : memref<102400x128xi32, #tpu.memory_space<hbm>> -> memref<128x128xi32, #tpu.memory_space<hbm>>
    tpu.enqueue_dma source(%arg6 : memref<128x128xi32, #tpu.memory_space<vmem>>) target(%dma_start3A_25 : memref<128x128xi32, #tpu.memory_space<hbm>>) target_semaphore(%arg10 : memref<!tpu.dma_semaphore, #tpu.memory_space<semaphore_mem>>)
    %add3A_26 = arith.constant 2944 : i32
    %add3A_27 = arith.addi %mul3A_2, %add3A_26 : i32
    %dma_wait3A_28 = arith.constant 0 : i32
    %dma_wait3A_29 = tpu.memref_slice %arg4[%add3A_27, %dma_wait3A_28] : memref<102400x128xi32, #tpu.memory_space<hbm>> -> memref<128x128xi32, #tpu.memory_space<hbm>>
    %dma_wait3A_30 = arith.constant 0 : i32
    %dma_wait3A_31 = tpu.memref_slice %arg4[%add3A_27, %dma_wait3A_30] : memref<102400x128xi32, #tpu.memory_space<hbm>> -> memref<128x128xi32, #tpu.memory_space<hbm>>
    tpu.wait_dma2 semaphore(%arg11 : memref<!tpu.dma_semaphore, #tpu.memory_space<semaphore_mem>>) src(%arg7 : memref<128x128xi32, #tpu.memory_space<vmem>>) dst(%dma_wait3A_31 : memref<128x128xi32, #tpu.memory_space<hbm>>)
    %add3A_32 = arith.constant 3072 : i32
    %add3A_33 = arith.addi %mul3A_2, %add3A_32 : i32
    %dma_wait3A_34 = arith.constant 0 : i32
    %dma_wait3A_35 = tpu.memref_slice %arg4[%add3A_33, %dma_wait3A_34] : memref<102400x128xi32, #tpu.memory_space<hbm>> -> memref<128x128xi32, #tpu.memory_space<hbm>>
    %dma_wait3A_36 = arith.constant 0 : i32
    %dma_wait3A_37 = tpu.memref_slice %arg4[%add3A_33, %dma_wait3A_36] : memref<102400x128xi32, #tpu.memory_space<hbm>> -> memref<128x128xi32, #tpu.memory_space<hbm>>
    tpu.wait_dma2 semaphore(%arg10 : memref<!tpu.dma_semaphore, #tpu.memory_space<semaphore_mem>>) src(%arg6 : memref<128x128xi32, #tpu.memory_space<vmem>>) dst(%dma_wait3A_37 : memref<128x128xi32, #tpu.memory_space<hbm>>)
    return
  }
}

module attributes {stable_mosaic.version = 14 : i64} {
  func.func @_precompute_body(%arg0: i32, %arg1: memref<800x128xf32, #tpu.memory_space<vmem>>, %arg2: memref<800x128xf32, #tpu.memory_space<vmem>>, %arg3: memref<128x128xf32, #tpu.memory_space<vmem>>, %arg4: memref<1x128xf32, #tpu.memory_space<vmem>>, %arg5: memref<800x128xi32, #tpu.memory_space<vmem>>) attributes {dimension_semantics = [#tpu.dimension_semantics<arbitrary>], iteration_bounds = array<i64: 125>, scalar_prefetch = 0 : i64, scratch_operands = 0 : i64, tpu.core_type = #tpu.core_type<tc>, window_params = [{transform_indices = @transform_0, window_bounds = array<i64: 800, 128>}, {transform_indices = @transform_1, window_bounds = array<i64: 800, 128>}, {pipeline_mode = #tpu.pipeline_mode<synchronous>, transform_indices = @transform_2, window_bounds = array<i64: 128, 128>}, {pipeline_mode = #tpu.pipeline_mode<synchronous>, transform_indices = @transform_3, window_bounds = array<i64: 1, 128>}, {transform_indices = @transform_4, window_bounds = array<i64: 800, 128>}]} {
    %get3A = arith.constant 0 : index
    %get3A_0 = arith.constant 0 : index
    %get3A_1 = vector.load %arg1[%get3A, %get3A_0] : memref<800x128xf32, #tpu.memory_space<vmem>>, vector<800x128xf32>
    %get3A_2 = arith.constant 0 : index
    %get3A_3 = arith.constant 0 : index
    %get3A_4 = vector.load %arg3[%get3A_2, %get3A_3] : memref<128x128xf32, #tpu.memory_space<vmem>>, vector<128x128xf32>
    %dot_general3A = arith.constant dense<0.000000e+00> : vector<800x128xf32>
    %dot_general3A_5 = tpu.matmul %get3A_1, %get3A_4, %dot_general3A {dimension_numbers = #tpu.dot_dimension_numbers<[1], [0], [0], [1], [0, 0, 1, 1], [], []>, transpose_lhs_hint = false} : vector<800x128xf32>, vector<128x128xf32>, vector<800x128xf32> -> vector<800x128xf32>
    %get3A_6 = arith.constant 0 : index
    %get3A_7 = arith.constant 0 : index
    %get3A_8 = vector.load %arg4[%get3A_6, %get3A_7] : memref<1x128xf32, #tpu.memory_space<vmem>>, vector<1x128xf32>
    %add3A = vector.broadcast %get3A_8 : vector<1x128xf32> to vector<800x128xf32>
    %add3A_9 = arith.addf %dot_general3A_5, %add3A : vector<800x128xf32>
    %bitcast_convert_type3A = tpu.bitcast %add3A_9 : vector<800x128xf32> -> vector<800x128xi32>
    %add3A_10 = arith.constant 32768 : i32
    %add3A_11 = vector.broadcast %add3A_10 : i32 to vector<800x128xi32>
    %add3A_12 = arith.addi %bitcast_convert_type3A, %add3A_11 : vector<800x128xi32>
    %and3A = arith.constant -65536 : i32
    %and3A_13 = vector.broadcast %and3A : i32 to vector<800x128xi32>
    %and3A_14 = arith.andi %add3A_12, %and3A_13 : vector<800x128xi32>
    %get3A_15 = arith.constant 0 : index
    %get3A_16 = arith.constant 0 : index
    %get3A_17 = vector.load %arg2[%get3A_15, %get3A_16] : memref<800x128xf32, #tpu.memory_space<vmem>>, vector<800x128xf32>
    %bitcast_convert_type3A_18 = tpu.bitcast %get3A_17 : vector<800x128xf32> -> vector<800x128xi32>
    %add3A_19 = arith.constant 32768 : i32
    %add3A_20 = vector.broadcast %add3A_19 : i32 to vector<800x128xi32>
    %add3A_21 = arith.addi %bitcast_convert_type3A_18, %add3A_20 : vector<800x128xi32>
    %shift_right_logical3A = arith.constant 16 : i32
    %shift_right_logical3A_22 = vector.broadcast %shift_right_logical3A : i32 to vector<800x128xi32>
    %shift_right_logical3A_23 = arith.shrui %add3A_21, %shift_right_logical3A_22 : vector<800x128xi32>
    %or3A = arith.ori %and3A_14, %shift_right_logical3A_23 : vector<800x128xi32>
    %bitcast_convert_type3A_24 = tpu.bitcast %or3A : vector<800x128xi32> -> vector<800x128xi32>
    %swap3A = arith.constant 0 : index
    %swap3A_25 = arith.constant 0 : index
    %swap3A_26 = vector.load %arg5[%swap3A, %swap3A_25] : memref<800x128xi32, #tpu.memory_space<vmem>>, vector<800x128xi32>
    tpu.vector_store %arg5[%swap3A, %swap3A_25], %bitcast_convert_type3A_24 {strides = array<i32>} : memref<800x128xi32, #tpu.memory_space<vmem>>, vector<800x128xi32>,
    return
  }
  func.func @transform_0(%arg0: i32) -> (i32, i32) {
    %c0_i32 = arith.constant 0 : i32
    %c0_i32_0 = arith.constant 0 : i32
    return %arg0, %c0_i32 : i32, i32
  }
  func.func @transform_1(%arg0: i32) -> (i32, i32) {
    %c0_i32 = arith.constant 0 : i32
    %c0_i32_0 = arith.constant 0 : i32
    return %arg0, %c0_i32 : i32, i32
  }
  func.func @transform_2(%arg0: i32) -> (i32, i32) {
    %c0_i32 = arith.constant 0 : i32
    %c0_i32_0 = arith.constant 0 : i32
    %c0_i32_1 = arith.constant 0 : i32
    return %c0_i32, %c0_i32_0 : i32, i32
  }
  func.func @transform_3(%arg0: i32) -> (i32, i32) {
    %c0_i32 = arith.constant 0 : i32
    %c0_i32_0 = arith.constant 0 : i32
    %c0_i32_1 = arith.constant 0 : i32
    return %c0_i32, %c0_i32_0 : i32, i32
  }
  func.func @transform_4(%arg0: i32) -> (i32, i32) {
    %c0_i32 = arith.constant 0 : i32
    %c0_i32_0 = arith.constant 0 : i32
    return %arg0, %c0_i32 : i32, i32
  }
}

module attributes {stable_mosaic.version = 14 : i64} {
  func.func @_mlp_body(%arg0: i32, %arg1: memref<12800x128xi32, #tpu.memory_space<vmem>>, %arg2: memref<128x128xf32, #tpu.memory_space<vmem>>, %arg3: memref<128x128xf32, #tpu.memory_space<vmem>>, %arg4: memref<128x128xf32, #tpu.memory_space<vmem>>, %arg5: memref<128x128xbf16, #tpu.memory_space<vmem>>, %arg6: memref<1x128xf32, #tpu.memory_space<vmem>>, %arg7: memref<128x128xbf16, #tpu.memory_space<vmem>>, %arg8: memref<1x128xf32, #tpu.memory_space<vmem>>, %arg9: memref<2x128xf32, #tpu.memory_space<vmem>>, %arg10: memref<1x1xf32, #tpu.memory_space<vmem>>, %arg11: memref<1x1x12800xf32, #tpu.memory_space<vmem>>) attributes {dimension_semantics = [#tpu.dimension_semantics<arbitrary>], iteration_bounds = array<i64: 8>, scalar_prefetch = 0 : i64, scratch_operands = 0 : i64, tpu.core_type = #tpu.core_type<tc>, window_params = [{transform_indices = @transform_0, window_bounds = array<i64: 12800, 128>}, {transform_indices = @transform_1, window_bounds = array<i64: 128, 128>}, {transform_indices = @transform_2, window_bounds = array<i64: 128, 128>}, {pipeline_mode = #tpu.pipeline_mode<synchronous>, transform_indices = @transform_3, window_bounds = array<i64: 128, 128>}, {pipeline_mode = #tpu.pipeline_mode<synchronous>, transform_indices = @transform_4, window_bounds = array<i64: 128, 128>}, {pipeline_mode = #tpu.pipeline_mode<synchronous>, transform_indices = @transform_5, window_bounds = array<i64: 1, 128>}, {pipeline_mode = #tpu.pipeline_mode<synchronous>, transform_indices = @transform_6, window_bounds = array<i64: 128, 128>}, {pipeline_mode = #tpu.pipeline_mode<synchronous>, transform_indices = @transform_7, window_bounds = array<i64: 1, 128>}, {pipeline_mode = #tpu.pipeline_mode<synchronous>, transform_indices = @transform_8, window_bounds = array<i64: 2, 128>}, {pipeline_mode = #tpu.pipeline_mode<synchronous>, transform_indices = @transform_9, window_bounds = array<i64: 1, 1>}, {transform_indices = @transform_10, window_bounds = array<i64: 1, 1, 12800>}]} {
    %iota3A = tpu.iota {dimensions = array<i32: 0>} : vector<12800x128xi32>
    %jit3A = arith.constant 100 : i32
    %div3A = vector.broadcast %jit3A : i32 to vector<12800x128xi32>
    %div3A_0 = arith.divsi %iota3A, %div3A : vector<12800x128xi32>
    %sign3A = arith.constant 0 : i32
    %sign3A_1 = vector.broadcast %sign3A : i32 to vector<12800x128xi32>
    %sign3A_2 = arith.cmpi sgt, %iota3A, %sign3A_1 : vector<12800x128xi32>
    %sign3A_3 = arith.extui %sign3A_2 : vector<12800x128xi1> to vector<12800x128xi32>
    %sign3A_4 = arith.constant 0 : i32
    %sign3A_5 = vector.broadcast %sign3A_4 : i32 to vector<12800x128xi32>
    %sign3A_6 = arith.cmpi slt, %iota3A, %sign3A_5 : vector<12800x128xi32>
    %sign3A_7 = arith.extui %sign3A_6 : vector<12800x128xi1> to vector<12800x128xi32>
    %sign3A_8 = arith.subi %sign3A_3, %sign3A_7 : vector<12800x128xi32>
    %sign3A_9 = arith.constant 0 : i32
    %sign3A_10 = arith.cmpi sgt, %jit3A, %sign3A_9 : i32
    %sign3A_11 = arith.extui %sign3A_10 : i1 to i32
    %sign3A_12 = arith.constant 0 : i32
    %sign3A_13 = arith.cmpi slt, %jit3A, %sign3A_12 : i32
    %sign3A_14 = arith.extui %sign3A_13 : i1 to i32
    %sign3A_15 = arith.subi %sign3A_11, %sign3A_14 : i32
    %ne3A = vector.broadcast %sign3A_15 : i32 to vector<12800x128xi32>
    %ne3A_16 = arith.cmpi ne, %sign3A_8, %ne3A : vector<12800x128xi32>
    %rem3A = vector.broadcast %jit3A : i32 to vector<12800x128xi32>
    %rem3A_17 = arith.remsi %iota3A, %rem3A : vector<12800x128xi32>
    %ne3A_18 = arith.constant 0 : i32
    %ne3A_19 = vector.broadcast %ne3A_18 : i32 to vector<12800x128xi32>
    %ne3A_20 = arith.cmpi ne, %rem3A_17, %ne3A_19 : vector<12800x128xi32>
    %and3A = arith.andi %ne3A_16, %ne3A_20 : vector<12800x128xi1>
    %sub3A = arith.constant 1 : i32
    %sub3A_21 = vector.broadcast %sub3A : i32 to vector<12800x128xi32>
    %sub3A_22 = arith.subi %div3A_0, %sub3A_21 : vector<12800x128xi32>
    %select_n3A = arith.select %and3A, %sub3A_22, %div3A_0 : vector<12800x128xi1>, vector<12800x128xi32>
    %iota3A_23 = tpu.iota {dimensions = array<i32: 1>} : vector<12800x128xi32>
    %eq3A = arith.cmpi eq, %select_n3A, %iota3A_23 : vector<12800x128xi32>
    %convert_element_type3A = arith.extui %eq3A : vector<12800x128xi1> to vector<12800x128xi32>
    %convert_element_type3A_24 = arith.sitofp %convert_element_type3A : vector<12800x128xi32> to vector<12800x128xf32>
    %get3A = arith.constant 0 : index
    %get3A_25 = arith.constant 0 : index
    %get3A_26 = vector.load %arg2[%get3A, %get3A_25] : memref<128x128xf32, #tpu.memory_space<vmem>>, vector<128x128xf32>
    %get3A_27 = arith.constant 0 : index
    %get3A_28 = arith.constant 0 : index
    %get3A_29 = vector.load %arg4[%get3A_27, %get3A_28] : memref<128x128xf32, #tpu.memory_space<vmem>>, vector<128x128xf32>
    %dot_general3A = arith.constant dense<0.000000e+00> : vector<128x128xf32>
    %dot_general3A_30 = tpu.matmul %get3A_26, %get3A_29, %dot_general3A {dimension_numbers = #tpu.dot_dimension_numbers<[1], [0], [0], [1], [0, 0, 1, 1], [], []>, transpose_lhs_hint = false} : vector<128x128xf32>, vector<128x128xf32>, vector<128x128xf32> -> vector<128x128xf32>
    %get3A_31 = arith.constant 0 : index
    %get3A_32 = arith.constant 0 : index
    %get3A_33 = vector.load %arg3[%get3A_31, %get3A_32] : memref<128x128xf32, #tpu.memory_space<vmem>>, vector<128x128xf32>
    %get3A_34 = arith.constant 1 : index
    %get3A_35 = arith.constant 0 : index
    %get3A_36 = vector.load %arg9[%get3A_34, %get3A_35] : memref<2x128xf32, #tpu.memory_space<vmem>>, vector<1x128xf32>
    %mul3A = vector.broadcast %get3A_36 : vector<1x128xf32> to vector<128x128xf32>
    %mul3A_37 = arith.mulf %get3A_33, %mul3A : vector<128x128xf32>
    %dot_general3A_38 = arith.constant dense<0.000000e+00> : vector<12800x128xf32>
    %dot_general3A_39 = tpu.matmul %convert_element_type3A_24, %dot_general3A_30, %dot_general3A_38 {dimension_numbers = #tpu.dot_dimension_numbers<[1], [0], [0], [1], [0, 0, 1, 1], [], []>, transpose_lhs_hint = false} : vector<12800x128xf32>, vector<128x128xf32>, vector<12800x128xf32> -> vector<12800x128xf32>
    %dot_general3A_40 = arith.constant dense<0.000000e+00> : vector<12800x128xf32>
    %dot_general3A_41 = tpu.matmul %convert_element_type3A_24, %mul3A_37, %dot_general3A_40 {dimension_numbers = #tpu.dot_dimension_numbers<[1], [0], [0], [1], [0, 0, 1, 1], [], []>, transpose_lhs_hint = false} : vector<12800x128xf32>, vector<128x128xf32>, vector<12800x128xf32> -> vector<12800x128xf32>
    %get3A_42 = arith.constant 0 : index
    %get3A_43 = arith.constant 0 : index
    %get3A_44 = vector.load %arg1[%get3A_42, %get3A_43] : memref<12800x128xi32, #tpu.memory_space<vmem>>, vector<12800x128xi32>
    %bitcast_convert_type3A = tpu.bitcast %get3A_44 : vector<12800x128xi32> -> vector<12800x128xi32>
    %and3A_45 = arith.constant -65536 : i32
    %and3A_46 = vector.broadcast %and3A_45 : i32 to vector<12800x128xi32>
    %and3A_47 = arith.andi %bitcast_convert_type3A, %and3A_46 : vector<12800x128xi32>
    %bitcast_convert_type3A_48 = tpu.bitcast %and3A_47 : vector<12800x128xi32> -> vector<12800x128xf32>
    %shift_left3A = arith.constant 16 : i32
    %shift_left3A_49 = vector.broadcast %shift_left3A : i32 to vector<12800x128xi32>
    %shift_left3A_50 = arith.shli %bitcast_convert_type3A, %shift_left3A_49 : vector<12800x128xi32>
    %bitcast_convert_type3A_51 = tpu.bitcast %shift_left3A_50 : vector<12800x128xi32> -> vector<12800x128xf32>
    %add3A = arith.addf %bitcast_convert_type3A_48, %dot_general3A_39 : vector<12800x128xf32>
    %max3A = arith.constant 0.000000e+00 : f32
    %max3A_52 = vector.broadcast %max3A : f32 to vector<12800x128xf32>
    %max3A_53 = arith.maximumf %add3A, %max3A_52 : vector<12800x128xf32>
    %convert_element_type3A_54 = arith.truncf %max3A_53 : vector<12800x128xf32> to vector<12800x128xbf16>
    %get3A_55 = arith.constant 0 : index
    %get3A_56 = arith.constant 0 : index
    %get3A_57 = vector.load %arg5[%get3A_55, %get3A_56] : memref<128x128xbf16, #tpu.memory_space<vmem>>, vector<128x128xbf16>
    %dot_general3A_58 = arith.constant dense<0.000000e+00> : vector<12800x128xf32>
    %dot_general3A_59 = tpu.matmul %convert_element_type3A_54, %get3A_57, %dot_general3A_58 {dimension_numbers = #tpu.dot_dimension_numbers<[1], [0], [0], [1], [0, 0, 1, 1], [], []>, transpose_lhs_hint = false} : vector<12800x128xbf16>, vector<128x128xbf16>, vector<12800x128xf32> -> vector<12800x128xf32>
    %get3A_60 = arith.constant 0 : index
    %get3A_61 = arith.constant 0 : index
    %get3A_62 = vector.load %arg6[%get3A_60, %get3A_61] : memref<1x128xf32, #tpu.memory_space<vmem>>, vector<1x128xf32>
    %add3A_63 = vector.broadcast %get3A_62 : vector<1x128xf32> to vector<12800x128xf32>
    %add3A_64 = arith.addf %dot_general3A_59, %add3A_63 : vector<12800x128xf32>
    %max3A_65 = arith.constant 0.000000e+00 : f32
    %max3A_66 = vector.broadcast %max3A_65 : f32 to vector<12800x128xf32>
    %max3A_67 = arith.maximumf %add3A_64, %max3A_66 : vector<12800x128xf32>
    %convert_element_type3A_68 = arith.truncf %max3A_67 : vector<12800x128xf32> to vector<12800x128xbf16>
    %get3A_69 = arith.constant 0 : index
    %get3A_70 = arith.constant 0 : index
    %get3A_71 = vector.load %arg7[%get3A_69, %get3A_70] : memref<128x128xbf16, #tpu.memory_space<vmem>>, vector<128x128xbf16>
    %dot_general3A_72 = arith.constant dense<0.000000e+00> : vector<12800x128xf32>
    %dot_general3A_73 = tpu.matmul %convert_element_type3A_68, %get3A_71, %dot_general3A_72 {dimension_numbers = #tpu.dot_dimension_numbers<[1], [0], [0], [1], [0, 0, 1, 1], [], []>, transpose_lhs_hint = false} : vector<12800x128xbf16>, vector<128x128xbf16>, vector<12800x128xf32> -> vector<12800x128xf32>
    %get3A_74 = arith.constant 0 : index
    %get3A_75 = arith.constant 0 : index
    %get3A_76 = vector.load %arg8[%get3A_74, %get3A_75] : memref<1x128xf32, #tpu.memory_space<vmem>>, vector<1x128xf32>
    %add3A_77 = vector.broadcast %get3A_76 : vector<1x128xf32> to vector<12800x128xf32>
    %add3A_78 = arith.addf %dot_general3A_73, %add3A_77 : vector<12800x128xf32>
    %max3A_79 = arith.constant 0.000000e+00 : f32
    %max3A_80 = vector.broadcast %max3A_79 : f32 to vector<12800x128xf32>
    %max3A_81 = arith.maximumf %add3A_78, %max3A_80 : vector<12800x128xf32>
    %get3A_82 = arith.constant 0 : index
    %get3A_83 = arith.constant 0 : index
    %get3A_84 = vector.load %arg9[%get3A_82, %get3A_83] : memref<2x128xf32, #tpu.memory_space<vmem>>, vector<1x128xf32>
    %dot_general3A_85 = arith.constant dense<0.000000e+00> : vector<1x12800xf32>
    %dot_general3A_86 = tpu.matmul %get3A_84, %max3A_81, %dot_general3A_85 {dimension_numbers = #tpu.dot_dimension_numbers<[1], [1], [0], [0], [0, 0, 1, 0], [], []>, transpose_lhs_hint = false} : vector<1x128xf32>, vector<12800x128xf32>, vector<1x12800xf32> -> vector<1x12800xf32>
    %broadcast_in_dim3A = arith.constant 1.000000e+00 : f32
    %broadcast_in_dim3A_87 = vector.broadcast %broadcast_in_dim3A : f32 to vector<1x128xf32>
    %mul3A_88 = arith.mulf %bitcast_convert_type3A_51, %dot_general3A_41 : vector<12800x128xf32>
    %dot_general3A_89 = arith.constant dense<0.000000e+00> : vector<1x12800xf32>
    %dot_general3A_90 = tpu.matmul %broadcast_in_dim3A_87, %mul3A_88, %dot_general3A_89 {dimension_numbers = #tpu.dot_dimension_numbers<[1], [1], [0], [0], [0, 0, 1, 0], [], []>, transpose_lhs_hint = false} : vector<1x128xf32>, vector<12800x128xf32>, vector<1x12800xf32> -> vector<1x12800xf32>
    %add3A_91 = arith.addf %dot_general3A_86, %dot_general3A_90 : vector<1x12800xf32>
    %get3A_92 = arith.constant 0 : index
    %get3A_93 = arith.constant 0 : index
    %get3A_94 = vector.load %arg10[%get3A_92, %get3A_93] : memref<1x1xf32, #tpu.memory_space<vmem>>, vector<1x1xf32>
    %get3A_95 = vector.extract %get3A_94[0, 0] : f32 from vector<1x1xf32>
    %add3A_96 = vector.broadcast %get3A_95 : f32 to vector<1x12800xf32>
    %add3A_97 = arith.addf %add3A_91, %add3A_96 : vector<1x12800xf32>
    %broadcast_in_dim3A_98 = vector.shape_cast %add3A_97 : vector<1x12800xf32> to vector<1x1x12800xf32>
    %swap3A = arith.constant 0 : index
    %swap3A_99 = arith.constant 0 : index
    %swap3A_100 = arith.constant 0 : index
    %swap3A_101 = vector.load %arg11[%swap3A, %swap3A_99, %swap3A_100] : memref<1x1x12800xf32, #tpu.memory_space<vmem>>, vector<1x1x12800xf32>
    tpu.vector_store %arg11[%swap3A, %swap3A_99, %swap3A_100], %broadcast_in_dim3A_98 {strides = array<i32>} : memref<1x1x12800xf32, #tpu.memory_space<vmem>>, vector<1x1x12800xf32>,
    return
  }
  func.func @transform_0(%arg0: i32) -> (i32, i32) {
    %c0_i32 = arith.constant 0 : i32
    %c0_i32_0 = arith.constant 0 : i32
    return %arg0, %c0_i32 : i32, i32
  }
  func.func @transform_1(%arg0: i32) -> (i32, i32) {
    %add3A = arith.constant 8 : i32
    %add3A_0 = arith.addi %add3A, %arg0 : i32
    %c0_i32 = arith.constant 0 : i32
    %c0_i32_1 = arith.constant 0 : i32
    return %add3A_0, %c0_i32 : i32, i32
  }
  func.func @transform_2(%arg0: i32) -> (i32, i32) {
    %add3A = arith.constant 8 : i32
    %add3A_0 = arith.addi %add3A, %arg0 : i32
    %c0_i32 = arith.constant 0 : i32
    %c0_i32_1 = arith.constant 0 : i32
    return %add3A_0, %c0_i32 : i32, i32
  }
  func.func @transform_3(%arg0: i32) -> (i32, i32) {
    %c0_i32 = arith.constant 0 : i32
    %c0_i32_0 = arith.constant 0 : i32
    %c0_i32_1 = arith.constant 0 : i32
    return %c0_i32, %c0_i32_0 : i32, i32
  }
  func.func @transform_4(%arg0: i32) -> (i32, i32) {
    %c0_i32 = arith.constant 0 : i32
    %c0_i32_0 = arith.constant 0 : i32
    %c0_i32_1 = arith.constant 0 : i32
    return %c0_i32, %c0_i32_0 : i32, i32
  }
  func.func @transform_5(%arg0: i32) -> (i32, i32) {
    %c0_i32 = arith.constant 0 : i32
    %c0_i32_0 = arith.constant 0 : i32
    %c0_i32_1 = arith.constant 0 : i32
    return %c0_i32, %c0_i32_0 : i32, i32
  }
  func.func @transform_6(%arg0: i32) -> (i32, i32) {
    %c0_i32 = arith.constant 0 : i32
    %c0_i32_0 = arith.constant 0 : i32
    %c0_i32_1 = arith.constant 0 : i32
    return %c0_i32, %c0_i32_0 : i32, i32
  }
  func.func @transform_7(%arg0: i32) -> (i32, i32) {
    %c0_i32 = arith.constant 0 : i32
    %c0_i32_0 = arith.constant 0 : i32
    %c0_i32_1 = arith.constant 0 : i32
    return %c0_i32, %c0_i32_0 : i32, i32
  }
  func.func @transform_8(%arg0: i32) -> (i32, i32) {
    %c0_i32 = arith.constant 0 : i32
    %c0_i32_0 = arith.constant 0 : i32
    %c0_i32_1 = arith.constant 0 : i32
    return %c0_i32, %c0_i32_0 : i32, i32
  }
  func.func @transform_9(%arg0: i32) -> (i32, i32) {
    %c0_i32 = arith.constant 0 : i32
    %c0_i32_0 = arith.constant 0 : i32
    %c0_i32_1 = arith.constant 0 : i32
    return %c0_i32, %c0_i32_0 : i32, i32
  }
  func.func @transform_10(%arg0: i32) -> (i32, i32, i32) {
    %c0_i32 = arith.constant 0 : i32
    %c0_i32_0 = arith.constant 0 : i32
    %c0_i32_1 = arith.constant 0 : i32
    return %arg0, %c0_i32, %c0_i32_0 : i32, i32, i32
  }
}

module attributes {stable_mosaic.version = 14 : i64} {
  func.func @_mlp_body(%arg0: i32, %arg1: memref<12800x128xi32, #tpu.memory_space<vmem>>, %arg2: memref<128x128xf32, #tpu.memory_space<vmem>>, %arg3: memref<128x128xf32, #tpu.memory_space<vmem>>, %arg4: memref<128x128xf32, #tpu.memory_space<vmem>>, %arg5: memref<128x128xbf16, #tpu.memory_space<vmem>>, %arg6: memref<1x128xf32, #tpu.memory_space<vmem>>, %arg7: memref<128x128xbf16, #tpu.memory_space<vmem>>, %arg8: memref<1x128xf32, #tpu.memory_space<vmem>>, %arg9: memref<2x128xf32, #tpu.memory_space<vmem>>, %arg10: memref<1x1xf32, #tpu.memory_space<vmem>>, %arg11: memref<1x1x12800xf32, #tpu.memory_space<vmem>>) attributes {dimension_semantics = [#tpu.dimension_semantics<arbitrary>], iteration_bounds = array<i64: 8>, scalar_prefetch = 0 : i64, scratch_operands = 0 : i64, tpu.core_type = #tpu.core_type<tc>, window_params = [{transform_indices = @transform_0, window_bounds = array<i64: 12800, 128>}, {transform_indices = @transform_1, window_bounds = array<i64: 128, 128>}, {transform_indices = @transform_2, window_bounds = array<i64: 128, 128>}, {pipeline_mode = #tpu.pipeline_mode<synchronous>, transform_indices = @transform_3, window_bounds = array<i64: 128, 128>}, {pipeline_mode = #tpu.pipeline_mode<synchronous>, transform_indices = @transform_4, window_bounds = array<i64: 128, 128>}, {pipeline_mode = #tpu.pipeline_mode<synchronous>, transform_indices = @transform_5, window_bounds = array<i64: 1, 128>}, {pipeline_mode = #tpu.pipeline_mode<synchronous>, transform_indices = @transform_6, window_bounds = array<i64: 128, 128>}, {pipeline_mode = #tpu.pipeline_mode<synchronous>, transform_indices = @transform_7, window_bounds = array<i64: 1, 128>}, {pipeline_mode = #tpu.pipeline_mode<synchronous>, transform_indices = @transform_8, window_bounds = array<i64: 2, 128>}, {pipeline_mode = #tpu.pipeline_mode<synchronous>, transform_indices = @transform_9, window_bounds = array<i64: 1, 1>}, {transform_indices = @transform_10, window_bounds = array<i64: 1, 1, 12800>}]} {
    %iota3A = tpu.iota {dimensions = array<i32: 0>} : vector<12800x128xi32>
    %jit3A = arith.constant 100 : i32
    %div3A = vector.broadcast %jit3A : i32 to vector<12800x128xi32>
    %div3A_0 = arith.divsi %iota3A, %div3A : vector<12800x128xi32>
    %sign3A = arith.constant 0 : i32
    %sign3A_1 = vector.broadcast %sign3A : i32 to vector<12800x128xi32>
    %sign3A_2 = arith.cmpi sgt, %iota3A, %sign3A_1 : vector<12800x128xi32>
    %sign3A_3 = arith.extui %sign3A_2 : vector<12800x128xi1> to vector<12800x128xi32>
    %sign3A_4 = arith.constant 0 : i32
    %sign3A_5 = vector.broadcast %sign3A_4 : i32 to vector<12800x128xi32>
    %sign3A_6 = arith.cmpi slt, %iota3A, %sign3A_5 : vector<12800x128xi32>
    %sign3A_7 = arith.extui %sign3A_6 : vector<12800x128xi1> to vector<12800x128xi32>
    %sign3A_8 = arith.subi %sign3A_3, %sign3A_7 : vector<12800x128xi32>
    %sign3A_9 = arith.constant 0 : i32
    %sign3A_10 = arith.cmpi sgt, %jit3A, %sign3A_9 : i32
    %sign3A_11 = arith.extui %sign3A_10 : i1 to i32
    %sign3A_12 = arith.constant 0 : i32
    %sign3A_13 = arith.cmpi slt, %jit3A, %sign3A_12 : i32
    %sign3A_14 = arith.extui %sign3A_13 : i1 to i32
    %sign3A_15 = arith.subi %sign3A_11, %sign3A_14 : i32
    %ne3A = vector.broadcast %sign3A_15 : i32 to vector<12800x128xi32>
    %ne3A_16 = arith.cmpi ne, %sign3A_8, %ne3A : vector<12800x128xi32>
    %rem3A = vector.broadcast %jit3A : i32 to vector<12800x128xi32>
    %rem3A_17 = arith.remsi %iota3A, %rem3A : vector<12800x128xi32>
    %ne3A_18 = arith.constant 0 : i32
    %ne3A_19 = vector.broadcast %ne3A_18 : i32 to vector<12800x128xi32>
    %ne3A_20 = arith.cmpi ne, %rem3A_17, %ne3A_19 : vector<12800x128xi32>
    %and3A = arith.andi %ne3A_16, %ne3A_20 : vector<12800x128xi1>
    %sub3A = arith.constant 1 : i32
    %sub3A_21 = vector.broadcast %sub3A : i32 to vector<12800x128xi32>
    %sub3A_22 = arith.subi %div3A_0, %sub3A_21 : vector<12800x128xi32>
    %select_n3A = arith.select %and3A, %sub3A_22, %div3A_0 : vector<12800x128xi1>, vector<12800x128xi32>
    %iota3A_23 = tpu.iota {dimensions = array<i32: 1>} : vector<12800x128xi32>
    %eq3A = arith.cmpi eq, %select_n3A, %iota3A_23 : vector<12800x128xi32>
    %convert_element_type3A = arith.extui %eq3A : vector<12800x128xi1> to vector<12800x128xi32>
    %convert_element_type3A_24 = arith.sitofp %convert_element_type3A : vector<12800x128xi32> to vector<12800x128xf32>
    %get3A = arith.constant 0 : index
    %get3A_25 = arith.constant 0 : index
    %get3A_26 = vector.load %arg2[%get3A, %get3A_25] : memref<128x128xf32, #tpu.memory_space<vmem>>, vector<128x128xf32>
    %get3A_27 = arith.constant 0 : index
    %get3A_28 = arith.constant 0 : index
    %get3A_29 = vector.load %arg4[%get3A_27, %get3A_28] : memref<128x128xf32, #tpu.memory_space<vmem>>, vector<128x128xf32>
    %dot_general3A = arith.constant dense<0.000000e+00> : vector<128x128xf32>
    %dot_general3A_30 = tpu.matmul %get3A_26, %get3A_29, %dot_general3A {dimension_numbers = #tpu.dot_dimension_numbers<[1], [0], [0], [1], [0, 0, 1, 1], [], []>, transpose_lhs_hint = false} : vector<128x128xf32>, vector<128x128xf32>, vector<128x128xf32> -> vector<128x128xf32>
    %get3A_31 = arith.constant 0 : index
    %get3A_32 = arith.constant 0 : index
    %get3A_33 = vector.load %arg3[%get3A_31, %get3A_32] : memref<128x128xf32, #tpu.memory_space<vmem>>, vector<128x128xf32>
    %get3A_34 = arith.constant 1 : index
    %get3A_35 = arith.constant 0 : index
    %get3A_36 = vector.load %arg9[%get3A_34, %get3A_35] : memref<2x128xf32, #tpu.memory_space<vmem>>, vector<1x128xf32>
    %mul3A = vector.broadcast %get3A_36 : vector<1x128xf32> to vector<128x128xf32>
    %mul3A_37 = arith.mulf %get3A_33, %mul3A : vector<128x128xf32>
    %dot_general3A_38 = arith.constant dense<0.000000e+00> : vector<12800x128xf32>
    %dot_general3A_39 = tpu.matmul %convert_element_type3A_24, %dot_general3A_30, %dot_general3A_38 {dimension_numbers = #tpu.dot_dimension_numbers<[1], [0], [0], [1], [0, 0, 1, 1], [], []>, transpose_lhs_hint = false} : vector<12800x128xf32>, vector<128x128xf32>, vector<12800x128xf32> -> vector<12800x128xf32>
    %dot_general3A_40 = arith.constant dense<0.000000e+00> : vector<12800x128xf32>
    %dot_general3A_41 = tpu.matmul %convert_element_type3A_24, %mul3A_37, %dot_general3A_40 {dimension_numbers = #tpu.dot_dimension_numbers<[1], [0], [0], [1], [0, 0, 1, 1], [], []>, transpose_lhs_hint = false} : vector<12800x128xf32>, vector<128x128xf32>, vector<12800x128xf32> -> vector<12800x128xf32>
    %get3A_42 = arith.constant 0 : index
    %get3A_43 = arith.constant 0 : index
    %get3A_44 = vector.load %arg1[%get3A_42, %get3A_43] : memref<12800x128xi32, #tpu.memory_space<vmem>>, vector<12800x128xi32>
    %bitcast_convert_type3A = tpu.bitcast %get3A_44 : vector<12800x128xi32> -> vector<12800x128xi32>
    %and3A_45 = arith.constant -65536 : i32
    %and3A_46 = vector.broadcast %and3A_45 : i32 to vector<12800x128xi32>
    %and3A_47 = arith.andi %bitcast_convert_type3A, %and3A_46 : vector<12800x128xi32>
    %bitcast_convert_type3A_48 = tpu.bitcast %and3A_47 : vector<12800x128xi32> -> vector<12800x128xf32>
    %shift_left3A = arith.constant 16 : i32
    %shift_left3A_49 = vector.broadcast %shift_left3A : i32 to vector<12800x128xi32>
    %shift_left3A_50 = arith.shli %bitcast_convert_type3A, %shift_left3A_49 : vector<12800x128xi32>
    %bitcast_convert_type3A_51 = tpu.bitcast %shift_left3A_50 : vector<12800x128xi32> -> vector<12800x128xf32>
    %add3A = arith.addf %bitcast_convert_type3A_48, %dot_general3A_39 : vector<12800x128xf32>
    %max3A = arith.constant 0.000000e+00 : f32
    %max3A_52 = vector.broadcast %max3A : f32 to vector<12800x128xf32>
    %max3A_53 = arith.maximumf %add3A, %max3A_52 : vector<12800x128xf32>
    %convert_element_type3A_54 = arith.truncf %max3A_53 : vector<12800x128xf32> to vector<12800x128xbf16>
    %get3A_55 = arith.constant 0 : index
    %get3A_56 = arith.constant 0 : index
    %get3A_57 = vector.load %arg5[%get3A_55, %get3A_56] : memref<128x128xbf16, #tpu.memory_space<vmem>>, vector<128x128xbf16>
    %dot_general3A_58 = arith.constant dense<0.000000e+00> : vector<12800x128xf32>
    %dot_general3A_59 = tpu.matmul %convert_element_type3A_54, %get3A_57, %dot_general3A_58 {dimension_numbers = #tpu.dot_dimension_numbers<[1], [0], [0], [1], [0, 0, 1, 1], [], []>, transpose_lhs_hint = false} : vector<12800x128xbf16>, vector<128x128xbf16>, vector<12800x128xf32> -> vector<12800x128xf32>
    %get3A_60 = arith.constant 0 : index
    %get3A_61 = arith.constant 0 : index
    %get3A_62 = vector.load %arg6[%get3A_60, %get3A_61] : memref<1x128xf32, #tpu.memory_space<vmem>>, vector<1x128xf32>
    %add3A_63 = vector.broadcast %get3A_62 : vector<1x128xf32> to vector<12800x128xf32>
    %add3A_64 = arith.addf %dot_general3A_59, %add3A_63 : vector<12800x128xf32>
    %max3A_65 = arith.constant 0.000000e+00 : f32
    %max3A_66 = vector.broadcast %max3A_65 : f32 to vector<12800x128xf32>
    %max3A_67 = arith.maximumf %add3A_64, %max3A_66 : vector<12800x128xf32>
    %convert_element_type3A_68 = arith.truncf %max3A_67 : vector<12800x128xf32> to vector<12800x128xbf16>
    %get3A_69 = arith.constant 0 : index
    %get3A_70 = arith.constant 0 : index
    %get3A_71 = vector.load %arg7[%get3A_69, %get3A_70] : memref<128x128xbf16, #tpu.memory_space<vmem>>, vector<128x128xbf16>
    %dot_general3A_72 = arith.constant dense<0.000000e+00> : vector<12800x128xf32>
    %dot_general3A_73 = tpu.matmul %convert_element_type3A_68, %get3A_71, %dot_general3A_72 {dimension_numbers = #tpu.dot_dimension_numbers<[1], [0], [0], [1], [0, 0, 1, 1], [], []>, transpose_lhs_hint = false} : vector<12800x128xbf16>, vector<128x128xbf16>, vector<12800x128xf32> -> vector<12800x128xf32>
    %get3A_74 = arith.constant 0 : index
    %get3A_75 = arith.constant 0 : index
    %get3A_76 = vector.load %arg8[%get3A_74, %get3A_75] : memref<1x128xf32, #tpu.memory_space<vmem>>, vector<1x128xf32>
    %add3A_77 = vector.broadcast %get3A_76 : vector<1x128xf32> to vector<12800x128xf32>
    %add3A_78 = arith.addf %dot_general3A_73, %add3A_77 : vector<12800x128xf32>
    %max3A_79 = arith.constant 0.000000e+00 : f32
    %max3A_80 = vector.broadcast %max3A_79 : f32 to vector<12800x128xf32>
    %max3A_81 = arith.maximumf %add3A_78, %max3A_80 : vector<12800x128xf32>
    %get3A_82 = arith.constant 0 : index
    %get3A_83 = arith.constant 0 : index
    %get3A_84 = vector.load %arg9[%get3A_82, %get3A_83] : memref<2x128xf32, #tpu.memory_space<vmem>>, vector<1x128xf32>
    %dot_general3A_85 = arith.constant dense<0.000000e+00> : vector<1x12800xf32>
    %dot_general3A_86 = tpu.matmul %get3A_84, %max3A_81, %dot_general3A_85 {dimension_numbers = #tpu.dot_dimension_numbers<[1], [1], [0], [0], [0, 0, 1, 0], [], []>, transpose_lhs_hint = false} : vector<1x128xf32>, vector<12800x128xf32>, vector<1x12800xf32> -> vector<1x12800xf32>
    %broadcast_in_dim3A = arith.constant 1.000000e+00 : f32
    %broadcast_in_dim3A_87 = vector.broadcast %broadcast_in_dim3A : f32 to vector<1x128xf32>
    %mul3A_88 = arith.mulf %bitcast_convert_type3A_51, %dot_general3A_41 : vector<12800x128xf32>
    %dot_general3A_89 = arith.constant dense<0.000000e+00> : vector<1x12800xf32>
    %dot_general3A_90 = tpu.matmul %broadcast_in_dim3A_87, %mul3A_88, %dot_general3A_89 {dimension_numbers = #tpu.dot_dimension_numbers<[1], [1], [0], [0], [0, 0, 1, 0], [], []>, transpose_lhs_hint = false} : vector<1x128xf32>, vector<12800x128xf32>, vector<1x12800xf32> -> vector<1x12800xf32>
    %add3A_91 = arith.addf %dot_general3A_86, %dot_general3A_90 : vector<1x12800xf32>
    %get3A_92 = arith.constant 0 : index
    %get3A_93 = arith.constant 0 : index
    %get3A_94 = vector.load %arg10[%get3A_92, %get3A_93] : memref<1x1xf32, #tpu.memory_space<vmem>>, vector<1x1xf32>
    %get3A_95 = vector.extract %get3A_94[0, 0] : f32 from vector<1x1xf32>
    %add3A_96 = vector.broadcast %get3A_95 : f32 to vector<1x12800xf32>
    %add3A_97 = arith.addf %add3A_91, %add3A_96 : vector<1x12800xf32>
    %broadcast_in_dim3A_98 = vector.shape_cast %add3A_97 : vector<1x12800xf32> to vector<1x1x12800xf32>
    %swap3A = arith.constant 0 : index
    %swap3A_99 = arith.constant 0 : index
    %swap3A_100 = arith.constant 0 : index
    %swap3A_101 = vector.load %arg11[%swap3A, %swap3A_99, %swap3A_100] : memref<1x1x12800xf32, #tpu.memory_space<vmem>>, vector<1x1x12800xf32>
    tpu.vector_store %arg11[%swap3A, %swap3A_99, %swap3A_100], %broadcast_in_dim3A_98 {strides = array<i32>} : memref<1x1x12800xf32, #tpu.memory_space<vmem>>, vector<1x1x12800xf32>,
    return
  }
  func.func @transform_0(%arg0: i32) -> (i32, i32) {
    %c0_i32 = arith.constant 0 : i32
    %c0_i32_0 = arith.constant 0 : i32
    return %arg0, %c0_i32 : i32, i32
  }
  func.func @transform_1(%arg0: i32) -> (i32, i32) {
    %add3A = arith.constant 16 : i32
    %add3A_0 = arith.addi %add3A, %arg0 : i32
    %c0_i32 = arith.constant 0 : i32
    %c0_i32_1 = arith.constant 0 : i32
    return %add3A_0, %c0_i32 : i32, i32
  }
  func.func @transform_2(%arg0: i32) -> (i32, i32) {
    %add3A = arith.constant 16 : i32
    %add3A_0 = arith.addi %add3A, %arg0 : i32
    %c0_i32 = arith.constant 0 : i32
    %c0_i32_1 = arith.constant 0 : i32
    return %add3A_0, %c0_i32 : i32, i32
  }
  func.func @transform_3(%arg0: i32) -> (i32, i32) {
    %c0_i32 = arith.constant 0 : i32
    %c0_i32_0 = arith.constant 0 : i32
    %c0_i32_1 = arith.constant 0 : i32
    return %c0_i32, %c0_i32_0 : i32, i32
  }
  func.func @transform_4(%arg0: i32) -> (i32, i32) {
    %c0_i32 = arith.constant 0 : i32
    %c0_i32_0 = arith.constant 0 : i32
    %c0_i32_1 = arith.constant 0 : i32
    return %c0_i32, %c0_i32_0 : i32, i32
  }
  func.func @transform_5(%arg0: i32) -> (i32, i32) {
    %c0_i32 = arith.constant 0 : i32
    %c0_i32_0 = arith.constant 0 : i32
    %c0_i32_1 = arith.constant 0 : i32
    return %c0_i32, %c0_i32_0 : i32, i32
  }
  func.func @transform_6(%arg0: i32) -> (i32, i32) {
    %c0_i32 = arith.constant 0 : i32
    %c0_i32_0 = arith.constant 0 : i32
    %c0_i32_1 = arith.constant 0 : i32
    return %c0_i32, %c0_i32_0 : i32, i32
  }
  func.func @transform_7(%arg0: i32) -> (i32, i32) {
    %c0_i32 = arith.constant 0 : i32
    %c0_i32_0 = arith.constant 0 : i32
    %c0_i32_1 = arith.constant 0 : i32
    return %c0_i32, %c0_i32_0 : i32, i32
  }
  func.func @transform_8(%arg0: i32) -> (i32, i32) {
    %c0_i32 = arith.constant 0 : i32
    %c0_i32_0 = arith.constant 0 : i32
    %c0_i32_1 = arith.constant 0 : i32
    return %c0_i32, %c0_i32_0 : i32, i32
  }
  func.func @transform_9(%arg0: i32) -> (i32, i32) {
    %c0_i32 = arith.constant 0 : i32
    %c0_i32_0 = arith.constant 0 : i32
    %c0_i32_1 = arith.constant 0 : i32
    return %c0_i32, %c0_i32_0 : i32, i32
  }
  func.func @transform_10(%arg0: i32) -> (i32, i32, i32) {
    %c0_i32 = arith.constant 0 : i32
    %c0_i32_0 = arith.constant 0 : i32
    %c0_i32_1 = arith.constant 0 : i32
    return %arg0, %c0_i32, %c0_i32_0 : i32, i32, i32
  }
}

module attributes {stable_mosaic.version = 14 : i64} {
  func.func @_mlp_body(%arg0: i32, %arg1: memref<12800x128xi32, #tpu.memory_space<vmem>>, %arg2: memref<128x128xf32, #tpu.memory_space<vmem>>, %arg3: memref<128x128xf32, #tpu.memory_space<vmem>>, %arg4: memref<128x128xf32, #tpu.memory_space<vmem>>, %arg5: memref<128x128xbf16, #tpu.memory_space<vmem>>, %arg6: memref<1x128xf32, #tpu.memory_space<vmem>>, %arg7: memref<128x128xbf16, #tpu.memory_space<vmem>>, %arg8: memref<1x128xf32, #tpu.memory_space<vmem>>, %arg9: memref<2x128xf32, #tpu.memory_space<vmem>>, %arg10: memref<1x1xf32, #tpu.memory_space<vmem>>, %arg11: memref<1x1x12800xf32, #tpu.memory_space<vmem>>) attributes {dimension_semantics = [#tpu.dimension_semantics<arbitrary>], iteration_bounds = array<i64: 8>, scalar_prefetch = 0 : i64, scratch_operands = 0 : i64, tpu.core_type = #tpu.core_type<tc>, window_params = [{transform_indices = @transform_0, window_bounds = array<i64: 12800, 128>}, {transform_indices = @transform_1, window_bounds = array<i64: 128, 128>}, {transform_indices = @transform_2, window_bounds = array<i64: 128, 128>}, {pipeline_mode = #tpu.pipeline_mode<synchronous>, transform_indices = @transform_3, window_bounds = array<i64: 128, 128>}, {pipeline_mode = #tpu.pipeline_mode<synchronous>, transform_indices = @transform_4, window_bounds = array<i64: 128, 128>}, {pipeline_mode = #tpu.pipeline_mode<synchronous>, transform_indices = @transform_5, window_bounds = array<i64: 1, 128>}, {pipeline_mode = #tpu.pipeline_mode<synchronous>, transform_indices = @transform_6, window_bounds = array<i64: 128, 128>}, {pipeline_mode = #tpu.pipeline_mode<synchronous>, transform_indices = @transform_7, window_bounds = array<i64: 1, 128>}, {pipeline_mode = #tpu.pipeline_mode<synchronous>, transform_indices = @transform_8, window_bounds = array<i64: 2, 128>}, {pipeline_mode = #tpu.pipeline_mode<synchronous>, transform_indices = @transform_9, window_bounds = array<i64: 1, 1>}, {transform_indices = @transform_10, window_bounds = array<i64: 1, 1, 12800>}]} {
    %iota3A = tpu.iota {dimensions = array<i32: 0>} : vector<12800x128xi32>
    %jit3A = arith.constant 100 : i32
    %div3A = vector.broadcast %jit3A : i32 to vector<12800x128xi32>
    %div3A_0 = arith.divsi %iota3A, %div3A : vector<12800x128xi32>
    %sign3A = arith.constant 0 : i32
    %sign3A_1 = vector.broadcast %sign3A : i32 to vector<12800x128xi32>
    %sign3A_2 = arith.cmpi sgt, %iota3A, %sign3A_1 : vector<12800x128xi32>
    %sign3A_3 = arith.extui %sign3A_2 : vector<12800x128xi1> to vector<12800x128xi32>
    %sign3A_4 = arith.constant 0 : i32
    %sign3A_5 = vector.broadcast %sign3A_4 : i32 to vector<12800x128xi32>
    %sign3A_6 = arith.cmpi slt, %iota3A, %sign3A_5 : vector<12800x128xi32>
    %sign3A_7 = arith.extui %sign3A_6 : vector<12800x128xi1> to vector<12800x128xi32>
    %sign3A_8 = arith.subi %sign3A_3, %sign3A_7 : vector<12800x128xi32>
    %sign3A_9 = arith.constant 0 : i32
    %sign3A_10 = arith.cmpi sgt, %jit3A, %sign3A_9 : i32
    %sign3A_11 = arith.extui %sign3A_10 : i1 to i32
    %sign3A_12 = arith.constant 0 : i32
    %sign3A_13 = arith.cmpi slt, %jit3A, %sign3A_12 : i32
    %sign3A_14 = arith.extui %sign3A_13 : i1 to i32
    %sign3A_15 = arith.subi %sign3A_11, %sign3A_14 : i32
    %ne3A = vector.broadcast %sign3A_15 : i32 to vector<12800x128xi32>
    %ne3A_16 = arith.cmpi ne, %sign3A_8, %ne3A : vector<12800x128xi32>
    %rem3A = vector.broadcast %jit3A : i32 to vector<12800x128xi32>
    %rem3A_17 = arith.remsi %iota3A, %rem3A : vector<12800x128xi32>
    %ne3A_18 = arith.constant 0 : i32
    %ne3A_19 = vector.broadcast %ne3A_18 : i32 to vector<12800x128xi32>
    %ne3A_20 = arith.cmpi ne, %rem3A_17, %ne3A_19 : vector<12800x128xi32>
    %and3A = arith.andi %ne3A_16, %ne3A_20 : vector<12800x128xi1>
    %sub3A = arith.constant 1 : i32
    %sub3A_21 = vector.broadcast %sub3A : i32 to vector<12800x128xi32>
    %sub3A_22 = arith.subi %div3A_0, %sub3A_21 : vector<12800x128xi32>
    %select_n3A = arith.select %and3A, %sub3A_22, %div3A_0 : vector<12800x128xi1>, vector<12800x128xi32>
    %iota3A_23 = tpu.iota {dimensions = array<i32: 1>} : vector<12800x128xi32>
    %eq3A = arith.cmpi eq, %select_n3A, %iota3A_23 : vector<12800x128xi32>
    %convert_element_type3A = arith.extui %eq3A : vector<12800x128xi1> to vector<12800x128xi32>
    %convert_element_type3A_24 = arith.sitofp %convert_element_type3A : vector<12800x128xi32> to vector<12800x128xf32>
    %get3A = arith.constant 0 : index
    %get3A_25 = arith.constant 0 : index
    %get3A_26 = vector.load %arg2[%get3A, %get3A_25] : memref<128x128xf32, #tpu.memory_space<vmem>>, vector<128x128xf32>
    %get3A_27 = arith.constant 0 : index
    %get3A_28 = arith.constant 0 : index
    %get3A_29 = vector.load %arg4[%get3A_27, %get3A_28] : memref<128x128xf32, #tpu.memory_space<vmem>>, vector<128x128xf32>
    %dot_general3A = arith.constant dense<0.000000e+00> : vector<128x128xf32>
    %dot_general3A_30 = tpu.matmul %get3A_26, %get3A_29, %dot_general3A {dimension_numbers = #tpu.dot_dimension_numbers<[1], [0], [0], [1], [0, 0, 1, 1], [], []>, transpose_lhs_hint = false} : vector<128x128xf32>, vector<128x128xf32>, vector<128x128xf32> -> vector<128x128xf32>
    %get3A_31 = arith.constant 0 : index
    %get3A_32 = arith.constant 0 : index
    %get3A_33 = vector.load %arg3[%get3A_31, %get3A_32] : memref<128x128xf32, #tpu.memory_space<vmem>>, vector<128x128xf32>
    %get3A_34 = arith.constant 1 : index
    %get3A_35 = arith.constant 0 : index
    %get3A_36 = vector.load %arg9[%get3A_34, %get3A_35] : memref<2x128xf32, #tpu.memory_space<vmem>>, vector<1x128xf32>
    %mul3A = vector.broadcast %get3A_36 : vector<1x128xf32> to vector<128x128xf32>
    %mul3A_37 = arith.mulf %get3A_33, %mul3A : vector<128x128xf32>
    %dot_general3A_38 = arith.constant dense<0.000000e+00> : vector<12800x128xf32>
    %dot_general3A_39 = tpu.matmul %convert_element_type3A_24, %dot_general3A_30, %dot_general3A_38 {dimension_numbers = #tpu.dot_dimension_numbers<[1], [0], [0], [1], [0, 0, 1, 1], [], []>, transpose_lhs_hint = false} : vector<12800x128xf32>, vector<128x128xf32>, vector<12800x128xf32> -> vector<12800x128xf32>
    %dot_general3A_40 = arith.constant dense<0.000000e+00> : vector<12800x128xf32>
    %dot_general3A_41 = tpu.matmul %convert_element_type3A_24, %mul3A_37, %dot_general3A_40 {dimension_numbers = #tpu.dot_dimension_numbers<[1], [0], [0], [1], [0, 0, 1, 1], [], []>, transpose_lhs_hint = false} : vector<12800x128xf32>, vector<128x128xf32>, vector<12800x128xf32> -> vector<12800x128xf32>
    %get3A_42 = arith.constant 0 : index
    %get3A_43 = arith.constant 0 : index
    %get3A_44 = vector.load %arg1[%get3A_42, %get3A_43] : memref<12800x128xi32, #tpu.memory_space<vmem>>, vector<12800x128xi32>
    %bitcast_convert_type3A = tpu.bitcast %get3A_44 : vector<12800x128xi32> -> vector<12800x128xi32>
    %and3A_45 = arith.constant -65536 : i32
    %and3A_46 = vector.broadcast %and3A_45 : i32 to vector<12800x128xi32>
    %and3A_47 = arith.andi %bitcast_convert_type3A, %and3A_46 : vector<12800x128xi32>
    %bitcast_convert_type3A_48 = tpu.bitcast %and3A_47 : vector<12800x128xi32> -> vector<12800x128xf32>
    %shift_left3A = arith.constant 16 : i32
    %shift_left3A_49 = vector.broadcast %shift_left3A : i32 to vector<12800x128xi32>
    %shift_left3A_50 = arith.shli %bitcast_convert_type3A, %shift_left3A_49 : vector<12800x128xi32>
    %bitcast_convert_type3A_51 = tpu.bitcast %shift_left3A_50 : vector<12800x128xi32> -> vector<12800x128xf32>
    %add3A = arith.addf %bitcast_convert_type3A_48, %dot_general3A_39 : vector<12800x128xf32>
    %max3A = arith.constant 0.000000e+00 : f32
    %max3A_52 = vector.broadcast %max3A : f32 to vector<12800x128xf32>
    %max3A_53 = arith.maximumf %add3A, %max3A_52 : vector<12800x128xf32>
    %convert_element_type3A_54 = arith.truncf %max3A_53 : vector<12800x128xf32> to vector<12800x128xbf16>
    %get3A_55 = arith.constant 0 : index
    %get3A_56 = arith.constant 0 : index
    %get3A_57 = vector.load %arg5[%get3A_55, %get3A_56] : memref<128x128xbf16, #tpu.memory_space<vmem>>, vector<128x128xbf16>
    %dot_general3A_58 = arith.constant dense<0.000000e+00> : vector<12800x128xf32>
    %dot_general3A_59 = tpu.matmul %convert_element_type3A_54, %get3A_57, %dot_general3A_58 {dimension_numbers = #tpu.dot_dimension_numbers<[1], [0], [0], [1], [0, 0, 1, 1], [], []>, transpose_lhs_hint = false} : vector<12800x128xbf16>, vector<128x128xbf16>, vector<12800x128xf32> -> vector<12800x128xf32>
    %get3A_60 = arith.constant 0 : index
    %get3A_61 = arith.constant 0 : index
    %get3A_62 = vector.load %arg6[%get3A_60, %get3A_61] : memref<1x128xf32, #tpu.memory_space<vmem>>, vector<1x128xf32>
    %add3A_63 = vector.broadcast %get3A_62 : vector<1x128xf32> to vector<12800x128xf32>
    %add3A_64 = arith.addf %dot_general3A_59, %add3A_63 : vector<12800x128xf32>
    %max3A_65 = arith.constant 0.000000e+00 : f32
    %max3A_66 = vector.broadcast %max3A_65 : f32 to vector<12800x128xf32>
    %max3A_67 = arith.maximumf %add3A_64, %max3A_66 : vector<12800x128xf32>
    %convert_element_type3A_68 = arith.truncf %max3A_67 : vector<12800x128xf32> to vector<12800x128xbf16>
    %get3A_69 = arith.constant 0 : index
    %get3A_70 = arith.constant 0 : index
    %get3A_71 = vector.load %arg7[%get3A_69, %get3A_70] : memref<128x128xbf16, #tpu.memory_space<vmem>>, vector<128x128xbf16>
    %dot_general3A_72 = arith.constant dense<0.000000e+00> : vector<12800x128xf32>
    %dot_general3A_73 = tpu.matmul %convert_element_type3A_68, %get3A_71, %dot_general3A_72 {dimension_numbers = #tpu.dot_dimension_numbers<[1], [0], [0], [1], [0, 0, 1, 1], [], []>, transpose_lhs_hint = false} : vector<12800x128xbf16>, vector<128x128xbf16>, vector<12800x128xf32> -> vector<12800x128xf32>
    %get3A_74 = arith.constant 0 : index
    %get3A_75 = arith.constant 0 : index
    %get3A_76 = vector.load %arg8[%get3A_74, %get3A_75] : memref<1x128xf32, #tpu.memory_space<vmem>>, vector<1x128xf32>
    %add3A_77 = vector.broadcast %get3A_76 : vector<1x128xf32> to vector<12800x128xf32>
    %add3A_78 = arith.addf %dot_general3A_73, %add3A_77 : vector<12800x128xf32>
    %max3A_79 = arith.constant 0.000000e+00 : f32
    %max3A_80 = vector.broadcast %max3A_79 : f32 to vector<12800x128xf32>
    %max3A_81 = arith.maximumf %add3A_78, %max3A_80 : vector<12800x128xf32>
    %get3A_82 = arith.constant 0 : index
    %get3A_83 = arith.constant 0 : index
    %get3A_84 = vector.load %arg9[%get3A_82, %get3A_83] : memref<2x128xf32, #tpu.memory_space<vmem>>, vector<1x128xf32>
    %dot_general3A_85 = arith.constant dense<0.000000e+00> : vector<1x12800xf32>
    %dot_general3A_86 = tpu.matmul %get3A_84, %max3A_81, %dot_general3A_85 {dimension_numbers = #tpu.dot_dimension_numbers<[1], [1], [0], [0], [0, 0, 1, 0], [], []>, transpose_lhs_hint = false} : vector<1x128xf32>, vector<12800x128xf32>, vector<1x12800xf32> -> vector<1x12800xf32>
    %broadcast_in_dim3A = arith.constant 1.000000e+00 : f32
    %broadcast_in_dim3A_87 = vector.broadcast %broadcast_in_dim3A : f32 to vector<1x128xf32>
    %mul3A_88 = arith.mulf %bitcast_convert_type3A_51, %dot_general3A_41 : vector<12800x128xf32>
    %dot_general3A_89 = arith.constant dense<0.000000e+00> : vector<1x12800xf32>
    %dot_general3A_90 = tpu.matmul %broadcast_in_dim3A_87, %mul3A_88, %dot_general3A_89 {dimension_numbers = #tpu.dot_dimension_numbers<[1], [1], [0], [0], [0, 0, 1, 0], [], []>, transpose_lhs_hint = false} : vector<1x128xf32>, vector<12800x128xf32>, vector<1x12800xf32> -> vector<1x12800xf32>
    %add3A_91 = arith.addf %dot_general3A_86, %dot_general3A_90 : vector<1x12800xf32>
    %get3A_92 = arith.constant 0 : index
    %get3A_93 = arith.constant 0 : index
    %get3A_94 = vector.load %arg10[%get3A_92, %get3A_93] : memref<1x1xf32, #tpu.memory_space<vmem>>, vector<1x1xf32>
    %get3A_95 = vector.extract %get3A_94[0, 0] : f32 from vector<1x1xf32>
    %add3A_96 = vector.broadcast %get3A_95 : f32 to vector<1x12800xf32>
    %add3A_97 = arith.addf %add3A_91, %add3A_96 : vector<1x12800xf32>
    %broadcast_in_dim3A_98 = vector.shape_cast %add3A_97 : vector<1x12800xf32> to vector<1x1x12800xf32>
    %swap3A = arith.constant 0 : index
    %swap3A_99 = arith.constant 0 : index
    %swap3A_100 = arith.constant 0 : index
    %swap3A_101 = vector.load %arg11[%swap3A, %swap3A_99, %swap3A_100] : memref<1x1x12800xf32, #tpu.memory_space<vmem>>, vector<1x1x12800xf32>
    tpu.vector_store %arg11[%swap3A, %swap3A_99, %swap3A_100], %broadcast_in_dim3A_98 {strides = array<i32>} : memref<1x1x12800xf32, #tpu.memory_space<vmem>>, vector<1x1x12800xf32>,
    return
  }
  func.func @transform_0(%arg0: i32) -> (i32, i32) {
    %c0_i32 = arith.constant 0 : i32
    %c0_i32_0 = arith.constant 0 : i32
    return %arg0, %c0_i32 : i32, i32
  }
  func.func @transform_1(%arg0: i32) -> (i32, i32) {
    %add3A = arith.constant 24 : i32
    %add3A_0 = arith.addi %add3A, %arg0 : i32
    %c0_i32 = arith.constant 0 : i32
    %c0_i32_1 = arith.constant 0 : i32
    return %add3A_0, %c0_i32 : i32, i32
  }
  func.func @transform_2(%arg0: i32) -> (i32, i32) {
    %add3A = arith.constant 24 : i32
    %add3A_0 = arith.addi %add3A, %arg0 : i32
    %c0_i32 = arith.constant 0 : i32
    %c0_i32_1 = arith.constant 0 : i32
    return %add3A_0, %c0_i32 : i32, i32
  }
  func.func @transform_3(%arg0: i32) -> (i32, i32) {
    %c0_i32 = arith.constant 0 : i32
    %c0_i32_0 = arith.constant 0 : i32
    %c0_i32_1 = arith.constant 0 : i32
    return %c0_i32, %c0_i32_0 : i32, i32
  }
  func.func @transform_4(%arg0: i32) -> (i32, i32) {
    %c0_i32 = arith.constant 0 : i32
    %c0_i32_0 = arith.constant 0 : i32
    %c0_i32_1 = arith.constant 0 : i32
    return %c0_i32, %c0_i32_0 : i32, i32
  }
  func.func @transform_5(%arg0: i32) -> (i32, i32) {
    %c0_i32 = arith.constant 0 : i32
    %c0_i32_0 = arith.constant 0 : i32
    %c0_i32_1 = arith.constant 0 : i32
    return %c0_i32, %c0_i32_0 : i32, i32
  }
  func.func @transform_6(%arg0: i32) -> (i32, i32) {
    %c0_i32 = arith.constant 0 : i32
    %c0_i32_0 = arith.constant 0 : i32
    %c0_i32_1 = arith.constant 0 : i32
    return %c0_i32, %c0_i32_0 : i32, i32
  }
  func.func @transform_7(%arg0: i32) -> (i32, i32) {
    %c0_i32 = arith.constant 0 : i32
    %c0_i32_0 = arith.constant 0 : i32
    %c0_i32_1 = arith.constant 0 : i32
    return %c0_i32, %c0_i32_0 : i32, i32
  }
  func.func @transform_8(%arg0: i32) -> (i32, i32) {
    %c0_i32 = arith.constant 0 : i32
    %c0_i32_0 = arith.constant 0 : i32
    %c0_i32_1 = arith.constant 0 : i32
    return %c0_i32, %c0_i32_0 : i32, i32
  }
  func.func @transform_9(%arg0: i32) -> (i32, i32) {
    %c0_i32 = arith.constant 0 : i32
    %c0_i32_0 = arith.constant 0 : i32
    %c0_i32_1 = arith.constant 0 : i32
    return %c0_i32, %c0_i32_0 : i32, i32
  }
  func.func @transform_10(%arg0: i32) -> (i32, i32, i32) {
    %c0_i32 = arith.constant 0 : i32
    %c0_i32_0 = arith.constant 0 : i32
    %c0_i32_1 = arith.constant 0 : i32
    return %arg0, %c0_i32, %c0_i32_0 : i32, i32, i32
  }
}

module attributes {stable_mosaic.version = 14 : i64} {
  func.func @_mlp_body(%arg0: i32, %arg1: memref<12800x128xi32, #tpu.memory_space<vmem>>, %arg2: memref<128x128xf32, #tpu.memory_space<vmem>>, %arg3: memref<128x128xf32, #tpu.memory_space<vmem>>, %arg4: memref<128x128xf32, #tpu.memory_space<vmem>>, %arg5: memref<128x128xbf16, #tpu.memory_space<vmem>>, %arg6: memref<1x128xf32, #tpu.memory_space<vmem>>, %arg7: memref<128x128xbf16, #tpu.memory_space<vmem>>, %arg8: memref<1x128xf32, #tpu.memory_space<vmem>>, %arg9: memref<2x128xf32, #tpu.memory_space<vmem>>, %arg10: memref<1x1xf32, #tpu.memory_space<vmem>>, %arg11: memref<1x1x12800xf32, #tpu.memory_space<vmem>>) attributes {dimension_semantics = [#tpu.dimension_semantics<arbitrary>], iteration_bounds = array<i64: 8>, scalar_prefetch = 0 : i64, scratch_operands = 0 : i64, tpu.core_type = #tpu.core_type<tc>, window_params = [{transform_indices = @transform_0, window_bounds = array<i64: 12800, 128>}, {transform_indices = @transform_1, window_bounds = array<i64: 128, 128>}, {transform_indices = @transform_2, window_bounds = array<i64: 128, 128>}, {pipeline_mode = #tpu.pipeline_mode<synchronous>, transform_indices = @transform_3, window_bounds = array<i64: 128, 128>}, {pipeline_mode = #tpu.pipeline_mode<synchronous>, transform_indices = @transform_4, window_bounds = array<i64: 128, 128>}, {pipeline_mode = #tpu.pipeline_mode<synchronous>, transform_indices = @transform_5, window_bounds = array<i64: 1, 128>}, {pipeline_mode = #tpu.pipeline_mode<synchronous>, transform_indices = @transform_6, window_bounds = array<i64: 128, 128>}, {pipeline_mode = #tpu.pipeline_mode<synchronous>, transform_indices = @transform_7, window_bounds = array<i64: 1, 128>}, {pipeline_mode = #tpu.pipeline_mode<synchronous>, transform_indices = @transform_8, window_bounds = array<i64: 2, 128>}, {pipeline_mode = #tpu.pipeline_mode<synchronous>, transform_indices = @transform_9, window_bounds = array<i64: 1, 1>}, {transform_indices = @transform_10, window_bounds = array<i64: 1, 1, 12800>}]} {
    %iota3A = tpu.iota {dimensions = array<i32: 0>} : vector<12800x128xi32>
    %jit3A = arith.constant 100 : i32
    %div3A = vector.broadcast %jit3A : i32 to vector<12800x128xi32>
    %div3A_0 = arith.divsi %iota3A, %div3A : vector<12800x128xi32>
    %sign3A = arith.constant 0 : i32
    %sign3A_1 = vector.broadcast %sign3A : i32 to vector<12800x128xi32>
    %sign3A_2 = arith.cmpi sgt, %iota3A, %sign3A_1 : vector<12800x128xi32>
    %sign3A_3 = arith.extui %sign3A_2 : vector<12800x128xi1> to vector<12800x128xi32>
    %sign3A_4 = arith.constant 0 : i32
    %sign3A_5 = vector.broadcast %sign3A_4 : i32 to vector<12800x128xi32>
    %sign3A_6 = arith.cmpi slt, %iota3A, %sign3A_5 : vector<12800x128xi32>
    %sign3A_7 = arith.extui %sign3A_6 : vector<12800x128xi1> to vector<12800x128xi32>
    %sign3A_8 = arith.subi %sign3A_3, %sign3A_7 : vector<12800x128xi32>
    %sign3A_9 = arith.constant 0 : i32
    %sign3A_10 = arith.cmpi sgt, %jit3A, %sign3A_9 : i32
    %sign3A_11 = arith.extui %sign3A_10 : i1 to i32
    %sign3A_12 = arith.constant 0 : i32
    %sign3A_13 = arith.cmpi slt, %jit3A, %sign3A_12 : i32
    %sign3A_14 = arith.extui %sign3A_13 : i1 to i32
    %sign3A_15 = arith.subi %sign3A_11, %sign3A_14 : i32
    %ne3A = vector.broadcast %sign3A_15 : i32 to vector<12800x128xi32>
    %ne3A_16 = arith.cmpi ne, %sign3A_8, %ne3A : vector<12800x128xi32>
    %rem3A = vector.broadcast %jit3A : i32 to vector<12800x128xi32>
    %rem3A_17 = arith.remsi %iota3A, %rem3A : vector<12800x128xi32>
    %ne3A_18 = arith.constant 0 : i32
    %ne3A_19 = vector.broadcast %ne3A_18 : i32 to vector<12800x128xi32>
    %ne3A_20 = arith.cmpi ne, %rem3A_17, %ne3A_19 : vector<12800x128xi32>
    %and3A = arith.andi %ne3A_16, %ne3A_20 : vector<12800x128xi1>
    %sub3A = arith.constant 1 : i32
    %sub3A_21 = vector.broadcast %sub3A : i32 to vector<12800x128xi32>
    %sub3A_22 = arith.subi %div3A_0, %sub3A_21 : vector<12800x128xi32>
    %select_n3A = arith.select %and3A, %sub3A_22, %div3A_0 : vector<12800x128xi1>, vector<12800x128xi32>
    %iota3A_23 = tpu.iota {dimensions = array<i32: 1>} : vector<12800x128xi32>
    %eq3A = arith.cmpi eq, %select_n3A, %iota3A_23 : vector<12800x128xi32>
    %convert_element_type3A = arith.extui %eq3A : vector<12800x128xi1> to vector<12800x128xi32>
    %convert_element_type3A_24 = arith.sitofp %convert_element_type3A : vector<12800x128xi32> to vector<12800x128xf32>
    %get3A = arith.constant 0 : index
    %get3A_25 = arith.constant 0 : index
    %get3A_26 = vector.load %arg2[%get3A, %get3A_25] : memref<128x128xf32, #tpu.memory_space<vmem>>, vector<128x128xf32>
    %get3A_27 = arith.constant 0 : index
    %get3A_28 = arith.constant 0 : index
    %get3A_29 = vector.load %arg4[%get3A_27, %get3A_28] : memref<128x128xf32, #tpu.memory_space<vmem>>, vector<128x128xf32>
    %dot_general3A = arith.constant dense<0.000000e+00> : vector<128x128xf32>
    %dot_general3A_30 = tpu.matmul %get3A_26, %get3A_29, %dot_general3A {dimension_numbers = #tpu.dot_dimension_numbers<[1], [0], [0], [1], [0, 0, 1, 1], [], []>, transpose_lhs_hint = false} : vector<128x128xf32>, vector<128x128xf32>, vector<128x128xf32> -> vector<128x128xf32>
    %get3A_31 = arith.constant 0 : index
    %get3A_32 = arith.constant 0 : index
    %get3A_33 = vector.load %arg3[%get3A_31, %get3A_32] : memref<128x128xf32, #tpu.memory_space<vmem>>, vector<128x128xf32>
    %get3A_34 = arith.constant 1 : index
    %get3A_35 = arith.constant 0 : index
    %get3A_36 = vector.load %arg9[%get3A_34, %get3A_35] : memref<2x128xf32, #tpu.memory_space<vmem>>, vector<1x128xf32>
    %mul3A = vector.broadcast %get3A_36 : vector<1x128xf32> to vector<128x128xf32>
    %mul3A_37 = arith.mulf %get3A_33, %mul3A : vector<128x128xf32>
    %dot_general3A_38 = arith.constant dense<0.000000e+00> : vector<12800x128xf32>
    %dot_general3A_39 = tpu.matmul %convert_element_type3A_24, %dot_general3A_30, %dot_general3A_38 {dimension_numbers = #tpu.dot_dimension_numbers<[1], [0], [0], [1], [0, 0, 1, 1], [], []>, transpose_lhs_hint = false} : vector<12800x128xf32>, vector<128x128xf32>, vector<12800x128xf32> -> vector<12800x128xf32>
    %dot_general3A_40 = arith.constant dense<0.000000e+00> : vector<12800x128xf32>
    %dot_general3A_41 = tpu.matmul %convert_element_type3A_24, %mul3A_37, %dot_general3A_40 {dimension_numbers = #tpu.dot_dimension_numbers<[1], [0], [0], [1], [0, 0, 1, 1], [], []>, transpose_lhs_hint = false} : vector<12800x128xf32>, vector<128x128xf32>, vector<12800x128xf32> -> vector<12800x128xf32>
    %get3A_42 = arith.constant 0 : index
    %get3A_43 = arith.constant 0 : index
    %get3A_44 = vector.load %arg1[%get3A_42, %get3A_43] : memref<12800x128xi32, #tpu.memory_space<vmem>>, vector<12800x128xi32>
    %bitcast_convert_type3A = tpu.bitcast %get3A_44 : vector<12800x128xi32> -> vector<12800x128xi32>
    %and3A_45 = arith.constant -65536 : i32
    %and3A_46 = vector.broadcast %and3A_45 : i32 to vector<12800x128xi32>
    %and3A_47 = arith.andi %bitcast_convert_type3A, %and3A_46 : vector<12800x128xi32>
    %bitcast_convert_type3A_48 = tpu.bitcast %and3A_47 : vector<12800x128xi32> -> vector<12800x128xf32>
    %shift_left3A = arith.constant 16 : i32
    %shift_left3A_49 = vector.broadcast %shift_left3A : i32 to vector<12800x128xi32>
    %shift_left3A_50 = arith.shli %bitcast_convert_type3A, %shift_left3A_49 : vector<12800x128xi32>
    %bitcast_convert_type3A_51 = tpu.bitcast %shift_left3A_50 : vector<12800x128xi32> -> vector<12800x128xf32>
    %add3A = arith.addf %bitcast_convert_type3A_48, %dot_general3A_39 : vector<12800x128xf32>
    %max3A = arith.constant 0.000000e+00 : f32
    %max3A_52 = vector.broadcast %max3A : f32 to vector<12800x128xf32>
    %max3A_53 = arith.maximumf %add3A, %max3A_52 : vector<12800x128xf32>
    %convert_element_type3A_54 = arith.truncf %max3A_53 : vector<12800x128xf32> to vector<12800x128xbf16>
    %get3A_55 = arith.constant 0 : index
    %get3A_56 = arith.constant 0 : index
    %get3A_57 = vector.load %arg5[%get3A_55, %get3A_56] : memref<128x128xbf16, #tpu.memory_space<vmem>>, vector<128x128xbf16>
    %dot_general3A_58 = arith.constant dense<0.000000e+00> : vector<12800x128xf32>
    %dot_general3A_59 = tpu.matmul %convert_element_type3A_54, %get3A_57, %dot_general3A_58 {dimension_numbers = #tpu.dot_dimension_numbers<[1], [0], [0], [1], [0, 0, 1, 1], [], []>, transpose_lhs_hint = false} : vector<12800x128xbf16>, vector<128x128xbf16>, vector<12800x128xf32> -> vector<12800x128xf32>
    %get3A_60 = arith.constant 0 : index
    %get3A_61 = arith.constant 0 : index
    %get3A_62 = vector.load %arg6[%get3A_60, %get3A_61] : memref<1x128xf32, #tpu.memory_space<vmem>>, vector<1x128xf32>
    %add3A_63 = vector.broadcast %get3A_62 : vector<1x128xf32> to vector<12800x128xf32>
    %add3A_64 = arith.addf %dot_general3A_59, %add3A_63 : vector<12800x128xf32>
    %max3A_65 = arith.constant 0.000000e+00 : f32
    %max3A_66 = vector.broadcast %max3A_65 : f32 to vector<12800x128xf32>
    %max3A_67 = arith.maximumf %add3A_64, %max3A_66 : vector<12800x128xf32>
    %convert_element_type3A_68 = arith.truncf %max3A_67 : vector<12800x128xf32> to vector<12800x128xbf16>
    %get3A_69 = arith.constant 0 : index
    %get3A_70 = arith.constant 0 : index
    %get3A_71 = vector.load %arg7[%get3A_69, %get3A_70] : memref<128x128xbf16, #tpu.memory_space<vmem>>, vector<128x128xbf16>
    %dot_general3A_72 = arith.constant dense<0.000000e+00> : vector<12800x128xf32>
    %dot_general3A_73 = tpu.matmul %convert_element_type3A_68, %get3A_71, %dot_general3A_72 {dimension_numbers = #tpu.dot_dimension_numbers<[1], [0], [0], [1], [0, 0, 1, 1], [], []>, transpose_lhs_hint = false} : vector<12800x128xbf16>, vector<128x128xbf16>, vector<12800x128xf32> -> vector<12800x128xf32>
    %get3A_74 = arith.constant 0 : index
    %get3A_75 = arith.constant 0 : index
    %get3A_76 = vector.load %arg8[%get3A_74, %get3A_75] : memref<1x128xf32, #tpu.memory_space<vmem>>, vector<1x128xf32>
    %add3A_77 = vector.broadcast %get3A_76 : vector<1x128xf32> to vector<12800x128xf32>
    %add3A_78 = arith.addf %dot_general3A_73, %add3A_77 : vector<12800x128xf32>
    %max3A_79 = arith.constant 0.000000e+00 : f32
    %max3A_80 = vector.broadcast %max3A_79 : f32 to vector<12800x128xf32>
    %max3A_81 = arith.maximumf %add3A_78, %max3A_80 : vector<12800x128xf32>
    %get3A_82 = arith.constant 0 : index
    %get3A_83 = arith.constant 0 : index
    %get3A_84 = vector.load %arg9[%get3A_82, %get3A_83] : memref<2x128xf32, #tpu.memory_space<vmem>>, vector<1x128xf32>
    %dot_general3A_85 = arith.constant dense<0.000000e+00> : vector<1x12800xf32>
    %dot_general3A_86 = tpu.matmul %get3A_84, %max3A_81, %dot_general3A_85 {dimension_numbers = #tpu.dot_dimension_numbers<[1], [1], [0], [0], [0, 0, 1, 0], [], []>, transpose_lhs_hint = false} : vector<1x128xf32>, vector<12800x128xf32>, vector<1x12800xf32> -> vector<1x12800xf32>
    %broadcast_in_dim3A = arith.constant 1.000000e+00 : f32
    %broadcast_in_dim3A_87 = vector.broadcast %broadcast_in_dim3A : f32 to vector<1x128xf32>
    %mul3A_88 = arith.mulf %bitcast_convert_type3A_51, %dot_general3A_41 : vector<12800x128xf32>
    %dot_general3A_89 = arith.constant dense<0.000000e+00> : vector<1x12800xf32>
    %dot_general3A_90 = tpu.matmul %broadcast_in_dim3A_87, %mul3A_88, %dot_general3A_89 {dimension_numbers = #tpu.dot_dimension_numbers<[1], [1], [0], [0], [0, 0, 1, 0], [], []>, transpose_lhs_hint = false} : vector<1x128xf32>, vector<12800x128xf32>, vector<1x12800xf32> -> vector<1x12800xf32>
    %add3A_91 = arith.addf %dot_general3A_86, %dot_general3A_90 : vector<1x12800xf32>
    %get3A_92 = arith.constant 0 : index
    %get3A_93 = arith.constant 0 : index
    %get3A_94 = vector.load %arg10[%get3A_92, %get3A_93] : memref<1x1xf32, #tpu.memory_space<vmem>>, vector<1x1xf32>
    %get3A_95 = vector.extract %get3A_94[0, 0] : f32 from vector<1x1xf32>
    %add3A_96 = vector.broadcast %get3A_95 : f32 to vector<1x12800xf32>
    %add3A_97 = arith.addf %add3A_91, %add3A_96 : vector<1x12800xf32>
    %broadcast_in_dim3A_98 = vector.shape_cast %add3A_97 : vector<1x12800xf32> to vector<1x1x12800xf32>
    %swap3A = arith.constant 0 : index
    %swap3A_99 = arith.constant 0 : index
    %swap3A_100 = arith.constant 0 : index
    %swap3A_101 = vector.load %arg11[%swap3A, %swap3A_99, %swap3A_100] : memref<1x1x12800xf32, #tpu.memory_space<vmem>>, vector<1x1x12800xf32>
    tpu.vector_store %arg11[%swap3A, %swap3A_99, %swap3A_100], %broadcast_in_dim3A_98 {strides = array<i32>} : memref<1x1x12800xf32, #tpu.memory_space<vmem>>, vector<1x1x12800xf32>,
    return
  }
  func.func @transform_0(%arg0: i32) -> (i32, i32) {
    %c0_i32 = arith.constant 0 : i32
    %c0_i32_0 = arith.constant 0 : i32
    return %arg0, %c0_i32 : i32, i32
  }
  func.func @transform_1(%arg0: i32) -> (i32, i32) {
    %add3A = arith.constant 0 : i32
    %add3A_0 = arith.addi %add3A, %arg0 : i32
    %c0_i32 = arith.constant 0 : i32
    %c0_i32_1 = arith.constant 0 : i32
    return %add3A_0, %c0_i32 : i32, i32
  }
  func.func @transform_2(%arg0: i32) -> (i32, i32) {
    %add3A = arith.constant 0 : i32
    %add3A_0 = arith.addi %add3A, %arg0 : i32
    %c0_i32 = arith.constant 0 : i32
    %c0_i32_1 = arith.constant 0 : i32
    return %add3A_0, %c0_i32 : i32, i32
  }
  func.func @transform_3(%arg0: i32) -> (i32, i32) {
    %c0_i32 = arith.constant 0 : i32
    %c0_i32_0 = arith.constant 0 : i32
    %c0_i32_1 = arith.constant 0 : i32
    return %c0_i32, %c0_i32_0 : i32, i32
  }
  func.func @transform_4(%arg0: i32) -> (i32, i32) {
    %c0_i32 = arith.constant 0 : i32
    %c0_i32_0 = arith.constant 0 : i32
    %c0_i32_1 = arith.constant 0 : i32
    return %c0_i32, %c0_i32_0 : i32, i32
  }
  func.func @transform_5(%arg0: i32) -> (i32, i32) {
    %c0_i32 = arith.constant 0 : i32
    %c0_i32_0 = arith.constant 0 : i32
    %c0_i32_1 = arith.constant 0 : i32
    return %c0_i32, %c0_i32_0 : i32, i32
  }
  func.func @transform_6(%arg0: i32) -> (i32, i32) {
    %c0_i32 = arith.constant 0 : i32
    %c0_i32_0 = arith.constant 0 : i32
    %c0_i32_1 = arith.constant 0 : i32
    return %c0_i32, %c0_i32_0 : i32, i32
  }
  func.func @transform_7(%arg0: i32) -> (i32, i32) {
    %c0_i32 = arith.constant 0 : i32
    %c0_i32_0 = arith.constant 0 : i32
    %c0_i32_1 = arith.constant 0 : i32
    return %c0_i32, %c0_i32_0 : i32, i32
  }
  func.func @transform_8(%arg0: i32) -> (i32, i32) {
    %c0_i32 = arith.constant 0 : i32
    %c0_i32_0 = arith.constant 0 : i32
    %c0_i32_1 = arith.constant 0 : i32
    return %c0_i32, %c0_i32_0 : i32, i32
  }
  func.func @transform_9(%arg0: i32) -> (i32, i32) {
    %c0_i32 = arith.constant 0 : i32
    %c0_i32_0 = arith.constant 0 : i32
    %c0_i32_1 = arith.constant 0 : i32
    return %c0_i32, %c0_i32_0 : i32, i32
  }
  func.func @transform_10(%arg0: i32) -> (i32, i32, i32) {
    %c0_i32 = arith.constant 0 : i32
    %c0_i32_0 = arith.constant 0 : i32
    %c0_i32_1 = arith.constant 0 : i32
    return %arg0, %c0_i32, %c0_i32_0 : i32, i32, i32
  }
}

</mosaic_0001>

<sc_bundles>
// kernel: kernel.12.cloned.1.call-start
scs
__scs_entry_jumppad:
0x0: {  	(pc) =	sbr.rel $0x88, $3  }
0x1: {  	(tag) =	ssettag $0x0;
	lr =	simm.s32 $0x1  }
0x2: {  	[smem:$0x3F92] =	sst lr;
	_ =	strace $0xD0000000  }
0x3: {  	_ = 	snop  }
0x4: {  	_ = 	snop  }
0x5: {  	_ = 	snop  }
0x6: {  	_ = 	snop  }
0x7: {  	_ = 	snop  }
__scs_overlays_trampoline_lowered:
0x8: {  	[smem:$0x3FA1] =	sst s0  }
0x9: {  	[smem:$0x3FA2] =	sst s1  }
0xa: {  	[smem:$0x3FA3] =	sst s2  }
0xb: {  	[smem:$0x3FA4] =	sst s3  }
0xc: {  	[smem:$0x3FA5] =	sst s4  }
0xd: {  	[smem:$0x3FA6] =	sst s5  }
0xe: {  	[smem:$0x3FA7] =	sst s6  }
0xf: {  	[smem:$0x3FA8] =	sst s7  }
0x10: {  	[smem:$0x3FA9] =	sst s8  }
0x11: {  	[smem:$0x3FAA] =	sst s9;
	s0 =	simm.s32 @!p0 $0x0  }
0x12: {  	s1 =	sld [smem:$0x3F90];
	s0 =	simm.s32 @p0 $0x1  }
0x13: {  	[smem:$0x3FAB] =	sst s0;
	s0 =	simm.s32 @!p1 $0x0  }
0x14: {  	s2 =	sld [smem:$0x3F8F];
	s0 =	simm.s32 @p1 $0x1  }
0x15: {  	[smem:$0x3FAC] =	sst s0;
	s0 =	simm.s32 @!p2 $0x0  }
0x16: {  	s3 =	sld [smem:$0x3FDB];
	s0 =	simm.s32 @p2 $0x1  }
0x17: {  	s4 =	simm.s32 $0x1BF5;
	[smem:$0x3FAE] =	sst s0  }
0x18: {  	s0 =	sld [smem:$0x3F91];
	_ =	swait.ge [sflag:s4], $0x0  }
0x19: {  	s7 =	sld [smem:$0x3F92]  }
0x1a: {  	s8 =	sadd.s32 $0xFFFFE003, lr  }
0x1b: {  	s9 =	sadd.s32 $0xFFFFFEF7, lr;
	s5 =	simm.s32 $0xFFFFFFFF;
	p2 =	slt.u32 s8, $0xFFFFF086  }
0x1c: {  	p1 =	slt.u32 s9, $0xF7A;
	s5 =	simm.s32 @!p2 $0x0  }
0x1d: {  	s5 =	simm.s32 @p1 $0x1;
	p0 =	seq.s32 s7, s2  }
0x1e: {  	s7 =	smul.u32 @!p0 $0xF7A, s2;
	p2 =	seq.s32 @!p0 s5, $0x0  }
0x1f: {  	s9 =	smul.u32 $0xF7A, s1;
	s8 =	simm.s32 @!p0 $0x1BF5;
	p2 =	por !p2, p0  }
0x20: {  	[sflag:s8] =	ssyncset.s32 @!p0 $0xFFFFF086;
	s6 =	sadd.s32 @!p0 s3, s7;
	s7 =	simm.s32 @!p0 $0x108  }
0x21: {  	s3 =	sadd.s32 s3, s9;
	s6 =	sadd.s32 @!p0 $0x88, s6;
	s7 =	simm.s32 @p2 $0x1082  }
0x22: {  	[simem:s7], [sflag:s8] =	dma.local @!p0 [hbm:s6], $0xF7A  }
0x23: {  	s9 =	sor.u32 $0xD0000000, s2;
	s6 =	simm.s32 $0x108;
	_ =	swait.ge @!p0 [sflag:s8], $0x0  }
0x24: {  	s3 =	sadd.s32 $0x88, s3;
	s6 =	simm.s32 @!p1 $0x1082;
	[sflag:s4] =	ssyncset.s32 $0xFFFFF086  }
0x25: {  	[simem:s6], [sflag:s4] =	dma.local [hbm:s3], $0xF7A  }
0x26: {  	[smem:$0x3F92] =	sst s1;
	(tag) =	ssettag s2;
	_ =	strace s9  }
0x27: {  	s1 =	sld [smem:$0x3FA2]  }
0x28: {  	s2 =	sld [smem:$0x3FA3]  }
0x29: {  	s4 =	sld [smem:$0x3FA5]  }
0x2a: {  	p0 =	seq.s32 s5, $0x0;
	s5 =	sld [smem:$0x3FA6]  }
0x2b: {  	s6 =	sld [smem:$0x3FA7]  }
0x2c: {  	s7 =	sld [smem:$0x3FA8]  }
0x2d: {  	s3 =	simm.s32 $0x108;
	s8 =	sld [smem:$0x3FA9]  }
0x2e: {  	s3 =	simm.s32 @!p0 $0x1082;
	s9 =	sld [smem:$0x3FAA]  }
0x2f: {  	lr =	sadd.s32 s0, s3;
	s0 =	sld [smem:$0x3FA1]  }
0x30: {  	s3 =	sld [smem:$0x3FA4]  }
0x31: {  	[smem:$0x3FAD] =	sst s10  }
0x32: {  	s10 =	sld [smem:$0x3FAB];
	_ =	sdelay $0x3  }
0x33: {  	p0 =	seq.s32 s10, $0x1;
	s10 =	sld [smem:$0x3FAD];
	_ =	sdelay $0x3  }
0x34: {  	[smem:$0x3FAD] =	sst s10  }
0x35: {  	s10 =	sld [smem:$0x3FAC];
	_ =	sdelay $0x3  }
0x36: {  	p1 =	seq.s32 s10, $0x1;
	s10 =	sld [smem:$0x3FAD];
	_ =	sdelay $0x3  }
0x37: {  	[smem:$0x3FAD] =	sst s10  }
0x38: {  	s10 =	sld [smem:$0x3FAE]  }
0x39: {  	_ = 	snop;
	(pc) =	sbr.ind lr, $3  }
0x3a: {  	_ = 	snop  }
0x3b: {  	_ = 	snop  }
0x3c: {  	p2 =	seq.s32 s10, $0x1;
	s10 =	sld [smem:$0x3FAD]  }
0x3d: {  	_ =	shalt  }
0x3e: {  	_ =	shalt  }
0x3f: {  	_ =	shalt  }
0x40: {  	_ =	shalt  }
0x41: {  	_ =	shalt  }
0x42: {  	_ =	shalt  }
0x43: {  	_ =	shalt  }
0x44: {  	_ =	shalt  }
0x45: {  	_ =	shalt  }
0x46: {  	_ =	shalt  }
0x47: {  	_ =	shalt  }
0x48: {  	_ =	shalt  }
0x49: {  	_ =	shalt  }
0x4a: {  	_ =	shalt  }
0x4b: {  	_ =	shalt  }
0x4c: {  	_ =	shalt  }
0x4d: {  	_ =	shalt  }
0x4e: {  	_ =	shalt  }
0x4f: {  	_ =	shalt  }
0x50: {  	_ =	shalt  }
0x51: {  	_ =	shalt  }
0x52: {  	_ =	shalt  }
0x53: {  	_ =	shalt  }
0x54: {  	_ =	shalt  }
0x55: {  	_ =	shalt  }
0x56: {  	_ =	shalt  }
0x57: {  	_ =	shalt  }
0x58: {  	_ =	shalt  }
0x59: {  	_ =	shalt  }
0x5a: {  	_ =	shalt  }
0x5b: {  	_ =	shalt  }
0x5c: {  	_ =	shalt  }
0x5d: {  	_ =	shalt  }
0x5e: {  	_ =	shalt  }
0x5f: {  	_ =	shalt  }
0x60: {  	_ =	shalt  }
0x61: {  	_ =	shalt  }
0x62: {  	_ =	shalt  }
0x63: {  	_ =	shalt  }
0x64: {  	_ =	shalt  }
0x65: {  	_ =	shalt  }
0x66: {  	_ =	shalt  }
0x67: {  	_ =	shalt  }
0x68: {  	_ =	shalt  }
0x69: {  	_ =	shalt  }
0x6a: {  	_ =	shalt  }
0x6b: {  	_ =	shalt  }
0x6c: {  	_ =	shalt  }
0x6d: {  	_ =	shalt  }
0x6e: {  	_ =	shalt  }
0x6f: {  	_ =	shalt  }
0x70: {  	_ =	shalt  }
0x71: {  	_ =	shalt  }
0x72: {  	_ =	shalt  }
0x73: {  	_ =	shalt  }
0x74: {  	_ =	shalt  }
0x75: {  	_ =	shalt  }
0x76: {  	_ =	shalt  }
0x77: {  	_ =	shalt  }
0x78: {  	_ =	shalt  }
0x79: {  	_ =	shalt  }
0x7a: {  	_ =	shalt  }
0x7b: {  	_ =	shalt  }
0x7c: {  	_ =	shalt  }
0x7d: {  	_ =	shalt  }
0x7e: {  	_ =	shalt  }
0x7f: {  	_ =	shalt  }
0x80: {  	_ =	shalt  }
0x81: {  	_ =	shalt  }
0x82: {  	_ =	shalt  }
0x83: {  	_ =	shalt  }
0x84: {  	_ =	shalt  }
0x85: {  	_ =	shalt  }
0x86: {  	_ =	shalt  }
0x87: {  	_ =	shalt  }
.Lfunc_end0:
.L_simem_size_0:
called_computation_lowered:
.L_overlay_start_0:
0x88: {  	s2 =	sld [smem:$0x3FD9]  }
0x89: {  	s3 =	sld [smem:$0x3FFE];
	_ =	sdelay $0x1  }
0x8a: {  	s1 =	srdreg.scid  }
0x8b: {  	s0 =	sand.u32 $0x1, s1  }
0x8c: {  	s17 =	sshll.u32 s0, $0xA;
	s2 =	sadd.s32 s3, s2  }
0x8d: {  	s2 =	sadd.s32 s2, s17  }
0x8e: {  	[smem:$0x3FB9] =	sst s2  }
0x8f: {  	_ = 	snop  }
0x90: {  	s18 =	sld [smem:$0x3FC9]  }
0x91: {  	s4 =	sld [smem:$0x3FC6]  }
0x92: {  	s5 =	sld [smem:$0x3FC4];
	(tm) =	ssettm $0x1  }
0x93: {  	s19 =	sld [smem:$0x3FFB];
	_ =	sdelay $0x3  }
0x94: {  	_ =	strace s19  }
0x95: {  	s2 =	sld [smem:$0x3FFC];
	_ =	sdelay $0x3  }
0x96: {  	_ =	strace s2  }
0x97: {  	s2 =	sld [smem:$0x3FFD];
	_ =	sdelay $0x3  }
0x98: {  	_ =	strace s2  }
0x99: {  	_ =	strace $0x8FFFFFFF  }
0x9a: {  	s20 =	sld [smem:$0x3FDB];
	_ =	sdelay $0x1  }
0x9b: {  	s6 =	simm.s32 $_scs_section_size  }
0x9c: {  	s7 =	simm.s32 $_size__tile_overlayer_lowered;
	s8 =	simm.s32 $_tile_overlayer_lowered  }
0x9d: {  	s9 =	simm.s32 $0x1BFF;
	s21 =	sshll.u32 s8, $0x1;
	s6 =	sadd.s32 s6, s20  }
0x9e: {  	s22 =	simm.s32 $0x0;
	s7 =	sshll.u32 s7, $0x1;
	s8 =	sadd.s32 s21, s6  }
0x9f: {  	[timem:s22], [sflag:s9] =	dma.local [hbm:s8], s7  }
0xa0: {  	_ =	swait.ge [sflag:s9], s7  }
0xa1: {  	s7 =	ssub.s32 $0x0, s7;
	[sflag:s9] =	ssyncset.done $0x0  }
0xa2: {  	[sflag:s9] =	ssyncadd.s32 s7;
	_ =	sdelay $0x1  }
0xa3: {  	s23 =	simm.s32 $0x1B8B  }
0xa4: {  	_ =	swait.ge [sflag:s23], $0x1  }
0xa5: {  	[sflag:s23] =	ssyncset.done $0x0  }
0xa6: {  	[sflag:s23] =	ssyncadd.s32 $0xFFFFFFFF  }
0xa7: {  	s7 =	sld [smem:$0x0]  }
0xa8: {  	s8 =	sand.u32 $0xFFFFFFFE, s1  }
0xa9: {  	p0 =	sne.s32 s1, s8  }
0xaa: {  	s8 =	sshll.u32 @p0 s8, $0xE  }
0xab: {  	s8 =	sadd.s32 @p0 $0x11B8D, s8;
	s9 =	sshll.u32 @p0 s7, $0x11  }
0xac: {  	s8 =	sor.u32 @p0 s9, s8  }
0xad: {  	[sflag:s8] =	ssyncadd.remote.s32 @p0 $0x1;
	_ =	sdelay $0x1  }
0xae: {  	s8 =	simm.s32 @p0 $0x1B8D  }
0xaf: {  	_ =	swait.eq @p0 [sflag:s8], $0x1  }
0xb0: {  	[sflag:s8] =	ssyncadd.s32 @p0 $0xFFFFFFFF  }
0xb1: {  	s9 =	sshll.u32 @!p0 s1, $0xE  }
0xb2: {  	s9 =	sor.u32 @!p0 $0x4000, s9;
	s8 =	simm.s32 @!p0 $0x1B8D  }
0xb3: {  	s7 =	sshll.u32 @!p0 s7, $0x11;
	s9 =	sadd.s32 @!p0 $0x11B8D, s9;
	_ =	swait.eq @!p0 [sflag:s8], $0x1  }
0xb4: {  	s7 =	sor.u32 @!p0 s7, s9;
	[sflag:s8] =	ssyncadd.s32 @!p0 $0xFFFFFFFF  }
0xb5: {  	s25 =	simm.s32 $0x1B8E;
	s24 =	sld [smem:$0x3FFE];
	[sflag:s7] =	ssyncadd.remote.s32 @!p0 $0x1  }
0xb6: {  	s26 =	simm.s32 $execute0_lowered;
	[smem:$0x3FD2] =	sst s25  }
0xb7: {  	s8 =	sshll.u32 s26, $0x1;
	_ =	strace $0x80000049;
	[dreg:$0x1] =	wrdreg $0xFFFFFFFF  }
0xb8: {  	s28 =	simm.s32 $_size_execute0_lowered;
	s6 =	sadd.s32 s6, s8;
	[dreg:$0x0] =	wrdreg $0x0  }
0xb9: {  	s8 =	sshll.u32 s28, $0x1;
	[dreg:$0x2] =	wrdreg s6  }
0xba: {  	[dreg:$0x3] =	wrdreg s8  }
0xbb: {  	[dreg:$0x4] =	wrdreg $0xC0  }
0xbc: {  	_ =	task [dreg:s22], $0x5FFFF  }
0xbd: {  	[dreg:$0x1] =	wrdreg $0xFFFFFFFF  }
0xbe: {  	[dreg:$0x0] =	wrdreg $0x60  }
0xbf: {  	[dreg:$0x2] =	wrdreg s18  }
0xc0: {  	[dreg:$0x3] =	wrdreg s4  }
0xc1: {  	[dreg:$0x4] =	wrdreg s5  }
0xc2: {  	[dreg:$0x5] =	wrdreg s24  }
0xc3: {  	[dreg:$0x6] =	wrdreg $0x9  }
0xc4: {  	_ =	task.clear_ibuf [dreg:s22], $0x7FFFF;
	_ =	strace $0x90000049  }
0xc5: {  	s29 =	simm.s32 $0x9;
	_ =	strace $0x8000004B  }
0xc6: {  	_ =	swait.ge [sflag:s29], $0x1  }
0xc7: {  	[sflag:s29] =	ssyncadd.s32 $0xFFFFFFFF  }
0xc8: {  	_ =	strace $0x9000004B  }
0xc9: {  	_ =	sfence  }
0xca: {  	s30 =	sld [smem:$0x0];
	_ =	sdelay $0x2  }
0xcb: {  	s31 =	sshll.u32 s1, $0xD;
	s1 =	sshrl.u32 s1, $0x2  }
0xcc: {  	s4 =	sand.u32 $0x4000, s31;
	s1 =	sadd.s32 s1, s30  }
0xcd: {  	s0 =	sor.u32 s4, s0;
	s1 =	sshll.u32 s1, $0x11  }
0xce: {  	s0 =	sor.u32 s1, s0  }
0xcf: {  	s0 =	sadd.s32 $0x8F2B, s0  }
0xd0: {  	[sflag:s0] =	ssyncadd.remote.s32 $0x1  }
0xd1: {  	_ =	sfence.sel $0xFFFF  }
0xd2: {  	[dreg:$0x0] =	wrdreg $0xFFFFFFFF;
	(pc) =	sbr.abs _section_cstart, $3  }
0xd3: {  	[dreg:$0x1] =	wrdreg $0xFFFFFFFF  }
0xd4: {  	_ =	task.clear_ibuf [dreg:s22], $0x2FFFF;
	_ =	strace $0x9FFFFFFF  }
0xd5: {  	(tm) =	ssettm $0x7FFFFFFF  }
tec
execute0_lowered:
.L_overlay_start_1:
0x0: {  	(tag) =	ssettag $0x1  }
0x1: {  	s5 =	rddreg [dreg:$0x0]  }
0x2: {  	s1 =	rddreg [dreg:$0x1];
	s2 =	srdreg.scid  }
0x3: {  	s3 =	rddreg [dreg:$0x2];
	s0 =	stileid.u32;
	s10 =	sand.u32 $0x1, s2  }
0x4: {  	s9 =	rddreg [dreg:$0x3];
	s6 =	sshll.u32 s0, $0x8;
	s7 =	sshll.u32 s10, $0x7  }
0x5: {  	s4 =	simm.s32 $0x0;
	s2 =	rddreg [dreg:$0x4];
	s11 =	sor.u32 s7, s6  }
0x6: {  	[smem:$0x7FF] =	sst s4;
	s6 =	sshrl.u32 s11, $0x3  }
0x7: {  	_ =	strace $0x8000004A;
	s6 =	sadd.s32 s5, s6;
	s5 =	simm.s32 $0x2  }
0x8: {  	[tilespmem:s4], [sflag:$0x2] =	stream.linear.gather [hbm4b:s6+s4], $0x80, $0x38;
	[tilespmem:$0x4080] =	vst v63  }
0x9: {  	_ =	swait.ge [sflag:s5], $0x80  }
0xa: {  	[sflag:s5] =	ssyncset.done $0x0  }
0xb: {  	s8 =	simm.s32 $0x1;
	s7 =	simm.s32 $0x80;
	[sflag:s5] =	ssyncadd.s32 $0xFFFFFF80  }
0xc: {  	[tilespmem:s7], [sflag:$0x1] =	stream.indirect.gather [hbm4b:s1+s7], $0x80, s4, s7, $0xb8;
	[tilespmem:$0x4080] =	vst v63  }
0xd: {  	s11 =	sshll.u32 s11, $0x4;
	_ =	swait.ge [sflag:s8], $0x4000  }
0xe: {  	s11 =	sadd.s32 s11, s9;
	[sflag:s8] =	ssyncset.done $0x0  }
0xf: {  	s10 =	ssub.s32 $0x2, s10;
	s9 =	sadd.s32 $0x31E200, s11;
	[sflag:s8] =	ssyncadd.s32 $0xFFFFC000  }
0x10: {  	[hbm4b:s9+s4] =	stream.linear.scatter [tilespmem:s7], [sflag:$0x2], $0x4000, $0x38;
	[tilespmem:$0x4080] =	vst v63  }
0x11: {  	s12 =	sshrl.u32 s10, $0x1;
	_ =	swait.ge [sflag:s5], $0x4000  }
0x12: {  	s12 =	ssub.s32 s10, s12;
	[sflag:s5] =	ssyncset.done $0x0  }
0x13: {  	s31 =	smax.u32 s12, $0x1;
	[sflag:s5] =	ssyncadd.s32 $0xFFFFC000  }
0x14: {  	[tilespmem:s7], [sflag:$0x1] =	stream.indirect.gather [hbm4b:s3+s7], $0x80, s4, s7, $0xb8;
	[tilespmem:$0x4080] =	vst v63  }
0x15: {  	p0 =	sne.s32 s31, $0x1;
	_ =	swait.ge [sflag:s8], $0x4000  }
.Ltmp0:
0x16: {  	[sflag:s8] =	ssyncset.done $0x0;
	(pc) =	sbr.rel @!p0 .LBB2_2-.Ltmp0, $4  }
0x17: {  	s10 =	sadd.s32 $0x32E200, s11;
	[sflag:s8] =	ssyncadd.s32 $0xFFFFC000  }
0x18: {  	[hbm4b:s10+s4] =	stream.linear.scatter [tilespmem:s7], [sflag:$0x2], $0x4000, $0x38;
	[tilespmem:$0x4080] =	vst v63  }
0x19: {  	_ =	swait.ge [sflag:s5], $0x4000  }
0x1a: {  	s11 =	sadd.s32 $0xFFFFFFFF, s31;
	[sflag:s5] =	ssyncset.done $0x0  }
.LBB2_1:
0x1b: {  	p0 =	sne.s32 s11, $0x1;
	s11 =	sadd.s32 $0xFFFFFFFF, s11;
	[sflag:s5] =	ssyncadd.s32 $0xFFFFC000  }
0x1c: {  	[tilespmem:s4], [sflag:$0x2] =	stream.linear.gather [hbm4b:s6+s4], $0x80, $0x38;
	[tilespmem:$0x4080] =	vst v63  }
0x1d: {  	_ =	swait.ge [sflag:s5], $0x80  }
0x1e: {  	[sflag:s5] =	ssyncset.done $0x0  }
0x1f: {  	[sflag:s5] =	ssyncadd.s32 $0xFFFFFF80  }
0x20: {  	[tilespmem:s7], [sflag:$0x1] =	stream.indirect.gather [hbm4b:s1+s7], $0x80, s4, s7, $0xb8;
	[tilespmem:$0x4080] =	vst v63  }
0x21: {  	_ =	swait.ge [sflag:s8], $0x4000  }
0x22: {  	[sflag:s8] =	ssyncset.done $0x0  }
0x23: {  	[sflag:s8] =	ssyncadd.s32 $0xFFFFC000  }
0x24: {  	[hbm4b:s9+s4] =	stream.linear.scatter [tilespmem:s7], [sflag:$0x2], $0x4000, $0x38;
	[tilespmem:$0x4080] =	vst v63  }
0x25: {  	_ =	swait.ge [sflag:s5], $0x4000  }
0x26: {  	[sflag:s5] =	ssyncset.done $0x0  }
0x27: {  	[sflag:s5] =	ssyncadd.s32 $0xFFFFC000  }
0x28: {  	[tilespmem:s7], [sflag:$0x1] =	stream.indirect.gather [hbm4b:s3+s7], $0x80, s4, s7, $0xb8;
	[tilespmem:$0x4080] =	vst v63  }
0x29: {  	_ =	swait.ge [sflag:s8], $0x4000  }
.Ltmp1:
0x2a: {  	[sflag:s8] =	ssyncset.done $0x0;
	(pc) =	sbr.rel @p0 .LBB2_1-.Ltmp1, $4  }
0x2b: {  	[sflag:s8] =	ssyncadd.s32 $0xFFFFC000  }
0x2c: {  	[hbm4b:s10+s4] =	stream.linear.scatter [tilespmem:s7], [sflag:$0x2], $0x4000, $0x38;
	[tilespmem:$0x4080] =	vst v63  }
0x2d: {  	_ =	swait.ge [sflag:s5], $0x4000  }
0x2e: {  	[sflag:s5] =	ssyncset.done $0x0  }
.LBB2_2:
0x2f: {  	[sflag:s5] =	ssyncadd.s32 $0xFFFFC000  }
0x30: {  	_ =	sfence.sel $0x180000  }
0x31: {  	[bflag:$0x0] =	sbarrier.arrive $0xFFFF  }
0x32: {  	p0 =	sne.s32 s0, $0x0;
	_ =	strace $0x9000004A  }
0x33: {  	s0 =	sadd.s32 @!p0 $0x100000, s2;
	[bflag:$0x2] =	sbarrier.arrive $0xFFFF  }
0x34: {  	[sflag:s0] =	ssyncadd.tile.s32 @!p0 $0x1;
	_ =	shalt  }
.Lfunc_end2:
_tile_overlayer_lowered:
.L_overlay_start_2:
0x35: {  	(tag) =	ssettag $0x2  }
0x36: {  	s0 =	rddreg [dreg:$0x0];
	s2 =	stileid.u32  }
0x37: {  	s1 =	rddreg [dreg:$0x1];
	p0 =	sne.s32 s2, $0x0  }
0x38: {  	s3 =	rddreg [dreg:$0x2];
	[bflag:$0x3] =	sbarrier.arrive $0xFFFF;
	s2 =	simm.s32 @!p0 $0x1C02  }
0x39: {  	[timem:s3], [sflag:s2] =	dma.local @!p0 [hbm:s0], s1  }
0x3a: {  	s0 =	simm.s32 @!p0 $0x2  }
0x3b: {  	_ =	swait.ge @!p0 [sflag:s0], s1  }
0x3c: {  	s1 =	ssub.s32 @!p0 $0x0, s1;
	[sflag:s0] =	ssyncset.done @!p0 $0x0  }
0x3d: {  	[sflag:s0] =	ssyncadd.s32 @!p0 s1  }
0x3e: {  	[bflag:$0x3] =	sbarrier.arrive $0xFFFF  }
0x3f: {  	_ =	shalt  }

// kernel: kernel.15.cloned.1.call-start
scs
__scs_entry_jumppad:
0x0: {  	(pc) =	sbr.rel $0x88, $3  }
0x1: {  	(tag) =	ssettag $0x0;
	lr =	simm.s32 $0x1  }
0x2: {  	[smem:$0x3F92] =	sst lr;
	_ =	strace $0xD0000000  }
0x3: {  	_ = 	snop  }
0x4: {  	_ = 	snop  }
0x5: {  	_ = 	snop  }
0x6: {  	_ = 	snop  }
0x7: {  	_ = 	snop  }
__scs_overlays_trampoline_lowered:
0x8: {  	[smem:$0x3FA1] =	sst s0  }
0x9: {  	[smem:$0x3FA2] =	sst s1  }
0xa: {  	[smem:$0x3FA3] =	sst s2  }
0xb: {  	[smem:$0x3FA4] =	sst s3  }
0xc: {  	[smem:$0x3FA5] =	sst s4  }
0xd: {  	[smem:$0x3FA6] =	sst s5  }
0xe: {  	[smem:$0x3FA7] =	sst s6  }
0xf: {  	[smem:$0x3FA8] =	sst s7  }
0x10: {  	[smem:$0x3FA9] =	sst s8  }
0x11: {  	[smem:$0x3FAA] =	sst s9;
	s0 =	simm.s32 @!p0 $0x0  }
0x12: {  	s1 =	sld [smem:$0x3F90];
	s0 =	simm.s32 @p0 $0x1  }
0x13: {  	[smem:$0x3FAB] =	sst s0;
	s0 =	simm.s32 @!p1 $0x0  }
0x14: {  	s2 =	sld [smem:$0x3F8F];
	s0 =	simm.s32 @p1 $0x1  }
0x15: {  	[smem:$0x3FAC] =	sst s0;
	s0 =	simm.s32 @!p2 $0x0  }
0x16: {  	s3 =	sld [smem:$0x3FDB];
	s0 =	simm.s32 @p2 $0x1  }
0x17: {  	s4 =	simm.s32 $0x1BF5;
	[smem:$0x3FAE] =	sst s0  }
0x18: {  	s0 =	sld [smem:$0x3F91];
	_ =	swait.ge [sflag:s4], $0x0  }
0x19: {  	s7 =	sld [smem:$0x3F92]  }
0x1a: {  	s8 =	sadd.s32 $0xFFFFE003, lr  }
0x1b: {  	s9 =	sadd.s32 $0xFFFFFEF7, lr;
	s5 =	simm.s32 $0xFFFFFFFF;
	p2 =	slt.u32 s8, $0xFFFFF086  }
0x1c: {  	p1 =	slt.u32 s9, $0xF7A;
	s5 =	simm.s32 @!p2 $0x0  }
0x1d: {  	s5 =	simm.s32 @p1 $0x1;
	p0 =	seq.s32 s7, s2  }
0x1e: {  	s7 =	smul.u32 @!p0 $0xF7A, s2;
	p2 =	seq.s32 @!p0 s5, $0x0  }
0x1f: {  	s9 =	smul.u32 $0xF7A, s1;
	s8 =	simm.s32 @!p0 $0x1BF5;
	p2 =	por !p2, p0  }
0x20: {  	[sflag:s8] =	ssyncset.s32 @!p0 $0xFFFFF086;
	s6 =	sadd.s32 @!p0 s3, s7;
	s7 =	simm.s32 @!p0 $0x108  }
0x21: {  	s3 =	sadd.s32 s3, s9;
	s6 =	sadd.s32 @!p0 $0x88, s6;
	s7 =	simm.s32 @p2 $0x1082  }
0x22: {  	[simem:s7], [sflag:s8] =	dma.local @!p0 [hbm:s6], $0xF7A  }
0x23: {  	s9 =	sor.u32 $0xD0000000, s2;
	s6 =	simm.s32 $0x108;
	_ =	swait.ge @!p0 [sflag:s8], $0x0  }
0x24: {  	s3 =	sadd.s32 $0x88, s3;
	s6 =	simm.s32 @!p1 $0x1082;
	[sflag:s4] =	ssyncset.s32 $0xFFFFF086  }
0x25: {  	[simem:s6], [sflag:s4] =	dma.local [hbm:s3], $0xF7A  }
0x26: {  	[smem:$0x3F92] =	sst s1;
	(tag) =	ssettag s2;
	_ =	strace s9  }
0x27: {  	s1 =	sld [smem:$0x3FA2]  }
0x28: {  	s2 =	sld [smem:$0x3FA3]  }
0x29: {  	s4 =	sld [smem:$0x3FA5]  }
0x2a: {  	p0 =	seq.s32 s5, $0x0;
	s5 =	sld [smem:$0x3FA6]  }
0x2b: {  	s6 =	sld [smem:$0x3FA7]  }
0x2c: {  	s7 =	sld [smem:$0x3FA8]  }
0x2d: {  	s3 =	simm.s32 $0x108;
	s8 =	sld [smem:$0x3FA9]  }
0x2e: {  	s3 =	simm.s32 @!p0 $0x1082;
	s9 =	sld [smem:$0x3FAA]  }
0x2f: {  	lr =	sadd.s32 s0, s3;
	s0 =	sld [smem:$0x3FA1]  }
0x30: {  	s3 =	sld [smem:$0x3FA4]  }
0x31: {  	[smem:$0x3FAD] =	sst s10  }
0x32: {  	s10 =	sld [smem:$0x3FAB];
	_ =	sdelay $0x3  }
0x33: {  	p0 =	seq.s32 s10, $0x1;
	s10 =	sld [smem:$0x3FAD];
	_ =	sdelay $0x3  }
0x34: {  	[smem:$0x3FAD] =	sst s10  }
0x35: {  	s10 =	sld [smem:$0x3FAC];
	_ =	sdelay $0x3  }
0x36: {  	p1 =	seq.s32 s10, $0x1;
	s10 =	sld [smem:$0x3FAD];
	_ =	sdelay $0x3  }
0x37: {  	[smem:$0x3FAD] =	sst s10  }
0x38: {  	s10 =	sld [smem:$0x3FAE]  }
0x39: {  	_ = 	snop;
	(pc) =	sbr.ind lr, $3  }
0x3a: {  	_ = 	snop  }
0x3b: {  	_ = 	snop  }
0x3c: {  	p2 =	seq.s32 s10, $0x1;
	s10 =	sld [smem:$0x3FAD]  }
0x3d: {  	_ =	shalt  }
0x3e: {  	_ =	shalt  }
0x3f: {  	_ =	shalt  }
0x40: {  	_ =	shalt  }
0x41: {  	_ =	shalt  }
0x42: {  	_ =	shalt  }
0x43: {  	_ =	shalt  }
0x44: {  	_ =	shalt  }
0x45: {  	_ =	shalt  }
0x46: {  	_ =	shalt  }
0x47: {  	_ =	shalt  }
0x48: {  	_ =	shalt  }
0x49: {  	_ =	shalt  }
0x4a: {  	_ =	shalt  }
0x4b: {  	_ =	shalt  }
0x4c: {  	_ =	shalt  }
0x4d: {  	_ =	shalt  }
0x4e: {  	_ =	shalt  }
0x4f: {  	_ =	shalt  }
0x50: {  	_ =	shalt  }
0x51: {  	_ =	shalt  }
0x52: {  	_ =	shalt  }
0x53: {  	_ =	shalt  }
0x54: {  	_ =	shalt  }
0x55: {  	_ =	shalt  }
0x56: {  	_ =	shalt  }
0x57: {  	_ =	shalt  }
0x58: {  	_ =	shalt  }
0x59: {  	_ =	shalt  }
0x5a: {  	_ =	shalt  }
0x5b: {  	_ =	shalt  }
0x5c: {  	_ =	shalt  }
0x5d: {  	_ =	shalt  }
0x5e: {  	_ =	shalt  }
0x5f: {  	_ =	shalt  }
0x60: {  	_ =	shalt  }
0x61: {  	_ =	shalt  }
0x62: {  	_ =	shalt  }
0x63: {  	_ =	shalt  }
0x64: {  	_ =	shalt  }
0x65: {  	_ =	shalt  }
0x66: {  	_ =	shalt  }
0x67: {  	_ =	shalt  }
0x68: {  	_ =	shalt  }
0x69: {  	_ =	shalt  }
0x6a: {  	_ =	shalt  }
0x6b: {  	_ =	shalt  }
0x6c: {  	_ =	shalt  }
0x6d: {  	_ =	shalt  }
0x6e: {  	_ =	shalt  }
0x6f: {  	_ =	shalt  }
0x70: {  	_ =	shalt  }
0x71: {  	_ =	shalt  }
0x72: {  	_ =	shalt  }
0x73: {  	_ =	shalt  }
0x74: {  	_ =	shalt  }
0x75: {  	_ =	shalt  }
0x76: {  	_ =	shalt  }
0x77: {  	_ =	shalt  }
0x78: {  	_ =	shalt  }
0x79: {  	_ =	shalt  }
0x7a: {  	_ =	shalt  }
0x7b: {  	_ =	shalt  }
0x7c: {  	_ =	shalt  }
0x7d: {  	_ =	shalt  }
0x7e: {  	_ =	shalt  }
0x7f: {  	_ =	shalt  }
0x80: {  	_ =	shalt  }
0x81: {  	_ =	shalt  }
0x82: {  	_ =	shalt  }
0x83: {  	_ =	shalt  }
0x84: {  	_ =	shalt  }
0x85: {  	_ =	shalt  }
0x86: {  	_ =	shalt  }
0x87: {  	_ =	shalt  }
.Lfunc_end0:
.L_simem_size_0:
called_computation.1_lowered:
.L_overlay_start_0:
0x88: {  	s2 =	sld [smem:$0x3FD9]  }
0x89: {  	s3 =	sld [smem:$0x3FFE];
	_ =	sdelay $0x1  }
0x8a: {  	s1 =	srdreg.scid  }
0x8b: {  	s0 =	sand.u32 $0x1, s1  }
0x8c: {  	s17 =	sshll.u32 s0, $0xA;
	s2 =	sadd.s32 s3, s2  }
0x8d: {  	s2 =	sadd.s32 s2, s17  }
0x8e: {  	[smem:$0x3FB9] =	sst s2  }
0x8f: {  	_ = 	snop  }
0x90: {  	(tm) =	ssettm $0x1  }
0x91: {  	s18 =	sld [smem:$0x3FFB];
	_ =	sdelay $0x3  }
0x92: {  	_ =	strace s18  }
0x93: {  	s2 =	sld [smem:$0x3FFC];
	_ =	sdelay $0x3  }
0x94: {  	_ =	strace s2  }
0x95: {  	s2 =	sld [smem:$0x3FFD];
	_ =	sdelay $0x3  }
0x96: {  	_ =	strace s2  }
0x97: {  	_ =	strace $0x8FFFFFFF  }
0x98: {  	s19 =	sld [smem:$0x3FDB];
	_ =	sdelay $0x1  }
0x99: {  	s20 =	simm.s32 $_scs_section_size  }
0x9a: {  	s4 =	simm.s32 $_size__tile_overlayer_lowered;
	s5 =	simm.s32 $_tile_overlayer_lowered  }
0x9b: {  	s6 =	simm.s32 $0x1BFF;
	s21 =	sshll.u32 s5, $0x1;
	s3 =	sadd.s32 s20, s19  }
0x9c: {  	s22 =	simm.s32 $0x0;
	s4 =	sshll.u32 s4, $0x1;
	s5 =	sadd.s32 s21, s3  }
0x9d: {  	[timem:s22], [sflag:s6] =	dma.local [hbm:s5], s4  }
0x9e: {  	_ =	swait.ge [sflag:s6], s4  }
0x9f: {  	s4 =	ssub.s32 $0x0, s4;
	[sflag:s6] =	ssyncset.done $0x0  }
0xa0: {  	[sflag:s6] =	ssyncadd.s32 s4;
	_ =	sdelay $0x1  }
0xa1: {  	s23 =	simm.s32 $0x1B8B  }
0xa2: {  	_ =	swait.ge [sflag:s23], $0x1  }
0xa3: {  	[sflag:s23] =	ssyncset.done $0x0  }
0xa4: {  	[sflag:s23] =	ssyncadd.s32 $0xFFFFFFFF  }
0xa5: {  	s4 =	sld [smem:$0x0]  }
0xa6: {  	s5 =	sand.u32 $0xFFFFFFFE, s1  }
0xa7: {  	p0 =	sne.s32 s1, s5  }
0xa8: {  	s5 =	sshll.u32 @p0 s5, $0xE  }
0xa9: {  	s5 =	sadd.s32 @p0 $0x11B8D, s5;
	s6 =	sshll.u32 @p0 s4, $0x11  }
0xaa: {  	s5 =	sor.u32 @p0 s6, s5  }
0xab: {  	[sflag:s5] =	ssyncadd.remote.s32 @p0 $0x1;
	_ =	sdelay $0x1  }
0xac: {  	s5 =	simm.s32 @p0 $0x1B8D  }
0xad: {  	_ =	swait.eq @p0 [sflag:s5], $0x1  }
0xae: {  	[sflag:s5] =	ssyncadd.s32 @p0 $0xFFFFFFFF  }
0xaf: {  	s6 =	sshll.u32 @!p0 s1, $0xE  }
0xb0: {  	s6 =	sor.u32 @!p0 $0x4000, s6;
	s5 =	simm.s32 @!p0 $0x1B8D  }
0xb1: {  	s4 =	sshll.u32 @!p0 s4, $0x11;
	s6 =	sadd.s32 @!p0 $0x11B8D, s6;
	_ =	swait.eq @!p0 [sflag:s5], $0x1  }
0xb2: {  	s4 =	sor.u32 @!p0 s4, s6;
	[sflag:s5] =	ssyncadd.s32 @!p0 $0xFFFFFFFF  }
0xb3: {  	s25 =	simm.s32 $0x1B8E;
	s24 =	sld [smem:$0x3FFE];
	[sflag:s4] =	ssyncadd.remote.s32 @!p0 $0x1  }
0xb4: {  	s26 =	simm.s32 $execute0_lowered;
	[smem:$0x3FD2] =	sst s25  }
0xb5: {  	s5 =	sshll.u32 s26, $0x1;
	_ =	strace $0x80000052;
	[dreg:$0x1] =	wrdreg $0xFFFFFFFF  }
0xb6: {  	s28 =	simm.s32 $_size_execute0_lowered;
	s3 =	sadd.s32 s3, s5;
	[dreg:$0x0] =	wrdreg $0x0  }
0xb7: {  	s5 =	sshll.u32 s28, $0x1;
	[dreg:$0x2] =	wrdreg s3  }
0xb8: {  	[dreg:$0x3] =	wrdreg s5  }
0xb9: {  	[dreg:$0x4] =	wrdreg $0xC0  }
0xba: {  	_ =	task [dreg:s22], $0x5FFFF  }
0xbb: {  	[dreg:$0x1] =	wrdreg $0xFFFFFFFF  }
0xbc: {  	[dreg:$0x0] =	wrdreg $0x60  }
0xbd: {  	[dreg:$0x2] =	wrdreg s24  }
0xbe: {  	[dreg:$0x3] =	wrdreg $0xA  }
0xbf: {  	_ =	task.clear_ibuf [dreg:s22], $0x4FFFF;
	_ =	strace $0x90000052  }
0xc0: {  	s29 =	simm.s32 $0xA;
	_ =	strace $0x80000054  }
0xc1: {  	_ =	swait.ge [sflag:s29], $0x1  }
0xc2: {  	[sflag:s29] =	ssyncadd.s32 $0xFFFFFFFF  }
0xc3: {  	_ =	strace $0x90000054  }
0xc4: {  	_ =	sfence  }
0xc5: {  	s30 =	sld [smem:$0x0];
	_ =	sdelay $0x2  }
0xc6: {  	s31 =	sshll.u32 s1, $0xD;
	s1 =	sshrl.u32 s1, $0x2  }
0xc7: {  	s4 =	sand.u32 $0x4000, s31;
	s1 =	sadd.s32 s1, s30  }
0xc8: {  	s0 =	sor.u32 s4, s0;
	s1 =	sshll.u32 s1, $0x11  }
0xc9: {  	s0 =	sor.u32 s1, s0  }
0xca: {  	s0 =	sadd.s32 $0x8F2B, s0  }
0xcb: {  	[sflag:s0] =	ssyncadd.remote.s32 $0x1  }
0xcc: {  	_ =	sfence.sel $0xFFFF  }
0xcd: {  	[dreg:$0x0] =	wrdreg $0xFFFFFFFF;
	(pc) =	sbr.abs _section_cstart, $3  }
0xce: {  	[dreg:$0x1] =	wrdreg $0xFFFFFFFF  }
0xcf: {  	_ =	task.clear_ibuf [dreg:s22], $0x2FFFF;
	_ =	strace $0x9FFFFFFF  }
0xd0: {  	(tm) =	ssettm $0x7FFFFFFF  }
0xd1: {  	_ =	shalt  }
tec
execute0_lowered:
.L_overlay_start_1:
0x0: {  	(tag) =	ssettag $0x1  }
0x1: {  	s1 =	srdreg.scid;
	s0 =	stileid.u32  }
0x2: {  	s4 =	rddreg [dreg:$0x0];
	s2 =	simm.s32 $0x0;
	s12 =	simm.s32 $0x5  }
0x3: {  	s13 =	simm.s32 $0x80;
	s14 =	simm.s32 $0x1000;
	s15 =	simm.s32 $0x5000  }
0x4: {  	s16 =	simm.s32 $0x1;
	s17 =	simm.s32 $0x3;
	s18 =	simm.s32 $0x100  }
0x5: {  	s19 =	simm.s32 $0x2;
	s20 =	simm.s32 $0x4;
	s21 =	simm.s32 $0x0  }
0x6: {  	s5 =	sand.u32 $0x1, s1;
	s3 =	sshll.u32 s0, $0x1;
	s1 =	rddreg [dreg:$0x1]  }
0x7: {  	[smem:$0x7FF] =	sst s2;
	s8 =	smul.u32 $0xC8000, s0;
	s3 =	sor.u32 s5, s3  }
0x8: {  	_ =	strace $0x80000053;
	s9 =	ssub.s32 $0x2, s5;
	s10 =	smul.u32 $0x64000, s5  }
0x9: {  	s6 =	sshll.u32 s3, $0x9;
	s7 =	smul.u32 $0x64000, s3;
	s3 =	sadd.s32 $0x7800, s4  }
0xa: {  	s31 =	sshrl.u32 s9, $0x1;
	s6 =	sadd.s32 s6, s4;
	s4 =	sadd.s32 $0x662200, s4  }
0xb: {  	s9 =	ssub.s32 s9, s31;
	s10 =	sadd.s32 s10, s8;
	s7 =	sshrl.u32 s7, $0x3  }
0xc: {  	s6 =	sadd.s32 $0x65E200, s6;
	s11 =	sadd.s32 $0xC000, s10;
	s8 =	smax.u32 s9, $0x1  }
0xd: {  	s10 =	sadd.s32 $0x8000, s10;
	s5 =	sadd.s32 s4, s7;
	s11 =	sshrl.u32 s11, $0x3  }
0xe: {  	s7 =	sadd.s32 $0xC000, s5;
	s9 =	sadd.s32 $0x800, s5;
	s11 =	sadd.s32 s11, s4  }
.LBB2_1:
0xf: {  	[tilespmem:s2], [sflag:$0x5] =	stream.linear.gather [hbm4b:s6+s2], $0xC80, $0x38;
	[tilespmem:$0x9000] =	vst v63  }
0x10: {  	_ =	swait.ge [sflag:s12], $0xC80  }
0x11: {  	[sflag:s12] =	ssyncset.done $0x0  }
0x12: {  	[sflag:s12] =	ssyncadd.s32 $0xFFFFF380  }
0x13: {  	[tilespmem:s14], [sflag:$0x1] =	stream.indirect.gather [hbm4b:s3+s13], $0x80, s2, s13, $0xb8;
	[tilespmem:$0x9000] =	vst v63  }
0x14: {  	_ = 	snop  }
0x15: {  	[tilespmem:s15], [sflag:$0x2] =	stream.indirect.gather [hbm4b:s3+s13], $0x80, s13, s13, $0xb8;
	[tilespmem:$0x9000] =	vst v63  }
0x16: {  	_ =	swait.ge [sflag:s16], $0x4000  }
0x17: {  	[sflag:s16] =	ssyncset.done $0x0  }
0x18: {  	[sflag:s16] =	ssyncadd.s32 $0xFFFFC000  }
0x19: {  	[hbm4b:s5+s2] =	stream.linear.scatter [tilespmem:s14], [sflag:$0x3], $0x4000, $0x38;
	[tilespmem:$0x9000] =	vst v63  }
0x1a: {  	_ =	swait.ge [sflag:s17], $0x4000  }
0x1b: {  	[sflag:s17] =	ssyncset.done $0x0  }
0x1c: {  	[sflag:s17] =	ssyncadd.s32 $0xFFFFC000  }
0x1d: {  	[tilespmem:s14], [sflag:$0x1] =	stream.indirect.gather [hbm4b:s3+s13], $0x80, s18, s13, $0xb8;
	[tilespmem:$0x9000] =	vst v63  }
0x1e: {  	_ =	swait.ge [sflag:s19], $0x4000  }
0x1f: {  	[sflag:s19] =	ssyncset.done $0x0  }
0x20: {  	[sflag:s19] =	ssyncadd.s32 $0xFFFFC000  }
0x21: {  	[hbm4b:s9+s2] =	stream.linear.scatter [tilespmem:s15], [sflag:$0x4], $0x4000, $0x38;
	[tilespmem:$0x9000] =	vst v63  }
0x22: {  	_ =	swait.ge [sflag:s20], $0x4000  }
0x23: {  	[sflag:s20] =	ssyncset.done $0x0  }
0x24: {  	s22 =	simm.s32 $0x180;
	[sflag:s20] =	ssyncadd.s32 $0xFFFFC000  }
0x25: {  	[tilespmem:s15], [sflag:$0x2] =	stream.indirect.gather [hbm4b:s3+s13], $0x80, s22, s13, $0xb8;
	[tilespmem:$0x9000] =	vst v63  }
0x26: {  	_ =	swait.ge [sflag:s16], $0x4000  }
0x27: {  	s30 =	sshrl.u32 s10, $0x3;
	[sflag:s16] =	ssyncset.done $0x0  }
0x28: {  	s22 =	sadd.s32 s4, s30;
	[sflag:s16] =	ssyncadd.s32 $0xFFFFC000  }
0x29: {  	[hbm4b:s22+s2] =	stream.linear.scatter [tilespmem:s14], [sflag:$0x3], $0x4000, $0x38;
	[tilespmem:$0x9000] =	vst v63  }
0x2a: {  	_ =	swait.ge [sflag:s17], $0x4000  }
0x2b: {  	[sflag:s17] =	ssyncset.done $0x0  }
0x2c: {  	s31 =	simm.s32 $0x200;
	[sflag:s17] =	ssyncadd.s32 $0xFFFFC000  }
0x2d: {  	[tilespmem:s14], [sflag:$0x1] =	stream.indirect.gather [hbm4b:s3+s13], $0x80, s31, s13, $0xb8;
	[tilespmem:$0x9000] =	vst v63  }
0x2e: {  	_ =	swait.ge [sflag:s19], $0x4000  }
0x2f: {  	s23 =	simm.s32 $0x280;
	s25 =	sadd.s32 $0x0, s11;
	[sflag:s19] =	ssyncset.done $0x0  }
0x30: {  	s24 =	sadd.s32 $0x8000, s10;
	s22 =	simm.s32 $0x1000;
	[sflag:s19] =	ssyncadd.s32 $0xFFFFC000  }
.LBB2_2:
0x31: {  	[hbm4b:s25+s2] =	stream.linear.scatter [tilespmem:s15], [sflag:$0x4], $0x4000, $0x38;
	[tilespmem:$0x9000] =	vst v63  }
0x32: {  	s25 =	smov.u32 s22  }
0x33: {  	p0 =	sne.s32 s22, $0xA000;
	s22 =	sadd.s32 $0x1000, s22;
	_ =	swait.ge [sflag:s20], $0x4000  }
0x34: {  	[sflag:s20] =	ssyncset.done $0x0  }
0x35: {  	[sflag:s20] =	ssyncadd.s32 $0xFFFFC000  }
0x36: {  	[tilespmem:s15], [sflag:$0x2] =	stream.indirect.gather [hbm4b:s3+s13], $0x80, s23, s13, $0xb8;
	[tilespmem:$0x9000] =	vst v63  }
0x37: {  	_ =	swait.ge [sflag:s16], $0x4000  }
0x38: {  	s26 =	sshrl.u32 s24, $0x3;
	[sflag:s16] =	ssyncset.done $0x0  }
0x39: {  	s26 =	sadd.s32 s4, s26;
	[sflag:s16] =	ssyncadd.s32 $0xFFFFC000  }
0x3a: {  	[hbm4b:s26+s2] =	stream.linear.scatter [tilespmem:s14], [sflag:$0x3], $0x4000, $0x38;
	[tilespmem:$0x9000] =	vst v63  }
0x3b: {  	_ =	swait.ge [sflag:s17], $0x4000  }
0x3c: {  	[sflag:s17] =	ssyncset.done $0x0  }
.Ltmp0:
0x3d: {  	s26 =	sadd.s32 $0x80, s23;
	[sflag:s17] =	ssyncadd.s32 $0xFFFFC000;
	(pc) =	sbr.rel @p0 .LBB2_2-.Ltmp0, $4  }
0x3e: {  	[tilespmem:s14], [sflag:$0x1] =	stream.indirect.gather [hbm4b:s3+s13], $0x80, s26, s13, $0xb8;
	[tilespmem:$0x9000] =	vst v63  }
0x3f: {  	_ =	swait.ge [sflag:s19], $0x4000  }
0x40: {  	s23 =	sadd.s32 $0x100, s23;
	[sflag:s19] =	ssyncset.done $0x0  }
0x41: {  	s24 =	sadd.s32 $0x8000, s24;
	s25 =	sadd.s32 s25, s11;
	[sflag:s19] =	ssyncadd.s32 $0xFFFFC000  }
0x42: {  	[hbm4b:s25+s2] =	stream.linear.scatter [tilespmem:s15], [sflag:$0x4], $0x4000, $0x38;
	[tilespmem:$0x9000] =	vst v63  }
0x43: {  	_ =	swait.ge [sflag:s16], $0x4000  }
0x44: {  	[sflag:s16] =	ssyncset.done $0x0  }
0x45: {  	s21 =	sadd.s32 $0x1, s21;
	[sflag:s16] =	ssyncadd.s32 $0xFFFFC000  }
0x46: {  	[hbm4b:s7+s2] =	stream.linear.scatter [tilespmem:s14], [sflag:$0x3], $0x4000, $0x38;
	[tilespmem:$0x9000] =	vst v63  }
0x47: {  	p0 =	sne.s32 s21, s8;
	_ =	swait.ge [sflag:s20], $0x4000  }
.Ltmp1:
0x48: {  	[sflag:s20] =	ssyncset.done $0x0;
	(pc) =	sbr.rel @p0 .LBB2_1-.Ltmp1, $4  }
0x49: {  	[sflag:s20] =	ssyncadd.s32 $0xFFFFC000  }
0x4a: {  	_ =	swait.ge [sflag:s17], $0x4000  }
0x4b: {  	[sflag:s17] =	ssyncset.done $0x0  }
0x4c: {  	[sflag:s17] =	ssyncadd.s32 $0xFFFFC000  }
0x4d: {  	_ =	sfence.sel $0x180000  }
0x4e: {  	[bflag:$0x0] =	sbarrier.arrive $0xFFFF  }
0x4f: {  	p0 =	sne.s32 s0, $0x0;
	_ =	strace $0x90000053  }
0x50: {  	s0 =	sadd.s32 @!p0 $0x100000, s1;
	[bflag:$0x2] =	sbarrier.arrive $0xFFFF  }
0x51: {  	[sflag:s0] =	ssyncadd.tile.s32 @!p0 $0x1;
	_ =	shalt  }
.Lfunc_end2:
_tile_overlayer_lowered:
.L_overlay_start_2:
0x52: {  	(tag) =	ssettag $0x2  }
0x53: {  	s0 =	rddreg [dreg:$0x0];
	s2 =	stileid.u32  }
0x54: {  	s1 =	rddreg [dreg:$0x1];
	p0 =	sne.s32 s2, $0x0  }
0x55: {  	s3 =	rddreg [dreg:$0x2];
	[bflag:$0x3] =	sbarrier.arrive $0xFFFF;
	s2 =	simm.s32 @!p0 $0x1C05  }
0x56: {  	[timem:s3], [sflag:s2] =	dma.local @!p0 [hbm:s0], s1  }
0x57: {  	s0 =	simm.s32 @!p0 $0x5  }
0x58: {  	_ =	swait.ge @!p0 [sflag:s0], s1  }
0x59: {  	s1 =	ssub.s32 @!p0 $0x0, s1;
	[sflag:s0] =	ssyncset.done @!p0 $0x0  }
0x5a: {  	[sflag:s0] =	ssyncadd.s32 @!p0 s1  }
0x5b: {  	[bflag:$0x3] =	sbarrier.arrive $0xFFFF  }
0x5c: {  	_ =	shalt  }

// kernel: kernel.18.cloned.1.call-start
scs
__scs_entry_jumppad:
0x0: {  	(pc) =	sbr.rel $0x88, $3  }
0x1: {  	(tag) =	ssettag $0x0;
	lr =	simm.s32 $0x1  }
0x2: {  	[smem:$0x3F92] =	sst lr;
	_ =	strace $0xD0000000  }
0x3: {  	_ = 	snop  }
0x4: {  	_ = 	snop  }
0x5: {  	_ = 	snop  }
0x6: {  	_ = 	snop  }
0x7: {  	_ = 	snop  }
__scs_overlays_trampoline_lowered:
0x8: {  	[smem:$0x3FA1] =	sst s0  }
0x9: {  	[smem:$0x3FA2] =	sst s1  }
0xa: {  	[smem:$0x3FA3] =	sst s2  }
0xb: {  	[smem:$0x3FA4] =	sst s3  }
0xc: {  	[smem:$0x3FA5] =	sst s4  }
0xd: {  	[smem:$0x3FA6] =	sst s5  }
0xe: {  	[smem:$0x3FA7] =	sst s6  }
0xf: {  	[smem:$0x3FA8] =	sst s7  }
0x10: {  	[smem:$0x3FA9] =	sst s8  }
0x11: {  	[smem:$0x3FAA] =	sst s9;
	s0 =	simm.s32 @!p0 $0x0  }
0x12: {  	s1 =	sld [smem:$0x3F90];
	s0 =	simm.s32 @p0 $0x1  }
0x13: {  	[smem:$0x3FAB] =	sst s0;
	s0 =	simm.s32 @!p1 $0x0  }
0x14: {  	s2 =	sld [smem:$0x3F8F];
	s0 =	simm.s32 @p1 $0x1  }
0x15: {  	[smem:$0x3FAC] =	sst s0;
	s0 =	simm.s32 @!p2 $0x0  }
0x16: {  	s3 =	sld [smem:$0x3FDB];
	s0 =	simm.s32 @p2 $0x1  }
0x17: {  	s4 =	simm.s32 $0x1BF5;
	[smem:$0x3FAE] =	sst s0  }
0x18: {  	s0 =	sld [smem:$0x3F91];
	_ =	swait.ge [sflag:s4], $0x0  }
0x19: {  	s7 =	sld [smem:$0x3F92]  }
0x1a: {  	s8 =	sadd.s32 $0xFFFFE003, lr  }
0x1b: {  	s9 =	sadd.s32 $0xFFFFFEF7, lr;
	s5 =	simm.s32 $0xFFFFFFFF;
	p2 =	slt.u32 s8, $0xFFFFF086  }
0x1c: {  	p1 =	slt.u32 s9, $0xF7A;
	s5 =	simm.s32 @!p2 $0x0  }
0x1d: {  	s5 =	simm.s32 @p1 $0x1;
	p0 =	seq.s32 s7, s2  }
0x1e: {  	s7 =	smul.u32 @!p0 $0xF7A, s2;
	p2 =	seq.s32 @!p0 s5, $0x0  }
0x1f: {  	s9 =	smul.u32 $0xF7A, s1;
	s8 =	simm.s32 @!p0 $0x1BF5;
	p2 =	por !p2, p0  }
0x20: {  	[sflag:s8] =	ssyncset.s32 @!p0 $0xFFFFF086;
	s6 =	sadd.s32 @!p0 s3, s7;
	s7 =	simm.s32 @!p0 $0x108  }
0x21: {  	s3 =	sadd.s32 s3, s9;
	s6 =	sadd.s32 @!p0 $0x88, s6;
	s7 =	simm.s32 @p2 $0x1082  }
0x22: {  	[simem:s7], [sflag:s8] =	dma.local @!p0 [hbm:s6], $0xF7A  }
0x23: {  	s9 =	sor.u32 $0xD0000000, s2;
	s6 =	simm.s32 $0x108;
	_ =	swait.ge @!p0 [sflag:s8], $0x0  }
0x24: {  	s3 =	sadd.s32 $0x88, s3;
	s6 =	simm.s32 @!p1 $0x1082;
	[sflag:s4] =	ssyncset.s32 $0xFFFFF086  }
0x25: {  	[simem:s6], [sflag:s4] =	dma.local [hbm:s3], $0xF7A  }
0x26: {  	[smem:$0x3F92] =	sst s1;
	(tag) =	ssettag s2;
	_ =	strace s9  }
0x27: {  	s1 =	sld [smem:$0x3FA2]  }
0x28: {  	s2 =	sld [smem:$0x3FA3]  }
0x29: {  	s4 =	sld [smem:$0x3FA5]  }
0x2a: {  	p0 =	seq.s32 s5, $0x0;
	s5 =	sld [smem:$0x3FA6]  }
0x2b: {  	s6 =	sld [smem:$0x3FA7]  }
0x2c: {  	s7 =	sld [smem:$0x3FA8]  }
0x2d: {  	s3 =	simm.s32 $0x108;
	s8 =	sld [smem:$0x3FA9]  }
0x2e: {  	s3 =	simm.s32 @!p0 $0x1082;
	s9 =	sld [smem:$0x3FAA]  }
0x2f: {  	lr =	sadd.s32 s0, s3;
	s0 =	sld [smem:$0x3FA1]  }
0x30: {  	s3 =	sld [smem:$0x3FA4]  }
0x31: {  	[smem:$0x3FAD] =	sst s10  }
0x32: {  	s10 =	sld [smem:$0x3FAB];
	_ =	sdelay $0x3  }
0x33: {  	p0 =	seq.s32 s10, $0x1;
	s10 =	sld [smem:$0x3FAD];
	_ =	sdelay $0x3  }
0x34: {  	[smem:$0x3FAD] =	sst s10  }
0x35: {  	s10 =	sld [smem:$0x3FAC];
	_ =	sdelay $0x3  }
0x36: {  	p1 =	seq.s32 s10, $0x1;
	s10 =	sld [smem:$0x3FAD];
	_ =	sdelay $0x3  }
0x37: {  	[smem:$0x3FAD] =	sst s10  }
0x38: {  	s10 =	sld [smem:$0x3FAE]  }
0x39: {  	_ = 	snop;
	(pc) =	sbr.ind lr, $3  }
0x3a: {  	_ = 	snop  }
0x3b: {  	_ = 	snop  }
0x3c: {  	p2 =	seq.s32 s10, $0x1;
	s10 =	sld [smem:$0x3FAD]  }
0x3d: {  	_ =	shalt  }
0x3e: {  	_ =	shalt  }
0x3f: {  	_ =	shalt  }
0x40: {  	_ =	shalt  }
0x41: {  	_ =	shalt  }
0x42: {  	_ =	shalt  }
0x43: {  	_ =	shalt  }
0x44: {  	_ =	shalt  }
0x45: {  	_ =	shalt  }
0x46: {  	_ =	shalt  }
0x47: {  	_ =	shalt  }
0x48: {  	_ =	shalt  }
0x49: {  	_ =	shalt  }
0x4a: {  	_ =	shalt  }
0x4b: {  	_ =	shalt  }
0x4c: {  	_ =	shalt  }
0x4d: {  	_ =	shalt  }
0x4e: {  	_ =	shalt  }
0x4f: {  	_ =	shalt  }
0x50: {  	_ =	shalt  }
0x51: {  	_ =	shalt  }
0x52: {  	_ =	shalt  }
0x53: {  	_ =	shalt  }
0x54: {  	_ =	shalt  }
0x55: {  	_ =	shalt  }
0x56: {  	_ =	shalt  }
0x57: {  	_ =	shalt  }
0x58: {  	_ =	shalt  }
0x59: {  	_ =	shalt  }
0x5a: {  	_ =	shalt  }
0x5b: {  	_ =	shalt  }
0x5c: {  	_ =	shalt  }
0x5d: {  	_ =	shalt  }
0x5e: {  	_ =	shalt  }
0x5f: {  	_ =	shalt  }
0x60: {  	_ =	shalt  }
0x61: {  	_ =	shalt  }
0x62: {  	_ =	shalt  }
0x63: {  	_ =	shalt  }
0x64: {  	_ =	shalt  }
0x65: {  	_ =	shalt  }
0x66: {  	_ =	shalt  }
0x67: {  	_ =	shalt  }
0x68: {  	_ =	shalt  }
0x69: {  	_ =	shalt  }
0x6a: {  	_ =	shalt  }
0x6b: {  	_ =	shalt  }
0x6c: {  	_ =	shalt  }
0x6d: {  	_ =	shalt  }
0x6e: {  	_ =	shalt  }
0x6f: {  	_ =	shalt  }
0x70: {  	_ =	shalt  }
0x71: {  	_ =	shalt  }
0x72: {  	_ =	shalt  }
0x73: {  	_ =	shalt  }
0x74: {  	_ =	shalt  }
0x75: {  	_ =	shalt  }
0x76: {  	_ =	shalt  }
0x77: {  	_ =	shalt  }
0x78: {  	_ =	shalt  }
0x79: {  	_ =	shalt  }
0x7a: {  	_ =	shalt  }
0x7b: {  	_ =	shalt  }
0x7c: {  	_ =	shalt  }
0x7d: {  	_ =	shalt  }
0x7e: {  	_ =	shalt  }
0x7f: {  	_ =	shalt  }
0x80: {  	_ =	shalt  }
0x81: {  	_ =	shalt  }
0x82: {  	_ =	shalt  }
0x83: {  	_ =	shalt  }
0x84: {  	_ =	shalt  }
0x85: {  	_ =	shalt  }
0x86: {  	_ =	shalt  }
0x87: {  	_ =	shalt  }
.Lfunc_end0:
.L_simem_size_0:
called_computation.2_lowered:
.L_overlay_start_0:
0x88: {  	s2 =	sld [smem:$0x3FD9]  }
0x89: {  	s3 =	sld [smem:$0x3FFE];
	_ =	sdelay $0x1  }
0x8a: {  	s1 =	srdreg.scid  }
0x8b: {  	s0 =	sand.u32 $0x1, s1  }
0x8c: {  	s14 =	sshll.u32 s0, $0xA;
	s2 =	sadd.s32 s3, s2  }
0x8d: {  	s2 =	sadd.s32 s2, s14  }
0x8e: {  	[smem:$0x3FB9] =	sst s2  }
0x8f: {  	_ = 	snop  }
0x90: {  	s2 =	sld [smem:$0x3FD0];
	_ =	sdelay $0x2  }
0x91: {  	s15 =	simm.s32 $0xE;
	s4 =	simm.s32 $0x10  }
0x92: {  	[smem:s4], [sflag:s15] =	dma.local [hbm:s2], $0x1  }
0x93: {  	_ =	swait.eq [sflag:s15], $0x1  }
0x94: {  	[sflag:s15] =	ssyncset.done $0x0  }
0x95: {  	[sflag:s15] =	ssyncadd.s32 $0xFFFFFFFF  }
0x96: {  	s16 =	sld [smem:$0x11];
	(tm) =	ssettm $0x1  }
0x97: {  	s17 =	sld [smem:$0x3FFB];
	_ =	sdelay $0x3  }
0x98: {  	_ =	strace s17  }
0x99: {  	s3 =	sld [smem:$0x3FFC];
	_ =	sdelay $0x3  }
0x9a: {  	_ =	strace s3  }
0x9b: {  	s3 =	sld [smem:$0x3FFD];
	_ =	sdelay $0x3  }
0x9c: {  	_ =	strace s3  }
0x9d: {  	_ =	strace $0x8FFFFFFF  }
0x9e: {  	s18 =	sld [smem:$0x3FDB];
	_ =	sdelay $0x1  }
0x9f: {  	s19 =	simm.s32 $_scs_section_size  }
0xa0: {  	s5 =	simm.s32 $_size__tile_overlayer_lowered;
	s6 =	simm.s32 $_tile_overlayer_lowered  }
0xa1: {  	s22 =	simm.s32 $0x1BFF;
	s21 =	sshll.u32 s6, $0x1;
	s3 =	sadd.s32 s19, s18  }
0xa2: {  	s7 =	simm.s32 $0x0;
	s20 =	sshll.u32 s5, $0x1;
	s5 =	sadd.s32 s21, s3  }
0xa3: {  	[timem:s7], [sflag:s22] =	dma.local [hbm:s5], s20  }
0xa4: {  	_ =	swait.ge [sflag:s22], s20  }
0xa5: {  	s4 =	ssub.s32 $0x0, s20;
	[sflag:s22] =	ssyncset.done $0x0  }
0xa6: {  	[sflag:s22] =	ssyncadd.s32 s4;
	_ =	sdelay $0x1  }
0xa7: {  	s23 =	simm.s32 $0x1B8B  }
0xa8: {  	_ =	swait.ge [sflag:s23], $0x1  }
0xa9: {  	[sflag:s23] =	ssyncset.done $0x0  }
0xaa: {  	s25 =	simm.s32 $0x1B8E;
	s24 =	sld [smem:$0x3FFE];
	[sflag:s23] =	ssyncadd.s32 $0xFFFFFFFF  }
0xab: {  	s26 =	simm.s32 $execute0_lowered;
	[smem:$0x3FD2] =	sst s25  }
0xac: {  	s5 =	sshll.u32 s26, $0x1;
	_ =	strace $0x80000046;
	[dreg:$0x1] =	wrdreg $0xFFFFFFFF  }
0xad: {  	s28 =	simm.s32 $_size_execute0_lowered;
	s3 =	sadd.s32 s3, s5;
	[dreg:$0x0] =	wrdreg $0x0  }
0xae: {  	s5 =	sshll.u32 s28, $0x1;
	[dreg:$0x2] =	wrdreg s3  }
0xaf: {  	[dreg:$0x3] =	wrdreg s5  }
0xb0: {  	[dreg:$0x4] =	wrdreg $0xC0  }
0xb1: {  	_ =	task [dreg:s7], $0x5FFFF  }
0xb2: {  	[dreg:$0x1] =	wrdreg $0xFFFFFFFF  }
0xb3: {  	[dreg:$0x0] =	wrdreg $0x60  }
0xb4: {  	[dreg:$0x2] =	wrdreg s16  }
0xb5: {  	[dreg:$0x3] =	wrdreg s24  }
0xb6: {  	[dreg:$0x4] =	wrdreg $0xB  }
0xb7: {  	_ =	task.clear_ibuf [dreg:s7], $0x5FFFF;
	_ =	strace $0x90000046  }
0xb8: {  	s29 =	simm.s32 $0xB;
	_ =	strace $0x80000048  }
0xb9: {  	_ =	swait.ge [sflag:s29], $0x1  }
0xba: {  	[sflag:s29] =	ssyncadd.s32 $0xFFFFFFFF  }
0xbb: {  	_ =	strace $0x90000048  }
0xbc: {  	_ =	sfence  }
0xbd: {  	s30 =	sld [smem:$0x0];
	_ =	sdelay $0x2  }
0xbe: {  	s31 =	sshll.u32 s1, $0xD;
	s1 =	sshrl.u32 s1, $0x2  }
0xbf: {  	s3 =	sand.u32 $0x4000, s31;
	s1 =	sadd.s32 s1, s30  }
0xc0: {  	s0 =	sor.u32 s3, s0;
	s1 =	sshll.u32 s1, $0x11  }
0xc1: {  	s0 =	sor.u32 s1, s0  }
0xc2: {  	s0 =	sadd.s32 $0x8F2B, s0  }
0xc3: {  	[sflag:s0] =	ssyncadd.remote.s32 $0x1  }
0xc4: {  	_ =	sfence.sel $0xFFFF  }
0xc5: {  	[dreg:$0x0] =	wrdreg $0xFFFFFFFF;
	(pc) =	sbr.abs _section_cstart, $3  }
0xc6: {  	[dreg:$0x1] =	wrdreg $0xFFFFFFFF  }
0xc7: {  	_ =	task.clear_ibuf [dreg:s7], $0x2FFFF;
	_ =	strace $0x9FFFFFFF  }
0xc8: {  	(tm) =	ssettm $0x7FFFFFFF  }
0xc9: {  	_ =	shalt  }
tec
execute0_lowered:
.L_overlay_start_1:
0x0: {  	(tag) =	ssettag $0x1  }
0x1: {  	s6 =	rddreg [dreg:$0x0];
	s1 =	srdreg.scid  }
0x2: {  	s0 =	stileid.u32;
	s4 =	rddreg [dreg:$0x1];
	s2 =	simm.s32 $0x0  }
0x3: {  	s13 =	simm.s32 $0x80;
	s14 =	simm.s32 $0x1000;
	s15 =	simm.s32 $0x5000  }
0x4: {  	s16 =	simm.s32 $0x1;
	s17 =	simm.s32 $0x3;
	s18 =	simm.s32 $0x100  }
0x5: {  	s19 =	simm.s32 $0x2;
	s20 =	simm.s32 $0x4;
	s21 =	simm.s32 $0x0  }
0x6: {  	s5 =	sand.u32 $0x1, s1;
	s3 =	sshll.u32 s0, $0x1;
	s1 =	rddreg [dreg:$0x2]  }
0x7: {  	[smem:$0x7FF] =	sst s2;
	s10 =	smul.u32 $0xC8000, s0;
	s7 =	sor.u32 s5, s3  }
0x8: {  	_ =	strace $0x80000047;
	s9 =	ssub.s32 $0x2, s5;
	s3 =	sadd.s32 $0x7800, s4  }
0x9: {  	s12 =	smul.u32 $0x64000, s5;
	s4 =	sadd.s32 $0x18E200, s4;
	s11 =	sshrl.u32 s9, $0x1  }
0xa: {  	s8 =	smul.u32 $0x64000, s7;
	s7 =	sshll.u32 s7, $0x9;
	s9 =	ssub.s32 s9, s11  }
0xb: {  	s10 =	sadd.s32 s12, s10;
	s6 =	sadd.s32 s6, s7;
	s12 =	simm.s32 $0x5  }
0xc: {  	s30 =	sshrl.u32 s8, $0x3;
	s31 =	sadd.s32 $0xC000, s10;
	s8 =	smax.u32 s9, $0x1  }
0xd: {  	s10 =	sadd.s32 $0x8000, s10;
	s5 =	sadd.s32 s4, s30;
	s11 =	sshrl.u32 s31, $0x3  }
0xe: {  	s7 =	sadd.s32 $0xC000, s5;
	s9 =	sadd.s32 $0x800, s5;
	s11 =	sadd.s32 s11, s4  }
.LBB2_1:
0xf: {  	[tilespmem:s2], [sflag:$0x5] =	stream.linear.gather [hbm4b:s6+s2], $0xC80, $0x38;
	[tilespmem:$0x9000] =	vst v63  }
0x10: {  	_ =	swait.ge [sflag:s12], $0xC80  }
0x11: {  	[sflag:s12] =	ssyncset.done $0x0  }
0x12: {  	[sflag:s12] =	ssyncadd.s32 $0xFFFFF380  }
0x13: {  	[tilespmem:s14], [sflag:$0x1] =	stream.indirect.gather [hbm4b:s3+s13], $0x80, s2, s13, $0xb8;
	[tilespmem:$0x9000] =	vst v63  }
0x14: {  	_ = 	snop  }
0x15: {  	[tilespmem:s15], [sflag:$0x2] =	stream.indirect.gather [hbm4b:s3+s13], $0x80, s13, s13, $0xb8;
	[tilespmem:$0x9000] =	vst v63  }
0x16: {  	_ =	swait.ge [sflag:s16], $0x4000  }
0x17: {  	[sflag:s16] =	ssyncset.done $0x0  }
0x18: {  	[sflag:s16] =	ssyncadd.s32 $0xFFFFC000  }
0x19: {  	[hbm4b:s5+s2] =	stream.linear.scatter [tilespmem:s14], [sflag:$0x3], $0x4000, $0x38;
	[tilespmem:$0x9000] =	vst v63  }
0x1a: {  	_ =	swait.ge [sflag:s17], $0x4000  }
0x1b: {  	[sflag:s17] =	ssyncset.done $0x0  }
0x1c: {  	[sflag:s17] =	ssyncadd.s32 $0xFFFFC000  }
0x1d: {  	[tilespmem:s14], [sflag:$0x1] =	stream.indirect.gather [hbm4b:s3+s13], $0x80, s18, s13, $0xb8;
	[tilespmem:$0x9000] =	vst v63  }
0x1e: {  	_ =	swait.ge [sflag:s19], $0x4000  }
0x1f: {  	[sflag:s19] =	ssyncset.done $0x0  }
0x20: {  	[sflag:s19] =	ssyncadd.s32 $0xFFFFC000  }
0x21: {  	[hbm4b:s9+s2] =	stream.linear.scatter [tilespmem:s15], [sflag:$0x4], $0x4000, $0x38;
	[tilespmem:$0x9000] =	vst v63  }
0x22: {  	_ =	swait.ge [sflag:s20], $0x4000  }
0x23: {  	[sflag:s20] =	ssyncset.done $0x0  }
0x24: {  	s22 =	simm.s32 $0x180;
	[sflag:s20] =	ssyncadd.s32 $0xFFFFC000  }
0x25: {  	[tilespmem:s15], [sflag:$0x2] =	stream.indirect.gather [hbm4b:s3+s13], $0x80, s22, s13, $0xb8;
	[tilespmem:$0x9000] =	vst v63  }
0x26: {  	_ =	swait.ge [sflag:s16], $0x4000  }
0x27: {  	s30 =	sshrl.u32 s10, $0x3;
	[sflag:s16] =	ssyncset.done $0x0  }
0x28: {  	s22 =	sadd.s32 s4, s30;
	[sflag:s16] =	ssyncadd.s32 $0xFFFFC000  }
0x29: {  	[hbm4b:s22+s2] =	stream.linear.scatter [tilespmem:s14], [sflag:$0x3], $0x4000, $0x38;
	[tilespmem:$0x9000] =	vst v63  }
0x2a: {  	_ =	swait.ge [sflag:s17], $0x4000  }
0x2b: {  	[sflag:s17] =	ssyncset.done $0x0  }
0x2c: {  	s31 =	simm.s32 $0x200;
	[sflag:s17] =	ssyncadd.s32 $0xFFFFC000  }
0x2d: {  	[tilespmem:s14], [sflag:$0x1] =	stream.indirect.gather [hbm4b:s3+s13], $0x80, s31, s13, $0xb8;
	[tilespmem:$0x9000] =	vst v63  }
0x2e: {  	_ =	swait.ge [sflag:s19], $0x4000  }
0x2f: {  	s23 =	simm.s32 $0x280;
	s25 =	sadd.s32 $0x0, s11;
	[sflag:s19] =	ssyncset.done $0x0  }
0x30: {  	s24 =	sadd.s32 $0x8000, s10;
	s22 =	simm.s32 $0x1000;
	[sflag:s19] =	ssyncadd.s32 $0xFFFFC000  }
.LBB2_2:
0x31: {  	[hbm4b:s25+s2] =	stream.linear.scatter [tilespmem:s15], [sflag:$0x4], $0x4000, $0x38;
	[tilespmem:$0x9000] =	vst v63  }
0x32: {  	s25 =	smov.u32 s22  }
0x33: {  	p0 =	sne.s32 s22, $0xA000;
	s22 =	sadd.s32 $0x1000, s22;
	_ =	swait.ge [sflag:s20], $0x4000  }
0x34: {  	[sflag:s20] =	ssyncset.done $0x0  }
0x35: {  	[sflag:s20] =	ssyncadd.s32 $0xFFFFC000  }
0x36: {  	[tilespmem:s15], [sflag:$0x2] =	stream.indirect.gather [hbm4b:s3+s13], $0x80, s23, s13, $0xb8;
	[tilespmem:$0x9000] =	vst v63  }
0x37: {  	_ =	swait.ge [sflag:s16], $0x4000  }
0x38: {  	s26 =	sshrl.u32 s24, $0x3;
	[sflag:s16] =	ssyncset.done $0x0  }
0x39: {  	s26 =	sadd.s32 s4, s26;
	[sflag:s16] =	ssyncadd.s32 $0xFFFFC000  }
0x3a: {  	[hbm4b:s26+s2] =	stream.linear.scatter [tilespmem:s14], [sflag:$0x3], $0x4000, $0x38;
	[tilespmem:$0x9000] =	vst v63  }
0x3b: {  	_ =	swait.ge [sflag:s17], $0x4000  }
0x3c: {  	[sflag:s17] =	ssyncset.done $0x0  }
.Ltmp0:
0x3d: {  	s26 =	sadd.s32 $0x80, s23;
	[sflag:s17] =	ssyncadd.s32 $0xFFFFC000;
	(pc) =	sbr.rel @p0 .LBB2_2-.Ltmp0, $4  }
0x3e: {  	[tilespmem:s14], [sflag:$0x1] =	stream.indirect.gather [hbm4b:s3+s13], $0x80, s26, s13, $0xb8;
	[tilespmem:$0x9000] =	vst v63  }
0x3f: {  	_ =	swait.ge [sflag:s19], $0x4000  }
0x40: {  	s23 =	sadd.s32 $0x100, s23;
	[sflag:s19] =	ssyncset.done $0x0  }
0x41: {  	s24 =	sadd.s32 $0x8000, s24;
	s25 =	sadd.s32 s25, s11;
	[sflag:s19] =	ssyncadd.s32 $0xFFFFC000  }
0x42: {  	[hbm4b:s25+s2] =	stream.linear.scatter [tilespmem:s15], [sflag:$0x4], $0x4000, $0x38;
	[tilespmem:$0x9000] =	vst v63  }
0x43: {  	_ =	swait.ge [sflag:s16], $0x4000  }
0x44: {  	[sflag:s16] =	ssyncset.done $0x0  }
0x45: {  	s21 =	sadd.s32 $0x1, s21;
	[sflag:s16] =	ssyncadd.s32 $0xFFFFC000  }
0x46: {  	[hbm4b:s7+s2] =	stream.linear.scatter [tilespmem:s14], [sflag:$0x3], $0x4000, $0x38;
	[tilespmem:$0x9000] =	vst v63  }
0x47: {  	p0 =	sne.s32 s21, s8;
	_ =	swait.ge [sflag:s20], $0x4000  }
.Ltmp1:
0x48: {  	[sflag:s20] =	ssyncset.done $0x0;
	(pc) =	sbr.rel @p0 .LBB2_1-.Ltmp1, $4  }
0x49: {  	[sflag:s20] =	ssyncadd.s32 $0xFFFFC000  }
0x4a: {  	_ =	swait.ge [sflag:s17], $0x4000  }
0x4b: {  	[sflag:s17] =	ssyncset.done $0x0  }
0x4c: {  	[sflag:s17] =	ssyncadd.s32 $0xFFFFC000  }
0x4d: {  	_ =	sfence.sel $0x180000  }
0x4e: {  	[bflag:$0x0] =	sbarrier.arrive $0xFFFF  }
0x4f: {  	p0 =	sne.s32 s0, $0x0;
	_ =	strace $0x90000047  }
0x50: {  	s0 =	sadd.s32 @!p0 $0x100000, s1;
	[bflag:$0x2] =	sbarrier.arrive $0xFFFF  }
0x51: {  	[sflag:s0] =	ssyncadd.tile.s32 @!p0 $0x1;
	_ =	shalt  }
.Lfunc_end2:
_tile_overlayer_lowered:
.L_overlay_start_2:
0x52: {  	(tag) =	ssettag $0x2  }
0x53: {  	s0 =	rddreg [dreg:$0x0];
	s2 =	stileid.u32  }
0x54: {  	s1 =	rddreg [dreg:$0x1];
	p0 =	sne.s32 s2, $0x0  }
0x55: {  	s3 =	rddreg [dreg:$0x2];
	[bflag:$0x3] =	sbarrier.arrive $0xFFFF;
	s2 =	simm.s32 @!p0 $0x1C05  }
0x56: {  	[timem:s3], [sflag:s2] =	dma.local @!p0 [hbm:s0], s1  }
0x57: {  	s0 =	simm.s32 @!p0 $0x5  }
0x58: {  	_ =	swait.ge @!p0 [sflag:s0], s1  }
0x59: {  	s1 =	ssub.s32 @!p0 $0x0, s1;
	[sflag:s0] =	ssyncset.done @!p0 $0x0  }
0x5a: {  	[sflag:s0] =	ssyncadd.s32 @!p0 s1  }
0x5b: {  	[bflag:$0x3] =	sbarrier.arrive $0xFFFF  }
0x5c: {  	_ =	shalt  }

// kernel: kernel.21.cloned.1.call-start
scs
__scs_entry_jumppad:
0x0: {  	(pc) =	sbr.rel $0x88, $3  }
0x1: {  	(tag) =	ssettag $0x0;
	lr =	simm.s32 $0x1  }
0x2: {  	[smem:$0x3F92] =	sst lr;
	_ =	strace $0xD0000000  }
0x3: {  	_ = 	snop  }
0x4: {  	_ = 	snop  }
0x5: {  	_ = 	snop  }
0x6: {  	_ = 	snop  }
0x7: {  	_ = 	snop  }
__scs_overlays_trampoline_lowered:
0x8: {  	[smem:$0x3FA1] =	sst s0  }
0x9: {  	[smem:$0x3FA2] =	sst s1  }
0xa: {  	[smem:$0x3FA3] =	sst s2  }
0xb: {  	[smem:$0x3FA4] =	sst s3  }
0xc: {  	[smem:$0x3FA5] =	sst s4  }
0xd: {  	[smem:$0x3FA6] =	sst s5  }
0xe: {  	[smem:$0x3FA7] =	sst s6  }
0xf: {  	[smem:$0x3FA8] =	sst s7  }
0x10: {  	[smem:$0x3FA9] =	sst s8  }
0x11: {  	[smem:$0x3FAA] =	sst s9;
	s0 =	simm.s32 @!p0 $0x0  }
0x12: {  	s1 =	sld [smem:$0x3F90];
	s0 =	simm.s32 @p0 $0x1  }
0x13: {  	[smem:$0x3FAB] =	sst s0;
	s0 =	simm.s32 @!p1 $0x0  }
0x14: {  	s2 =	sld [smem:$0x3F8F];
	s0 =	simm.s32 @p1 $0x1  }
0x15: {  	[smem:$0x3FAC] =	sst s0;
	s0 =	simm.s32 @!p2 $0x0  }
0x16: {  	s3 =	sld [smem:$0x3FDB];
	s0 =	simm.s32 @p2 $0x1  }
0x17: {  	s4 =	simm.s32 $0x1BF5;
	[smem:$0x3FAE] =	sst s0  }
0x18: {  	s0 =	sld [smem:$0x3F91];
	_ =	swait.ge [sflag:s4], $0x0  }
0x19: {  	s7 =	sld [smem:$0x3F92]  }
0x1a: {  	s8 =	sadd.s32 $0xFFFFE003, lr  }
0x1b: {  	s9 =	sadd.s32 $0xFFFFFEF7, lr;
	s5 =	simm.s32 $0xFFFFFFFF;
	p2 =	slt.u32 s8, $0xFFFFF086  }
0x1c: {  	p1 =	slt.u32 s9, $0xF7A;
	s5 =	simm.s32 @!p2 $0x0  }
0x1d: {  	s5 =	simm.s32 @p1 $0x1;
	p0 =	seq.s32 s7, s2  }
0x1e: {  	s7 =	smul.u32 @!p0 $0xF7A, s2;
	p2 =	seq.s32 @!p0 s5, $0x0  }
0x1f: {  	s9 =	smul.u32 $0xF7A, s1;
	s8 =	simm.s32 @!p0 $0x1BF5;
	p2 =	por !p2, p0  }
0x20: {  	[sflag:s8] =	ssyncset.s32 @!p0 $0xFFFFF086;
	s6 =	sadd.s32 @!p0 s3, s7;
	s7 =	simm.s32 @!p0 $0x108  }
0x21: {  	s3 =	sadd.s32 s3, s9;
	s6 =	sadd.s32 @!p0 $0x88, s6;
	s7 =	simm.s32 @p2 $0x1082  }
0x22: {  	[simem:s7], [sflag:s8] =	dma.local @!p0 [hbm:s6], $0xF7A  }
0x23: {  	s9 =	sor.u32 $0xD0000000, s2;
	s6 =	simm.s32 $0x108;
	_ =	swait.ge @!p0 [sflag:s8], $0x0  }
0x24: {  	s3 =	sadd.s32 $0x88, s3;
	s6 =	simm.s32 @!p1 $0x1082;
	[sflag:s4] =	ssyncset.s32 $0xFFFFF086  }
0x25: {  	[simem:s6], [sflag:s4] =	dma.local [hbm:s3], $0xF7A  }
0x26: {  	[smem:$0x3F92] =	sst s1;
	(tag) =	ssettag s2;
	_ =	strace s9  }
0x27: {  	s1 =	sld [smem:$0x3FA2]  }
0x28: {  	s2 =	sld [smem:$0x3FA3]  }
0x29: {  	s4 =	sld [smem:$0x3FA5]  }
0x2a: {  	p0 =	seq.s32 s5, $0x0;
	s5 =	sld [smem:$0x3FA6]  }
0x2b: {  	s6 =	sld [smem:$0x3FA7]  }
0x2c: {  	s7 =	sld [smem:$0x3FA8]  }
0x2d: {  	s3 =	simm.s32 $0x108;
	s8 =	sld [smem:$0x3FA9]  }
0x2e: {  	s3 =	simm.s32 @!p0 $0x1082;
	s9 =	sld [smem:$0x3FAA]  }
0x2f: {  	lr =	sadd.s32 s0, s3;
	s0 =	sld [smem:$0x3FA1]  }
0x30: {  	s3 =	sld [smem:$0x3FA4]  }
0x31: {  	[smem:$0x3FAD] =	sst s10  }
0x32: {  	s10 =	sld [smem:$0x3FAB];
	_ =	sdelay $0x3  }
0x33: {  	p0 =	seq.s32 s10, $0x1;
	s10 =	sld [smem:$0x3FAD];
	_ =	sdelay $0x3  }
0x34: {  	[smem:$0x3FAD] =	sst s10  }
0x35: {  	s10 =	sld [smem:$0x3FAC];
	_ =	sdelay $0x3  }
0x36: {  	p1 =	seq.s32 s10, $0x1;
	s10 =	sld [smem:$0x3FAD];
	_ =	sdelay $0x3  }
0x37: {  	[smem:$0x3FAD] =	sst s10  }
0x38: {  	s10 =	sld [smem:$0x3FAE]  }
0x39: {  	_ = 	snop;
	(pc) =	sbr.ind lr, $3  }
0x3a: {  	_ = 	snop  }
0x3b: {  	_ = 	snop  }
0x3c: {  	p2 =	seq.s32 s10, $0x1;
	s10 =	sld [smem:$0x3FAD]  }
0x3d: {  	_ =	shalt  }
0x3e: {  	_ =	shalt  }
0x3f: {  	_ =	shalt  }
0x40: {  	_ =	shalt  }
0x41: {  	_ =	shalt  }
0x42: {  	_ =	shalt  }
0x43: {  	_ =	shalt  }
0x44: {  	_ =	shalt  }
0x45: {  	_ =	shalt  }
0x46: {  	_ =	shalt  }
0x47: {  	_ =	shalt  }
0x48: {  	_ =	shalt  }
0x49: {  	_ =	shalt  }
0x4a: {  	_ =	shalt  }
0x4b: {  	_ =	shalt  }
0x4c: {  	_ =	shalt  }
0x4d: {  	_ =	shalt  }
0x4e: {  	_ =	shalt  }
0x4f: {  	_ =	shalt  }
0x50: {  	_ =	shalt  }
0x51: {  	_ =	shalt  }
0x52: {  	_ =	shalt  }
0x53: {  	_ =	shalt  }
0x54: {  	_ =	shalt  }
0x55: {  	_ =	shalt  }
0x56: {  	_ =	shalt  }
0x57: {  	_ =	shalt  }
0x58: {  	_ =	shalt  }
0x59: {  	_ =	shalt  }
0x5a: {  	_ =	shalt  }
0x5b: {  	_ =	shalt  }
0x5c: {  	_ =	shalt  }
0x5d: {  	_ =	shalt  }
0x5e: {  	_ =	shalt  }
0x5f: {  	_ =	shalt  }
0x60: {  	_ =	shalt  }
0x61: {  	_ =	shalt  }
0x62: {  	_ =	shalt  }
0x63: {  	_ =	shalt  }
0x64: {  	_ =	shalt  }
0x65: {  	_ =	shalt  }
0x66: {  	_ =	shalt  }
0x67: {  	_ =	shalt  }
0x68: {  	_ =	shalt  }
0x69: {  	_ =	shalt  }
0x6a: {  	_ =	shalt  }
0x6b: {  	_ =	shalt  }
0x6c: {  	_ =	shalt  }
0x6d: {  	_ =	shalt  }
0x6e: {  	_ =	shalt  }
0x6f: {  	_ =	shalt  }
0x70: {  	_ =	shalt  }
0x71: {  	_ =	shalt  }
0x72: {  	_ =	shalt  }
0x73: {  	_ =	shalt  }
0x74: {  	_ =	shalt  }
0x75: {  	_ =	shalt  }
0x76: {  	_ =	shalt  }
0x77: {  	_ =	shalt  }
0x78: {  	_ =	shalt  }
0x79: {  	_ =	shalt  }
0x7a: {  	_ =	shalt  }
0x7b: {  	_ =	shalt  }
0x7c: {  	_ =	shalt  }
0x7d: {  	_ =	shalt  }
0x7e: {  	_ =	shalt  }
0x7f: {  	_ =	shalt  }
0x80: {  	_ =	shalt  }
0x81: {  	_ =	shalt  }
0x82: {  	_ =	shalt  }
0x83: {  	_ =	shalt  }
0x84: {  	_ =	shalt  }
0x85: {  	_ =	shalt  }
0x86: {  	_ =	shalt  }
0x87: {  	_ =	shalt  }
.Lfunc_end0:
.L_simem_size_0:
called_computation.3_lowered:
.L_overlay_start_0:
0x88: {  	s2 =	sld [smem:$0x3FD9]  }
0x89: {  	s3 =	sld [smem:$0x3FFE];
	_ =	sdelay $0x1  }
0x8a: {  	s1 =	srdreg.scid  }
0x8b: {  	s0 =	sand.u32 $0x1, s1  }
0x8c: {  	s15 =	sshll.u32 s0, $0xA;
	s2 =	sadd.s32 s3, s2  }
0x8d: {  	s2 =	sadd.s32 s2, s15  }
0x8e: {  	[smem:$0x3FB9] =	sst s2  }
0x8f: {  	_ = 	snop  }
0x90: {  	s2 =	sld [smem:$0x3FD0];
	_ =	sdelay $0x2  }
0x91: {  	s16 =	simm.s32 $0xE;
	s4 =	simm.s32 $0x10  }
0x92: {  	[smem:s4], [sflag:s16] =	dma.local [hbm:s2], $0x1  }
0x93: {  	_ =	swait.eq [sflag:s16], $0x1  }
0x94: {  	[sflag:s16] =	ssyncset.done $0x0  }
0x95: {  	[sflag:s16] =	ssyncadd.s32 $0xFFFFFFFF  }
0x96: {  	s17 =	sld [smem:$0x10];
	(tm) =	ssettm $0x1  }
0x97: {  	s18 =	sld [smem:$0x3FFB];
	_ =	sdelay $0x3  }
0x98: {  	_ =	strace s18  }
0x99: {  	s2 =	sld [smem:$0x3FFC];
	_ =	sdelay $0x3  }
0x9a: {  	_ =	strace s2  }
0x9b: {  	s2 =	sld [smem:$0x3FFD];
	_ =	sdelay $0x3  }
0x9c: {  	_ =	strace s2  }
0x9d: {  	_ =	strace $0x8FFFFFFF  }
0x9e: {  	s19 =	sld [smem:$0x3FDB];
	_ =	sdelay $0x1  }
0x9f: {  	s20 =	simm.s32 $_scs_section_size  }
0xa0: {  	s5 =	simm.s32 $_size__tile_overlayer_lowered;
	s6 =	simm.s32 $_tile_overlayer_lowered  }
0xa1: {  	s7 =	simm.s32 $0x1BFF;
	s21 =	sshll.u32 s6, $0x1;
	s4 =	sadd.s32 s20, s19  }
0xa2: {  	s22 =	simm.s32 $0x0;
	s5 =	sshll.u32 s5, $0x1;
	s6 =	sadd.s32 s21, s4  }
0xa3: {  	[timem:s22], [sflag:s7] =	dma.local [hbm:s6], s5  }
0xa4: {  	_ =	swait.ge [sflag:s7], s5  }
0xa5: {  	s5 =	ssub.s32 $0x0, s5;
	[sflag:s7] =	ssyncset.done $0x0  }
0xa6: {  	[sflag:s7] =	ssyncadd.s32 s5;
	_ =	sdelay $0x1  }
0xa7: {  	s23 =	simm.s32 $0x1B8B  }
0xa8: {  	_ =	swait.ge [sflag:s23], $0x1  }
0xa9: {  	[sflag:s23] =	ssyncset.done $0x0  }
0xaa: {  	[sflag:s23] =	ssyncadd.s32 $0xFFFFFFFF  }
0xab: {  	s5 =	sld [smem:$0x0]  }
0xac: {  	s6 =	sand.u32 $0xFFFFFFFE, s1  }
0xad: {  	p0 =	sne.s32 s1, s6  }
0xae: {  	s6 =	sshll.u32 @p0 s6, $0xE  }
0xaf: {  	s6 =	sadd.s32 @p0 $0x11B8D, s6;
	s7 =	sshll.u32 @p0 s5, $0x11  }
0xb0: {  	s6 =	sor.u32 @p0 s7, s6  }
0xb1: {  	[sflag:s6] =	ssyncadd.remote.s32 @p0 $0x1;
	_ =	sdelay $0x1  }
0xb2: {  	s6 =	simm.s32 @p0 $0x1B8D  }
0xb3: {  	_ =	swait.eq @p0 [sflag:s6], $0x1  }
0xb4: {  	[sflag:s6] =	ssyncadd.s32 @p0 $0xFFFFFFFF  }
0xb5: {  	s7 =	sshll.u32 @!p0 s1, $0xE  }
0xb6: {  	s7 =	sor.u32 @!p0 $0x4000, s7;
	s6 =	simm.s32 @!p0 $0x1B8D  }
0xb7: {  	s5 =	sshll.u32 @!p0 s5, $0x11;
	s7 =	sadd.s32 @!p0 $0x11B8D, s7;
	_ =	swait.eq @!p0 [sflag:s6], $0x1  }
0xb8: {  	s5 =	sor.u32 @!p0 s5, s7;
	[sflag:s6] =	ssyncadd.s32 @!p0 $0xFFFFFFFF  }
0xb9: {  	s25 =	simm.s32 $0x1B8E;
	s24 =	sld [smem:$0x3FFE];
	[sflag:s5] =	ssyncadd.remote.s32 @!p0 $0x1  }
0xba: {  	s26 =	simm.s32 $execute0_lowered;
	[smem:$0x3FD2] =	sst s25  }
0xbb: {  	s6 =	sshll.u32 s26, $0x1;
	_ =	strace $0x8000004C;
	[dreg:$0x1] =	wrdreg $0xFFFFFFFF  }
0xbc: {  	s28 =	simm.s32 $_size_execute0_lowered;
	s4 =	sadd.s32 s4, s6;
	[dreg:$0x0] =	wrdreg $0x0  }
0xbd: {  	s6 =	sshll.u32 s28, $0x1;
	[dreg:$0x2] =	wrdreg s4  }
0xbe: {  	[dreg:$0x3] =	wrdreg s6  }
0xbf: {  	[dreg:$0x4] =	wrdreg $0xC0  }
0xc0: {  	_ =	task [dreg:s22], $0x5FFFF  }
0xc1: {  	[dreg:$0x1] =	wrdreg $0xFFFFFFFF  }
0xc2: {  	[dreg:$0x0] =	wrdreg $0x60  }
0xc3: {  	[dreg:$0x2] =	wrdreg s17  }
0xc4: {  	[dreg:$0x3] =	wrdreg s24  }
0xc5: {  	[dreg:$0x4] =	wrdreg $0xC  }
0xc6: {  	_ =	task.clear_ibuf [dreg:s22], $0x5FFFF;
	_ =	strace $0x9000004C  }
0xc7: {  	s29 =	simm.s32 $0xC;
	_ =	strace $0x8000004E  }
0xc8: {  	_ =	swait.ge [sflag:s29], $0x1  }
0xc9: {  	[sflag:s29] =	ssyncadd.s32 $0xFFFFFFFF  }
0xca: {  	_ =	strace $0x9000004E  }
0xcb: {  	_ =	sfence  }
0xcc: {  	s30 =	sld [smem:$0x0];
	_ =	sdelay $0x2  }
0xcd: {  	s31 =	sshll.u32 s1, $0xD;
	s1 =	sshrl.u32 s1, $0x2  }
0xce: {  	s4 =	sand.u32 $0x4000, s31;
	s1 =	sadd.s32 s1, s30  }
0xcf: {  	s0 =	sor.u32 s4, s0;
	s1 =	sshll.u32 s1, $0x11  }
0xd0: {  	s0 =	sor.u32 s1, s0  }
0xd1: {  	s0 =	sadd.s32 $0x8F2B, s0  }
0xd2: {  	[sflag:s0] =	ssyncadd.remote.s32 $0x1  }
0xd3: {  	_ =	sfence.sel $0xFFFF  }
0xd4: {  	[dreg:$0x0] =	wrdreg $0xFFFFFFFF;
	(pc) =	sbr.abs _section_cstart, $3  }
0xd5: {  	[dreg:$0x1] =	wrdreg $0xFFFFFFFF  }
0xd6: {  	_ =	task.clear_ibuf [dreg:s22], $0x2FFFF;
	_ =	strace $0x9FFFFFFF  }
0xd7: {  	(tm) =	ssettm $0x7FFFFFFF  }
tec
execute0_lowered:
.L_overlay_start_1:
0x0: {  	(tag) =	ssettag $0x1  }
0x1: {  	s6 =	rddreg [dreg:$0x0];
	s1 =	srdreg.scid  }
0x2: {  	s0 =	stileid.u32;
	s4 =	rddreg [dreg:$0x1];
	s2 =	simm.s32 $0x0  }
0x3: {  	s13 =	simm.s32 $0x80;
	s14 =	simm.s32 $0x1000;
	s15 =	simm.s32 $0x5000  }
0x4: {  	s16 =	simm.s32 $0x1;
	s17 =	simm.s32 $0x3;
	s18 =	simm.s32 $0x100  }
0x5: {  	s19 =	simm.s32 $0x2;
	s20 =	simm.s32 $0x4;
	s21 =	simm.s32 $0x0  }
0x6: {  	s5 =	sand.u32 $0x1, s1;
	s3 =	sshll.u32 s0, $0x1;
	s1 =	rddreg [dreg:$0x2]  }
0x7: {  	[smem:$0x7FF] =	sst s2;
	s10 =	smul.u32 $0xC8000, s0;
	s7 =	sor.u32 s5, s3  }
0x8: {  	_ =	strace $0x8000004D;
	s9 =	ssub.s32 $0x2, s5;
	s3 =	sadd.s32 $0x7800, s4  }
0x9: {  	s12 =	smul.u32 $0x64000, s5;
	s4 =	sadd.s32 $0x33E200, s4;
	s11 =	sshrl.u32 s9, $0x1  }
0xa: {  	s8 =	smul.u32 $0x64000, s7;
	s7 =	sshll.u32 s7, $0x9;
	s9 =	ssub.s32 s9, s11  }
0xb: {  	s10 =	sadd.s32 s12, s10;
	s6 =	sadd.s32 s6, s7;
	s12 =	simm.s32 $0x5  }
0xc: {  	s30 =	sshrl.u32 s8, $0x3;
	s31 =	sadd.s32 $0xC000, s10;
	s8 =	smax.u32 s9, $0x1  }
0xd: {  	s10 =	sadd.s32 $0x8000, s10;
	s5 =	sadd.s32 s4, s30;
	s11 =	sshrl.u32 s31, $0x3  }
0xe: {  	s7 =	sadd.s32 $0xC000, s5;
	s9 =	sadd.s32 $0x800, s5;
	s11 =	sadd.s32 s11, s4  }
.LBB2_1:
0xf: {  	[tilespmem:s2], [sflag:$0x5] =	stream.linear.gather [hbm4b:s6+s2], $0xC80, $0x38;
	[tilespmem:$0x9000] =	vst v63  }
0x10: {  	_ =	swait.ge [sflag:s12], $0xC80  }
0x11: {  	[sflag:s12] =	ssyncset.done $0x0  }
0x12: {  	[sflag:s12] =	ssyncadd.s32 $0xFFFFF380  }
0x13: {  	[tilespmem:s14], [sflag:$0x1] =	stream.indirect.gather [hbm4b:s3+s13], $0x80, s2, s13, $0xb8;
	[tilespmem:$0x9000] =	vst v63  }
0x14: {  	_ = 	snop  }
0x15: {  	[tilespmem:s15], [sflag:$0x2] =	stream.indirect.gather [hbm4b:s3+s13], $0x80, s13, s13, $0xb8;
	[tilespmem:$0x9000] =	vst v63  }
0x16: {  	_ =	swait.ge [sflag:s16], $0x4000  }
0x17: {  	[sflag:s16] =	ssyncset.done $0x0  }
0x18: {  	[sflag:s16] =	ssyncadd.s32 $0xFFFFC000  }
0x19: {  	[hbm4b:s5+s2] =	stream.linear.scatter [tilespmem:s14], [sflag:$0x3], $0x4000, $0x38;
	[tilespmem:$0x9000] =	vst v63  }
0x1a: {  	_ =	swait.ge [sflag:s17], $0x4000  }
0x1b: {  	[sflag:s17] =	ssyncset.done $0x0  }
0x1c: {  	[sflag:s17] =	ssyncadd.s32 $0xFFFFC000  }
0x1d: {  	[tilespmem:s14], [sflag:$0x1] =	stream.indirect.gather [hbm4b:s3+s13], $0x80, s18, s13, $0xb8;
	[tilespmem:$0x9000] =	vst v63  }
0x1e: {  	_ =	swait.ge [sflag:s19], $0x4000  }
0x1f: {  	[sflag:s19] =	ssyncset.done $0x0  }
0x20: {  	[sflag:s19] =	ssyncadd.s32 $0xFFFFC000  }
0x21: {  	[hbm4b:s9+s2] =	stream.linear.scatter [tilespmem:s15], [sflag:$0x4], $0x4000, $0x38;
	[tilespmem:$0x9000] =	vst v63  }
0x22: {  	_ =	swait.ge [sflag:s20], $0x4000  }
0x23: {  	[sflag:s20] =	ssyncset.done $0x0  }
0x24: {  	s22 =	simm.s32 $0x180;
	[sflag:s20] =	ssyncadd.s32 $0xFFFFC000  }
0x25: {  	[tilespmem:s15], [sflag:$0x2] =	stream.indirect.gather [hbm4b:s3+s13], $0x80, s22, s13, $0xb8;
	[tilespmem:$0x9000] =	vst v63  }
0x26: {  	_ =	swait.ge [sflag:s16], $0x4000  }
0x27: {  	s30 =	sshrl.u32 s10, $0x3;
	[sflag:s16] =	ssyncset.done $0x0  }
0x28: {  	s22 =	sadd.s32 s4, s30;
	[sflag:s16] =	ssyncadd.s32 $0xFFFFC000  }
0x29: {  	[hbm4b:s22+s2] =	stream.linear.scatter [tilespmem:s14], [sflag:$0x3], $0x4000, $0x38;
	[tilespmem:$0x9000] =	vst v63  }
0x2a: {  	_ =	swait.ge [sflag:s17], $0x4000  }
0x2b: {  	[sflag:s17] =	ssyncset.done $0x0  }
0x2c: {  	s31 =	simm.s32 $0x200;
	[sflag:s17] =	ssyncadd.s32 $0xFFFFC000  }
0x2d: {  	[tilespmem:s14], [sflag:$0x1] =	stream.indirect.gather [hbm4b:s3+s13], $0x80, s31, s13, $0xb8;
	[tilespmem:$0x9000] =	vst v63  }
0x2e: {  	_ =	swait.ge [sflag:s19], $0x4000  }
0x2f: {  	s23 =	simm.s32 $0x280;
	s25 =	sadd.s32 $0x0, s11;
	[sflag:s19] =	ssyncset.done $0x0  }
0x30: {  	s24 =	sadd.s32 $0x8000, s10;
	s22 =	simm.s32 $0x1000;
	[sflag:s19] =	ssyncadd.s32 $0xFFFFC000  }
.LBB2_2:
0x31: {  	[hbm4b:s25+s2] =	stream.linear.scatter [tilespmem:s15], [sflag:$0x4], $0x4000, $0x38;
	[tilespmem:$0x9000] =	vst v63  }
0x32: {  	s25 =	smov.u32 s22  }
0x33: {  	p0 =	sne.s32 s22, $0xA000;
	s22 =	sadd.s32 $0x1000, s22;
	_ =	swait.ge [sflag:s20], $0x4000  }
0x34: {  	[sflag:s20] =	ssyncset.done $0x0  }
0x35: {  	[sflag:s20] =	ssyncadd.s32 $0xFFFFC000  }
0x36: {  	[tilespmem:s15], [sflag:$0x2] =	stream.indirect.gather [hbm4b:s3+s13], $0x80, s23, s13, $0xb8;
	[tilespmem:$0x9000] =	vst v63  }
0x37: {  	_ =	swait.ge [sflag:s16], $0x4000  }
0x38: {  	s26 =	sshrl.u32 s24, $0x3;
	[sflag:s16] =	ssyncset.done $0x0  }
0x39: {  	s26 =	sadd.s32 s4, s26;
	[sflag:s16] =	ssyncadd.s32 $0xFFFFC000  }
0x3a: {  	[hbm4b:s26+s2] =	stream.linear.scatter [tilespmem:s14], [sflag:$0x3], $0x4000, $0x38;
	[tilespmem:$0x9000] =	vst v63  }
0x3b: {  	_ =	swait.ge [sflag:s17], $0x4000  }
0x3c: {  	[sflag:s17] =	ssyncset.done $0x0  }
.Ltmp0:
0x3d: {  	s26 =	sadd.s32 $0x80, s23;
	[sflag:s17] =	ssyncadd.s32 $0xFFFFC000;
	(pc) =	sbr.rel @p0 .LBB2_2-.Ltmp0, $4  }
0x3e: {  	[tilespmem:s14], [sflag:$0x1] =	stream.indirect.gather [hbm4b:s3+s13], $0x80, s26, s13, $0xb8;
	[tilespmem:$0x9000] =	vst v63  }
0x3f: {  	_ =	swait.ge [sflag:s19], $0x4000  }
0x40: {  	s23 =	sadd.s32 $0x100, s23;
	[sflag:s19] =	ssyncset.done $0x0  }
0x41: {  	s24 =	sadd.s32 $0x8000, s24;
	s25 =	sadd.s32 s25, s11;
	[sflag:s19] =	ssyncadd.s32 $0xFFFFC000  }
0x42: {  	[hbm4b:s25+s2] =	stream.linear.scatter [tilespmem:s15], [sflag:$0x4], $0x4000, $0x38;
	[tilespmem:$0x9000] =	vst v63  }
0x43: {  	_ =	swait.ge [sflag:s16], $0x4000  }
0x44: {  	[sflag:s16] =	ssyncset.done $0x0  }
0x45: {  	s21 =	sadd.s32 $0x1, s21;
	[sflag:s16] =	ssyncadd.s32 $0xFFFFC000  }
0x46: {  	[hbm4b:s7+s2] =	stream.linear.scatter [tilespmem:s14], [sflag:$0x3], $0x4000, $0x38;
	[tilespmem:$0x9000] =	vst v63  }
0x47: {  	p0 =	sne.s32 s21, s8;
	_ =	swait.ge [sflag:s20], $0x4000  }
.Ltmp1:
0x48: {  	[sflag:s20] =	ssyncset.done $0x0;
	(pc) =	sbr.rel @p0 .LBB2_1-.Ltmp1, $4  }
0x49: {  	[sflag:s20] =	ssyncadd.s32 $0xFFFFC000  }
0x4a: {  	_ =	swait.ge [sflag:s17], $0x4000  }
0x4b: {  	[sflag:s17] =	ssyncset.done $0x0  }
0x4c: {  	[sflag:s17] =	ssyncadd.s32 $0xFFFFC000  }
0x4d: {  	_ =	sfence.sel $0x180000  }
0x4e: {  	[bflag:$0x0] =	sbarrier.arrive $0xFFFF  }
0x4f: {  	p0 =	sne.s32 s0, $0x0;
	_ =	strace $0x9000004D  }
0x50: {  	s0 =	sadd.s32 @!p0 $0x100000, s1;
	[bflag:$0x2] =	sbarrier.arrive $0xFFFF  }
0x51: {  	[sflag:s0] =	ssyncadd.tile.s32 @!p0 $0x1;
	_ =	shalt  }
.Lfunc_end2:
_tile_overlayer_lowered:
.L_overlay_start_2:
0x52: {  	(tag) =	ssettag $0x2  }
0x53: {  	s0 =	rddreg [dreg:$0x0];
	s2 =	stileid.u32  }
0x54: {  	s1 =	rddreg [dreg:$0x1];
	p0 =	sne.s32 s2, $0x0  }
0x55: {  	s3 =	rddreg [dreg:$0x2];
	[bflag:$0x3] =	sbarrier.arrive $0xFFFF;
	s2 =	simm.s32 @!p0 $0x1C05  }
0x56: {  	[timem:s3], [sflag:s2] =	dma.local @!p0 [hbm:s0], s1  }
0x57: {  	s0 =	simm.s32 @!p0 $0x5  }
0x58: {  	_ =	swait.ge @!p0 [sflag:s0], s1  }
0x59: {  	s1 =	ssub.s32 @!p0 $0x0, s1;
	[sflag:s0] =	ssyncset.done @!p0 $0x0  }
0x5a: {  	[sflag:s0] =	ssyncadd.s32 @!p0 s1  }
0x5b: {  	[bflag:$0x3] =	sbarrier.arrive $0xFFFF  }
0x5c: {  	_ =	shalt  }

// kernel: kernel.24.cloned.1.call-start
scs
__scs_entry_jumppad:
0x0: {  	(pc) =	sbr.rel $0x88, $3  }
0x1: {  	(tag) =	ssettag $0x0;
	lr =	simm.s32 $0x1  }
0x2: {  	[smem:$0x3F92] =	sst lr;
	_ =	strace $0xD0000000  }
0x3: {  	_ = 	snop  }
0x4: {  	_ = 	snop  }
0x5: {  	_ = 	snop  }
0x6: {  	_ = 	snop  }
0x7: {  	_ = 	snop  }
__scs_overlays_trampoline_lowered:
0x8: {  	[smem:$0x3FA1] =	sst s0  }
0x9: {  	[smem:$0x3FA2] =	sst s1  }
0xa: {  	[smem:$0x3FA3] =	sst s2  }
0xb: {  	[smem:$0x3FA4] =	sst s3  }
0xc: {  	[smem:$0x3FA5] =	sst s4  }
0xd: {  	[smem:$0x3FA6] =	sst s5  }
0xe: {  	[smem:$0x3FA7] =	sst s6  }
0xf: {  	[smem:$0x3FA8] =	sst s7  }
0x10: {  	[smem:$0x3FA9] =	sst s8  }
0x11: {  	[smem:$0x3FAA] =	sst s9;
	s0 =	simm.s32 @!p0 $0x0  }
0x12: {  	s1 =	sld [smem:$0x3F90];
	s0 =	simm.s32 @p0 $0x1  }
0x13: {  	[smem:$0x3FAB] =	sst s0;
	s0 =	simm.s32 @!p1 $0x0  }
0x14: {  	s2 =	sld [smem:$0x3F8F];
	s0 =	simm.s32 @p1 $0x1  }
0x15: {  	[smem:$0x3FAC] =	sst s0;
	s0 =	simm.s32 @!p2 $0x0  }
0x16: {  	s3 =	sld [smem:$0x3FDB];
	s0 =	simm.s32 @p2 $0x1  }
0x17: {  	s4 =	simm.s32 $0x1BF5;
	[smem:$0x3FAE] =	sst s0  }
0x18: {  	s0 =	sld [smem:$0x3F91];
	_ =	swait.ge [sflag:s4], $0x0  }
0x19: {  	s7 =	sld [smem:$0x3F92]  }
0x1a: {  	s8 =	sadd.s32 $0xFFFFE003, lr  }
0x1b: {  	s9 =	sadd.s32 $0xFFFFFEF7, lr;
	s5 =	simm.s32 $0xFFFFFFFF;
	p2 =	slt.u32 s8, $0xFFFFF086  }
0x1c: {  	p1 =	slt.u32 s9, $0xF7A;
	s5 =	simm.s32 @!p2 $0x0  }
0x1d: {  	s5 =	simm.s32 @p1 $0x1;
	p0 =	seq.s32 s7, s2  }
0x1e: {  	s7 =	smul.u32 @!p0 $0xF7A, s2;
	p2 =	seq.s32 @!p0 s5, $0x0  }
0x1f: {  	s9 =	smul.u32 $0xF7A, s1;
	s8 =	simm.s32 @!p0 $0x1BF5;
	p2 =	por !p2, p0  }
0x20: {  	[sflag:s8] =	ssyncset.s32 @!p0 $0xFFFFF086;
	s6 =	sadd.s32 @!p0 s3, s7;
	s7 =	simm.s32 @!p0 $0x108  }
0x21: {  	s3 =	sadd.s32 s3, s9;
	s6 =	sadd.s32 @!p0 $0x88, s6;
	s7 =	simm.s32 @p2 $0x1082  }
0x22: {  	[simem:s7], [sflag:s8] =	dma.local @!p0 [hbm:s6], $0xF7A  }
0x23: {  	s9 =	sor.u32 $0xD0000000, s2;
	s6 =	simm.s32 $0x108;
	_ =	swait.ge @!p0 [sflag:s8], $0x0  }
0x24: {  	s3 =	sadd.s32 $0x88, s3;
	s6 =	simm.s32 @!p1 $0x1082;
	[sflag:s4] =	ssyncset.s32 $0xFFFFF086  }
0x25: {  	[simem:s6], [sflag:s4] =	dma.local [hbm:s3], $0xF7A  }
0x26: {  	[smem:$0x3F92] =	sst s1;
	(tag) =	ssettag s2;
	_ =	strace s9  }
0x27: {  	s1 =	sld [smem:$0x3FA2]  }
0x28: {  	s2 =	sld [smem:$0x3FA3]  }
0x29: {  	s4 =	sld [smem:$0x3FA5]  }
0x2a: {  	p0 =	seq.s32 s5, $0x0;
	s5 =	sld [smem:$0x3FA6]  }
0x2b: {  	s6 =	sld [smem:$0x3FA7]  }
0x2c: {  	s7 =	sld [smem:$0x3FA8]  }
0x2d: {  	s3 =	simm.s32 $0x108;
	s8 =	sld [smem:$0x3FA9]  }
0x2e: {  	s3 =	simm.s32 @!p0 $0x1082;
	s9 =	sld [smem:$0x3FAA]  }
0x2f: {  	lr =	sadd.s32 s0, s3;
	s0 =	sld [smem:$0x3FA1]  }
0x30: {  	s3 =	sld [smem:$0x3FA4]  }
0x31: {  	[smem:$0x3FAD] =	sst s10  }
0x32: {  	s10 =	sld [smem:$0x3FAB];
	_ =	sdelay $0x3  }
0x33: {  	p0 =	seq.s32 s10, $0x1;
	s10 =	sld [smem:$0x3FAD];
	_ =	sdelay $0x3  }
0x34: {  	[smem:$0x3FAD] =	sst s10  }
0x35: {  	s10 =	sld [smem:$0x3FAC];
	_ =	sdelay $0x3  }
0x36: {  	p1 =	seq.s32 s10, $0x1;
	s10 =	sld [smem:$0x3FAD];
	_ =	sdelay $0x3  }
0x37: {  	[smem:$0x3FAD] =	sst s10  }
0x38: {  	s10 =	sld [smem:$0x3FAE]  }
0x39: {  	_ = 	snop;
	(pc) =	sbr.ind lr, $3  }
0x3a: {  	_ = 	snop  }
0x3b: {  	_ = 	snop  }
0x3c: {  	p2 =	seq.s32 s10, $0x1;
	s10 =	sld [smem:$0x3FAD]  }
0x3d: {  	_ =	shalt  }
0x3e: {  	_ =	shalt  }
0x3f: {  	_ =	shalt  }
0x40: {  	_ =	shalt  }
0x41: {  	_ =	shalt  }
0x42: {  	_ =	shalt  }
0x43: {  	_ =	shalt  }
0x44: {  	_ =	shalt  }
0x45: {  	_ =	shalt  }
0x46: {  	_ =	shalt  }
0x47: {  	_ =	shalt  }
0x48: {  	_ =	shalt  }
0x49: {  	_ =	shalt  }
0x4a: {  	_ =	shalt  }
0x4b: {  	_ =	shalt  }
0x4c: {  	_ =	shalt  }
0x4d: {  	_ =	shalt  }
0x4e: {  	_ =	shalt  }
0x4f: {  	_ =	shalt  }
0x50: {  	_ =	shalt  }
0x51: {  	_ =	shalt  }
0x52: {  	_ =	shalt  }
0x53: {  	_ =	shalt  }
0x54: {  	_ =	shalt  }
0x55: {  	_ =	shalt  }
0x56: {  	_ =	shalt  }
0x57: {  	_ =	shalt  }
0x58: {  	_ =	shalt  }
0x59: {  	_ =	shalt  }
0x5a: {  	_ =	shalt  }
0x5b: {  	_ =	shalt  }
0x5c: {  	_ =	shalt  }
0x5d: {  	_ =	shalt  }
0x5e: {  	_ =	shalt  }
0x5f: {  	_ =	shalt  }
0x60: {  	_ =	shalt  }
0x61: {  	_ =	shalt  }
0x62: {  	_ =	shalt  }
0x63: {  	_ =	shalt  }
0x64: {  	_ =	shalt  }
0x65: {  	_ =	shalt  }
0x66: {  	_ =	shalt  }
0x67: {  	_ =	shalt  }
0x68: {  	_ =	shalt  }
0x69: {  	_ =	shalt  }
0x6a: {  	_ =	shalt  }
0x6b: {  	_ =	shalt  }
0x6c: {  	_ =	shalt  }
0x6d: {  	_ =	shalt  }
0x6e: {  	_ =	shalt  }
0x6f: {  	_ =	shalt  }
0x70: {  	_ =	shalt  }
0x71: {  	_ =	shalt  }
0x72: {  	_ =	shalt  }
0x73: {  	_ =	shalt  }
0x74: {  	_ =	shalt  }
0x75: {  	_ =	shalt  }
0x76: {  	_ =	shalt  }
0x77: {  	_ =	shalt  }
0x78: {  	_ =	shalt  }
0x79: {  	_ =	shalt  }
0x7a: {  	_ =	shalt  }
0x7b: {  	_ =	shalt  }
0x7c: {  	_ =	shalt  }
0x7d: {  	_ =	shalt  }
0x7e: {  	_ =	shalt  }
0x7f: {  	_ =	shalt  }
0x80: {  	_ =	shalt  }
0x81: {  	_ =	shalt  }
0x82: {  	_ =	shalt  }
0x83: {  	_ =	shalt  }
0x84: {  	_ =	shalt  }
0x85: {  	_ =	shalt  }
0x86: {  	_ =	shalt  }
0x87: {  	_ =	shalt  }
.Lfunc_end0:
.L_simem_size_0:
called_computation.4_lowered:
.L_overlay_start_0:
0x88: {  	s2 =	sld [smem:$0x3FD9]  }
0x89: {  	s3 =	sld [smem:$0x3FFE];
	_ =	sdelay $0x1  }
0x8a: {  	s1 =	srdreg.scid  }
0x8b: {  	s0 =	sand.u32 $0x1, s1  }
0x8c: {  	s17 =	sshll.u32 s0, $0xA;
	s2 =	sadd.s32 s3, s2  }
0x8d: {  	s2 =	sadd.s32 s2, s17  }
0x8e: {  	[smem:$0x3FB9] =	sst s2  }
0x8f: {  	_ = 	snop  }
0x90: {  	(tm) =	ssettm $0x1  }
0x91: {  	s18 =	sld [smem:$0x3FFB];
	_ =	sdelay $0x3  }
0x92: {  	_ =	strace s18  }
0x93: {  	s2 =	sld [smem:$0x3FFC];
	_ =	sdelay $0x3  }
0x94: {  	_ =	strace s2  }
0x95: {  	s2 =	sld [smem:$0x3FFD];
	_ =	sdelay $0x3  }
0x96: {  	_ =	strace s2  }
0x97: {  	_ =	strace $0x8FFFFFFF  }
0x98: {  	s19 =	sld [smem:$0x3FDB];
	_ =	sdelay $0x1  }
0x99: {  	s20 =	simm.s32 $_scs_section_size  }
0x9a: {  	s4 =	simm.s32 $_size__tile_overlayer_lowered;
	s5 =	simm.s32 $_tile_overlayer_lowered  }
0x9b: {  	s6 =	simm.s32 $0x1BFF;
	s21 =	sshll.u32 s5, $0x1;
	s3 =	sadd.s32 s20, s19  }
0x9c: {  	s22 =	simm.s32 $0x0;
	s4 =	sshll.u32 s4, $0x1;
	s5 =	sadd.s32 s21, s3  }
0x9d: {  	[timem:s22], [sflag:s6] =	dma.local [hbm:s5], s4  }
0x9e: {  	_ =	swait.ge [sflag:s6], s4  }
0x9f: {  	s4 =	ssub.s32 $0x0, s4;
	[sflag:s6] =	ssyncset.done $0x0  }
0xa0: {  	[sflag:s6] =	ssyncadd.s32 s4;
	_ =	sdelay $0x1  }
0xa1: {  	s23 =	simm.s32 $0x1B8B  }
0xa2: {  	_ =	swait.ge [sflag:s23], $0x1  }
0xa3: {  	[sflag:s23] =	ssyncset.done $0x0  }
0xa4: {  	[sflag:s23] =	ssyncadd.s32 $0xFFFFFFFF  }
0xa5: {  	s4 =	sld [smem:$0x0]  }
0xa6: {  	s5 =	sand.u32 $0xFFFFFFFE, s1  }
0xa7: {  	p0 =	sne.s32 s1, s5  }
0xa8: {  	s5 =	sshll.u32 @p0 s5, $0xE  }
0xa9: {  	s5 =	sadd.s32 @p0 $0x11B8D, s5;
	s6 =	sshll.u32 @p0 s4, $0x11  }
0xaa: {  	s5 =	sor.u32 @p0 s6, s5  }
0xab: {  	[sflag:s5] =	ssyncadd.remote.s32 @p0 $0x1;
	_ =	sdelay $0x1  }
0xac: {  	s5 =	simm.s32 @p0 $0x1B8D  }
0xad: {  	_ =	swait.eq @p0 [sflag:s5], $0x1  }
0xae: {  	[sflag:s5] =	ssyncadd.s32 @p0 $0xFFFFFFFF  }
0xaf: {  	s6 =	sshll.u32 @!p0 s1, $0xE  }
0xb0: {  	s6 =	sor.u32 @!p0 $0x4000, s6;
	s5 =	simm.s32 @!p0 $0x1B8D  }
0xb1: {  	s4 =	sshll.u32 @!p0 s4, $0x11;
	s6 =	sadd.s32 @!p0 $0x11B8D, s6;
	_ =	swait.eq @!p0 [sflag:s5], $0x1  }
0xb2: {  	s4 =	sor.u32 @!p0 s4, s6;
	[sflag:s5] =	ssyncadd.s32 @!p0 $0xFFFFFFFF  }
0xb3: {  	s25 =	simm.s32 $0x1B8E;
	s24 =	sld [smem:$0x3FFE];
	[sflag:s4] =	ssyncadd.remote.s32 @!p0 $0x1  }
0xb4: {  	s26 =	simm.s32 $execute0_lowered;
	[smem:$0x3FD2] =	sst s25  }
0xb5: {  	s5 =	sshll.u32 s26, $0x1;
	_ =	strace $0x8000004F;
	[dreg:$0x1] =	wrdreg $0xFFFFFFFF  }
0xb6: {  	s28 =	simm.s32 $_size_execute0_lowered;
	s3 =	sadd.s32 s3, s5;
	[dreg:$0x0] =	wrdreg $0x0  }
0xb7: {  	s5 =	sshll.u32 s28, $0x1;
	[dreg:$0x2] =	wrdreg s3  }
0xb8: {  	[dreg:$0x3] =	wrdreg s5  }
0xb9: {  	[dreg:$0x4] =	wrdreg $0xC0  }
0xba: {  	_ =	task [dreg:s22], $0x5FFFF  }
0xbb: {  	[dreg:$0x1] =	wrdreg $0xFFFFFFFF  }
0xbc: {  	[dreg:$0x0] =	wrdreg $0x60  }
0xbd: {  	[dreg:$0x2] =	wrdreg s24  }
0xbe: {  	[dreg:$0x3] =	wrdreg $0xD  }
0xbf: {  	_ =	task.clear_ibuf [dreg:s22], $0x4FFFF;
	_ =	strace $0x9000004F  }
0xc0: {  	s29 =	simm.s32 $0xD;
	_ =	strace $0x80000051  }
0xc1: {  	_ =	swait.ge [sflag:s29], $0x1  }
0xc2: {  	[sflag:s29] =	ssyncadd.s32 $0xFFFFFFFF  }
0xc3: {  	_ =	strace $0x90000051  }
0xc4: {  	_ =	sfence  }
0xc5: {  	s30 =	sld [smem:$0x0];
	_ =	sdelay $0x2  }
0xc6: {  	s31 =	sshll.u32 s1, $0xD;
	s1 =	sshrl.u32 s1, $0x2  }
0xc7: {  	s4 =	sand.u32 $0x4000, s31;
	s1 =	sadd.s32 s1, s30  }
0xc8: {  	s0 =	sor.u32 s4, s0;
	s1 =	sshll.u32 s1, $0x11  }
0xc9: {  	s0 =	sor.u32 s1, s0  }
0xca: {  	s0 =	sadd.s32 $0x8F2B, s0  }
0xcb: {  	[sflag:s0] =	ssyncadd.remote.s32 $0x1  }
0xcc: {  	_ =	sfence.sel $0xFFFF  }
0xcd: {  	[dreg:$0x0] =	wrdreg $0xFFFFFFFF;
	(pc) =	sbr.abs _section_cstart, $3  }
0xce: {  	[dreg:$0x1] =	wrdreg $0xFFFFFFFF  }
0xcf: {  	_ =	task.clear_ibuf [dreg:s22], $0x2FFFF;
	_ =	strace $0x9FFFFFFF  }
0xd0: {  	(tm) =	ssettm $0x7FFFFFFF  }
0xd1: {  	_ =	shalt  }
tec
execute0_lowered:
.L_overlay_start_1:
0x0: {  	(tag) =	ssettag $0x1  }
0x1: {  	s1 =	srdreg.scid;
	s0 =	stileid.u32  }
0x2: {  	s4 =	rddreg [dreg:$0x0];
	s2 =	simm.s32 $0x0;
	s12 =	simm.s32 $0x5  }
0x3: {  	s13 =	simm.s32 $0x80;
	s14 =	simm.s32 $0x1000;
	s15 =	simm.s32 $0x5000  }
0x4: {  	s16 =	simm.s32 $0x1;
	s17 =	simm.s32 $0x3;
	s18 =	simm.s32 $0x100  }
0x5: {  	s19 =	simm.s32 $0x2;
	s20 =	simm.s32 $0x4;
	s21 =	simm.s32 $0x0  }
0x6: {  	s5 =	sand.u32 $0x1, s1;
	s3 =	sshll.u32 s0, $0x1;
	s1 =	rddreg [dreg:$0x1]  }
0x7: {  	[smem:$0x7FF] =	sst s2;
	s8 =	smul.u32 $0xC8000, s0;
	s3 =	sor.u32 s5, s3  }
0x8: {  	_ =	strace $0x80000050;
	s9 =	ssub.s32 $0x2, s5;
	s10 =	smul.u32 $0x64000, s5  }
0x9: {  	s6 =	sshll.u32 s3, $0x9;
	s7 =	smul.u32 $0x64000, s3;
	s3 =	sadd.s32 $0x7800, s4  }
0xa: {  	s31 =	sshrl.u32 s9, $0x1;
	s6 =	sadd.s32 s6, s4;
	s4 =	sadd.s32 $0x4CE200, s4  }
0xb: {  	s9 =	ssub.s32 s9, s31;
	s10 =	sadd.s32 s10, s8;
	s7 =	sshrl.u32 s7, $0x3  }
0xc: {  	s6 =	sadd.s32 $0x3800, s6;
	s11 =	sadd.s32 $0xC000, s10;
	s8 =	smax.u32 s9, $0x1  }
0xd: {  	s10 =	sadd.s32 $0x8000, s10;
	s5 =	sadd.s32 s4, s7;
	s11 =	sshrl.u32 s11, $0x3  }
0xe: {  	s7 =	sadd.s32 $0xC000, s5;
	s9 =	sadd.s32 $0x800, s5;
	s11 =	sadd.s32 s11, s4  }
.LBB2_1:
0xf: {  	[tilespmem:s2], [sflag:$0x5] =	stream.linear.gather [hbm4b:s6+s2], $0xC80, $0x38;
	[tilespmem:$0x9000] =	vst v63  }
0x10: {  	_ =	swait.ge [sflag:s12], $0xC80  }
0x11: {  	[sflag:s12] =	ssyncset.done $0x0  }
0x12: {  	[sflag:s12] =	ssyncadd.s32 $0xFFFFF380  }
0x13: {  	[tilespmem:s14], [sflag:$0x1] =	stream.indirect.gather [hbm4b:s3+s13], $0x80, s2, s13, $0xb8;
	[tilespmem:$0x9000] =	vst v63  }
0x14: {  	_ = 	snop  }
0x15: {  	[tilespmem:s15], [sflag:$0x2] =	stream.indirect.gather [hbm4b:s3+s13], $0x80, s13, s13, $0xb8;
	[tilespmem:$0x9000] =	vst v63  }
0x16: {  	_ =	swait.ge [sflag:s16], $0x4000  }
0x17: {  	[sflag:s16] =	ssyncset.done $0x0  }
0x18: {  	[sflag:s16] =	ssyncadd.s32 $0xFFFFC000  }
0x19: {  	[hbm4b:s5+s2] =	stream.linear.scatter [tilespmem:s14], [sflag:$0x3], $0x4000, $0x38;
	[tilespmem:$0x9000] =	vst v63  }
0x1a: {  	_ =	swait.ge [sflag:s17], $0x4000  }
0x1b: {  	[sflag:s17] =	ssyncset.done $0x0  }
0x1c: {  	[sflag:s17] =	ssyncadd.s32 $0xFFFFC000  }
0x1d: {  	[tilespmem:s14], [sflag:$0x1] =	stream.indirect.gather [hbm4b:s3+s13], $0x80, s18, s13, $0xb8;
	[tilespmem:$0x9000] =	vst v63  }
0x1e: {  	_ =	swait.ge [sflag:s19], $0x4000  }
0x1f: {  	[sflag:s19] =	ssyncset.done $0x0  }
0x20: {  	[sflag:s19] =	ssyncadd.s32 $0xFFFFC000  }
0x21: {  	[hbm4b:s9+s2] =	stream.linear.scatter [tilespmem:s15], [sflag:$0x4], $0x4000, $0x38;
	[tilespmem:$0x9000] =	vst v63  }
0x22: {  	_ =	swait.ge [sflag:s20], $0x4000  }
0x23: {  	[sflag:s20] =	ssyncset.done $0x0  }
0x24: {  	s22 =	simm.s32 $0x180;
	[sflag:s20] =	ssyncadd.s32 $0xFFFFC000  }
0x25: {  	[tilespmem:s15], [sflag:$0x2] =	stream.indirect.gather [hbm4b:s3+s13], $0x80, s22, s13, $0xb8;
	[tilespmem:$0x9000] =	vst v63  }
0x26: {  	_ =	swait.ge [sflag:s16], $0x4000  }
0x27: {  	s30 =	sshrl.u32 s10, $0x3;
	[sflag:s16] =	ssyncset.done $0x0  }
0x28: {  	s22 =	sadd.s32 s4, s30;
	[sflag:s16] =	ssyncadd.s32 $0xFFFFC000  }
0x29: {  	[hbm4b:s22+s2] =	stream.linear.scatter [tilespmem:s14], [sflag:$0x3], $0x4000, $0x38;
	[tilespmem:$0x9000] =	vst v63  }
0x2a: {  	_ =	swait.ge [sflag:s17], $0x4000  }
0x2b: {  	[sflag:s17] =	ssyncset.done $0x0  }
0x2c: {  	s31 =	simm.s32 $0x200;
	[sflag:s17] =	ssyncadd.s32 $0xFFFFC000  }
0x2d: {  	[tilespmem:s14], [sflag:$0x1] =	stream.indirect.gather [hbm4b:s3+s13], $0x80, s31, s13, $0xb8;
	[tilespmem:$0x9000] =	vst v63  }
0x2e: {  	_ =	swait.ge [sflag:s19], $0x4000  }
0x2f: {  	s23 =	simm.s32 $0x280;
	s25 =	sadd.s32 $0x0, s11;
	[sflag:s19] =	ssyncset.done $0x0  }
0x30: {  	s24 =	sadd.s32 $0x8000, s10;
	s22 =	simm.s32 $0x1000;
	[sflag:s19] =	ssyncadd.s32 $0xFFFFC000  }
.LBB2_2:
0x31: {  	[hbm4b:s25+s2] =	stream.linear.scatter [tilespmem:s15], [sflag:$0x4], $0x4000, $0x38;
	[tilespmem:$0x9000] =	vst v63  }
0x32: {  	s25 =	smov.u32 s22  }
0x33: {  	p0 =	sne.s32 s22, $0xA000;
	s22 =	sadd.s32 $0x1000, s22;
	_ =	swait.ge [sflag:s20], $0x4000  }
0x34: {  	[sflag:s20] =	ssyncset.done $0x0  }
0x35: {  	[sflag:s20] =	ssyncadd.s32 $0xFFFFC000  }
0x36: {  	[tilespmem:s15], [sflag:$0x2] =	stream.indirect.gather [hbm4b:s3+s13], $0x80, s23, s13, $0xb8;
	[tilespmem:$0x9000] =	vst v63  }
0x37: {  	_ =	swait.ge [sflag:s16], $0x4000  }
0x38: {  	s26 =	sshrl.u32 s24, $0x3;
	[sflag:s16] =	ssyncset.done $0x0  }
0x39: {  	s26 =	sadd.s32 s4, s26;
	[sflag:s16] =	ssyncadd.s32 $0xFFFFC000  }
0x3a: {  	[hbm4b:s26+s2] =	stream.linear.scatter [tilespmem:s14], [sflag:$0x3], $0x4000, $0x38;
	[tilespmem:$0x9000] =	vst v63  }
0x3b: {  	_ =	swait.ge [sflag:s17], $0x4000  }
0x3c: {  	[sflag:s17] =	ssyncset.done $0x0  }
.Ltmp0:
0x3d: {  	s26 =	sadd.s32 $0x80, s23;
	[sflag:s17] =	ssyncadd.s32 $0xFFFFC000;
	(pc) =	sbr.rel @p0 .LBB2_2-.Ltmp0, $4  }
0x3e: {  	[tilespmem:s14], [sflag:$0x1] =	stream.indirect.gather [hbm4b:s3+s13], $0x80, s26, s13, $0xb8;
	[tilespmem:$0x9000] =	vst v63  }
0x3f: {  	_ =	swait.ge [sflag:s19], $0x4000  }
0x40: {  	s23 =	sadd.s32 $0x100, s23;
	[sflag:s19] =	ssyncset.done $0x0  }
0x41: {  	s24 =	sadd.s32 $0x8000, s24;
	s25 =	sadd.s32 s25, s11;
	[sflag:s19] =	ssyncadd.s32 $0xFFFFC000  }
0x42: {  	[hbm4b:s25+s2] =	stream.linear.scatter [tilespmem:s15], [sflag:$0x4], $0x4000, $0x38;
	[tilespmem:$0x9000] =	vst v63  }
0x43: {  	_ =	swait.ge [sflag:s16], $0x4000  }
0x44: {  	[sflag:s16] =	ssyncset.done $0x0  }
0x45: {  	s21 =	sadd.s32 $0x1, s21;
	[sflag:s16] =	ssyncadd.s32 $0xFFFFC000  }
0x46: {  	[hbm4b:s7+s2] =	stream.linear.scatter [tilespmem:s14], [sflag:$0x3], $0x4000, $0x38;
	[tilespmem:$0x9000] =	vst v63  }
0x47: {  	p0 =	sne.s32 s21, s8;
	_ =	swait.ge [sflag:s20], $0x4000  }
.Ltmp1:
0x48: {  	[sflag:s20] =	ssyncset.done $0x0;
	(pc) =	sbr.rel @p0 .LBB2_1-.Ltmp1, $4  }
0x49: {  	[sflag:s20] =	ssyncadd.s32 $0xFFFFC000  }
0x4a: {  	_ =	swait.ge [sflag:s17], $0x4000  }
0x4b: {  	[sflag:s17] =	ssyncset.done $0x0  }
0x4c: {  	[sflag:s17] =	ssyncadd.s32 $0xFFFFC000  }
0x4d: {  	_ =	sfence.sel $0x180000  }
0x4e: {  	[bflag:$0x0] =	sbarrier.arrive $0xFFFF  }
0x4f: {  	p0 =	sne.s32 s0, $0x0;
	_ =	strace $0x90000050  }
0x50: {  	s0 =	sadd.s32 @!p0 $0x100000, s1;
	[bflag:$0x2] =	sbarrier.arrive $0xFFFF  }
0x51: {  	[sflag:s0] =	ssyncadd.tile.s32 @!p0 $0x1;
	_ =	shalt  }
.Lfunc_end2:
_tile_overlayer_lowered:
.L_overlay_start_2:
0x52: {  	(tag) =	ssettag $0x2  }
0x53: {  	s0 =	rddreg [dreg:$0x0];
	s2 =	stileid.u32  }
0x54: {  	s1 =	rddreg [dreg:$0x1];
	p0 =	sne.s32 s2, $0x0  }
0x55: {  	s3 =	rddreg [dreg:$0x2];
	[bflag:$0x3] =	sbarrier.arrive $0xFFFF;
	s2 =	simm.s32 @!p0 $0x1C05  }
0x56: {  	[timem:s3], [sflag:s2] =	dma.local @!p0 [hbm:s0], s1  }
0x57: {  	s0 =	simm.s32 @!p0 $0x5  }
0x58: {  	_ =	swait.ge @!p0 [sflag:s0], s1  }
0x59: {  	s1 =	ssub.s32 @!p0 $0x0, s1;
	[sflag:s0] =	ssyncset.done @!p0 $0x0  }
0x5a: {  	[sflag:s0] =	ssyncadd.s32 @!p0 s1  }
0x5b: {  	[bflag:$0x3] =	sbarrier.arrive $0xFFFF  }
0x5c: {  	_ =	shalt  }

</sc_bundles>
